<compile_context>
chip_gen: v7x
topology: tpu7x:2x2x1
jax: 0.10.2.dev20260603
libtpu: 0.0.44.dev20260713+nightly
codegen_flags: <defaults>
</compile_context>

<pallas_src>
import functools

import numpy as np
import jax
import jax.numpy as jnp
from jax import lax
from jax.experimental import pallas as pl
from jax.experimental.pallas import tpu as pltpu
from jax.experimental.pallas import tpu_sc as plsc

N_NODES = 10000
N_EDGES = 160000
D = 256
DH = 128
DP = DH // 2
NC = 2
NS = 16
L = 16
ALPHA = 0.1

K = 80
K2 = K // 2
EDGES_PER_TILE = N_EDGES // NS
HALF_PER_TILE = EDGES_PER_TILE // 2
BLOCKS = EDGES_PER_TILE // K
ROWS_A = 624
ROWS_B = N_NODES - 15 * ROWS_A

_PERM_LO = np.concatenate([np.arange(32 * j, 32 * j + 16) for j in range(4)])
_PERM_HI = _PERM_LO + 16
_ROWS_LO = np.concatenate([c * DH + _PERM_LO for c in range(NC)])
_ROWS_HI = np.concatenate([c * DH + _PERM_HI for c in range(NC)])


def _select_row(b2d, c):
    mask = lax.broadcasted_iota(jnp.int32, b2d.shape, 0) == c
    return jnp.sum(jnp.where(mask, b2d, 0.0), axis=0, keepdims=True)


def _h_body(node_ref, w_ref, b_ref, out_ref):
    bias = _select_row(b_ref[...], pl.program_id(0))
    out_ref[0] = lax.dot_general(
        node_ref[...], w_ref[...], (((1,), (1,)), ((), ())),
        preferred_element_type=jnp.float32) + bias


def _pack16(y_lo, y_hi):
    u_lo = lax.bitcast_convert_type(y_lo.astype(jnp.bfloat16),
                                    jnp.uint16).astype(jnp.uint32)
    u_hi = lax.bitcast_convert_type(y_hi.astype(jnp.bfloat16),
                                    jnp.uint16).astype(jnp.uint32)
    return lax.bitcast_convert_type(u_lo | (u_hi << 16), jnp.int32)


def _f_body(xe_ref, xo_ref, wl_ref, wh_ref, bl_ref, bh_ref, out_ref):
    c = pl.program_id(0)
    bias_l = _select_row(bl_ref[...], c)
    bias_h = _select_row(bh_ref[...], c)

    def halfdot(x, w_ref, bias):
        return lax.dot_general(
            x, w_ref[...], (((1,), (1,)), ((), ())),
            preferred_element_type=jnp.float32) + bias

    xe, xo = xe_ref[...], xo_ref[...]
    pe = _pack16(halfdot(xe, wl_ref, bias_l), halfdot(xe, wh_ref, bias_h))
    po = _pack16(halfdot(xo, wl_ref, bias_l), halfdot(xo, wh_ref, bias_h))
    out_ref[...] = jnp.concatenate([pe, po], axis=1)


def _fin_body(node_ref, agg_ref, out_ref):
    out_ref[...] = node_ref[...] + ALPHA * jnp.maximum(agg_ref[0], 0.0)


_SC_MESH = plsc.VectorSubcoreMesh(core_axis_name="c", subcore_axis_name="s")


@functools.partial(
    pl.kernel,
    out_type=jax.ShapeDtypeStruct((NC, N_NODES, DH), jnp.float32),
    mesh=_SC_MESH,
    scratch_types=[
        pltpu.VMEM((HALF_PER_TILE,), jnp.int32),
        pltpu.VMEM((HALF_PER_TILE,), jnp.int32),
        pltpu.VMEM((2, K), jnp.int32),
        pltpu.VMEM((2, K, DH), jnp.float32),
        pltpu.VMEM((K2, 2 * DP), jnp.int32),
        pltpu.VMEM((K, DH), jnp.float32),
        pltpu.VMEM_SHARED((N_NODES, DH), jnp.float32),
        pltpu.SemaphoreType.DMA,
        pltpu.SemaphoreType.DMA,
        pltpu.SemaphoreType.DMA,
        pltpu.SemaphoreType.DMA,
        pltpu.SemaphoreType.DMA,
        pltpu.SemaphoreType.DMA,
        pltpu.SemaphoreType.DMA,
    ],
)
def _sc_edge_aggregate(ei_hbm, h2_hbm, f2_hbm, agg2_hbm,
                       srcl_v, srch_v, dst_v, h_v, f_v, m_v, agg_sh,
                       sbk, si0, si1, sg0, sg1, sfp, ssc):
    cid = lax.axis_index("c")
    sid = lax.axis_index("s")
    sis, sgs = (si0, si1), (sg0, sg1)

    pltpu.async_copy(
        ei_hbm.at[pl.ds(sid * HALF_PER_TILE, HALF_PER_TILE)], srcl_v, sbk)
    pltpu.async_copy(
        ei_hbm.at[pl.ds((NS + sid) * HALF_PER_TILE, HALF_PER_TILE)],
        srch_v, sbk)

    zero = jnp.zeros((L,), jnp.float32)

    def zrow(r, _):
        for j in range(DH // L):
            m_v[r, pl.ds(j * L, L)] = zero
        return 0

    lax.fori_loop(0, K, zrow, 0)
    row0 = sid * ROWS_A

    def _zfill(nrows):
        nfull, rem = nrows // K, nrows % K
        for i in range(nfull):
            pltpu.sync_copy(m_v, agg_sh.at[pl.ds(row0 + i * K, K)])
        if rem:
            pltpu.sync_copy(m_v.at[pl.ds(0, rem)],
                            agg_sh.at[pl.ds(row0 + nfull * K, rem)])

    @pl.when(sid < NS - 1)
    def _():
        _zfill(ROWS_A)

    @pl.when(sid == NS - 1)
    def _():
        _zfill(ROWS_B)

    for _ in range(2):
        pltpu.make_async_copy(
            ei_hbm.at[pl.ds(sid * HALF_PER_TILE, HALF_PER_TILE)],
            srcl_v, sbk).wait()
    plsc.subcore_barrier()

    htab = h2_hbm.at[cid]

    def gf_copies(g, p):
        return (
            pltpu.make_async_copy(
                htab.at[srcl_v.at[pl.ds(g * K2, K2)]],
                h_v.at[p, pl.ds(0, K2)], sgs[p]),
            pltpu.make_async_copy(
                htab.at[srch_v.at[pl.ds(g * K2, K2)]],
                h_v.at[p, pl.ds(K2, K2)], sgs[p]),
        )

    def f_copy(g):
        return pltpu.make_async_copy(
            f2_hbm.at[pl.ds(cid * (N_EDGES // 2)
                            + sid * HALF_PER_TILE + g * K2, K2)],
            f_v, sfp)

    dst0 = N_EDGES

    def dst_copies(g, p):
        return (
            pltpu.make_async_copy(
                ei_hbm.at[pl.ds(dst0 + sid * HALF_PER_TILE + g * K2, K2)],
                dst_v.at[p, pl.ds(0, K2)], sis[p]),
            pltpu.make_async_copy(
                ei_hbm.at[pl.ds(dst0 + (NS + sid) * HALF_PER_TILE + g * K2,
                                K2)],
                dst_v.at[p, pl.ds(K2, K2)], sis[p]),
        )

    for g0 in (0, 1):
        for c_ in gf_copies(g0, g0):
            c_.start()
        for c_ in dst_copies(g0, g0):
            c_.start()
    f_copy(0).start()

    himask = jnp.full((L,), -65536, jnp.int32)

    def outer(step, _):
        g0 = step * 2
        for p in range(2):
            g = g0 + p

            @pl.when(g < BLOCKS)
            def _():
                for c_ in gf_copies(g, p):
                    c_.wait()
                f_copy(g).wait()

                @pl.when(g >= 1)
                def _():
                    pltpu.make_async_copy(
                        m_v, agg_sh.at[dst_v.at[1 - p]], ssc).wait()

                def mrow(t, _):
                    for e_off, c0 in ((0, 0), (K2, DP)):
                        r = t + e_off
                        for j in range(DP // L):
                            fi = f_v[t, pl.ds(c0 + j * L, L)]
                            fa = lax.bitcast_convert_type(
                                lax.shift_left(fi, 16), jnp.float32)
                            fb = lax.bitcast_convert_type(
                                fi & himask, jnp.float32)
                            sl_a = pl.ds(2 * j * L, L)
                            sl_b = pl.ds((2 * j + 1) * L, L)
                            m_v[r, sl_a] = h_v[p, r, sl_a] * fa
                            m_v[r, sl_b] = h_v[p, r, sl_b] * fb
                    return 0

                lax.fori_loop(0, K2, mrow, 0)
                for c_ in dst_copies(g, p):
                    c_.wait()
                pltpu.make_async_copy(
                    m_v, agg_sh.at[dst_v.at[p]], ssc).start(add=True)

                @pl.when(g + 1 < BLOCKS)
                def _():
                    f_copy(g + 1).start()

                @pl.when(g + 2 < BLOCKS)
                def _():
                    for c_ in gf_copies(g + 2, p):
                        c_.start()
                    for c_ in dst_copies(g + 2, p):
                        c_.start()

        return 0

    lax.fori_loop(0, (BLOCKS + 1) // 2, outer, 0)
    pltpu.make_async_copy(
        m_v, agg_sh.at[dst_v.at[(BLOCKS - 1) % 2]], ssc).wait()
    plsc.subcore_barrier()

    @pl.when(sid < NS - 1)
    def _():
        pltpu.sync_copy(agg_sh.at[pl.ds(row0, ROWS_A)],
                        agg2_hbm.at[cid, pl.ds(row0, ROWS_A)])

    @pl.when(sid == NS - 1)
    def _():
        pltpu.sync_copy(agg_sh.at[pl.ds(row0, ROWS_B)],
                        agg2_hbm.at[cid, pl.ds(row0, ROWS_B)])


def kernel(node_feats, edge_index, edge_feats, W, b, We, be):
    ei = edge_index.astype(jnp.int32).reshape(-1)
    b2 = b.reshape(NC, DH)

    nb_h = 2
    bh = N_NODES // nb_h
    h2 = pl.pallas_call(
        _h_body,
        grid=(NC, nb_h),
        in_specs=[
            pl.BlockSpec((bh, D), lambda c, i: (i, 0)),
            pl.BlockSpec((DH, D), lambda c, i: (c, 0)),
            pl.BlockSpec((NC, DH), lambda c, i: (0, 0)),
        ],
        out_specs=pl.BlockSpec((1, bh, DH), lambda c, i: (c, i, 0)),
        out_shape=jax.ShapeDtypeStruct((NC, N_NODES, DH), jnp.float32),
    )(node_feats, W, b2)

    w_lo = We[_ROWS_LO]
    w_hi = We[_ROWS_HI]
    b_lo = be[_ROWS_LO].reshape(NC, DP)
    b_hi = be[_ROWS_HI].reshape(NC, DP)
    nb_f = 10
    bf = (N_EDGES // 2) // nb_f
    f2 = pl.pallas_call(
        _f_body,
        grid=(NC, nb_f),
        in_specs=[
            pl.BlockSpec((bf, 16), lambda c, j: (j, 0)),
            pl.BlockSpec((bf, 16), lambda c, j, _n=nb_f: (_n + j, 0)),
            pl.BlockSpec((DP, 16), lambda c, j: (c, 0)),
            pl.BlockSpec((DP, 16), lambda c, j: (c, 0)),
            pl.BlockSpec((NC, DP), lambda c, j: (0, 0)),
            pl.BlockSpec((NC, DP), lambda c, j: (0, 0)),
        ],
        out_specs=pl.BlockSpec((bf, 2 * DP),
                               lambda c, j, _n=nb_f: (c * _n + j, 0)),
        out_shape=jax.ShapeDtypeStruct((NC * N_EDGES // 2, 2 * DP),
                                       jnp.int32),
    )(edge_feats, edge_feats, w_lo, w_hi, b_lo, b_hi)

    agg2 = _sc_edge_aggregate(ei, h2, f2)

    out = pl.pallas_call(
        _fin_body,
        grid=(NC, nb_h),
        in_specs=[
            pl.BlockSpec((bh, DH), lambda c, i: (i, c)),
            pl.BlockSpec((1, bh, DH), lambda c, i: (c, i, 0)),
        ],
        out_specs=pl.BlockSpec((bh, DH), lambda c, i: (i, c)),
        out_shape=jax.ShapeDtypeStruct((N_NODES, D), jnp.float32),
    )(node_feats, agg2)
    return out

# --- scband reference (transcript-rebuilt; emitter-appended) ---
"""Pipeline reference for scband-dist-gcn-layer-50027779064044 (READ-ONLY COPY).

The authoritative reference and input builder live on the scoring server;
editing this copy changes nothing except your own understanding.
"""

import jax, jax.numpy as jnp
import numpy as np

N_NODES = 10000
N_EDGES = 160000
D_FEAT = 256
D_EDGE = 16
ALPHA = 0.1


def setup_inputs(seed: int = 0) -> dict:
    key = jax.random.key(seed)
    k1, k2, k3, k4, k5, k6, k7 = jax.random.split(key, 7)
    node_feats = jax.random.normal(k1, (N_NODES, D_FEAT), dtype=jnp.float32)
    edge_index = jax.random.randint(k2, (2, N_EDGES), 0, N_NODES, dtype=jnp.int64)
    edge_feats = jax.random.normal(k3, (N_EDGES, D_EDGE), dtype=jnp.float32)
    # nn.Linear(in_feats, out_feats): W [out, in], b [out]
    W = jax.random.normal(k4, (D_FEAT, D_FEAT), dtype=jnp.float32) * (1.0 / np.sqrt(D_FEAT))
    b = jax.random.normal(k5, (D_FEAT,), dtype=jnp.float32) * 0.01
    # nn.Linear(edge_feats, out_feats): We [out, d_edge], be [out]
    We = jax.random.normal(k6, (D_FEAT, D_EDGE), dtype=jnp.float32) * (1.0 / np.sqrt(D_EDGE))
    be = jax.random.normal(k7, (D_FEAT,), dtype=jnp.float32) * 0.01
    return {"node_feats": node_feats, "edge_index": edge_index, "edge_feats": edge_feats,
            "W": W, "b": b, "We": We, "be": be}


def reference(node_feats, edge_index, edge_feats, W, b, We, be):
    # h = self.linear(node_feats)
    h = node_feats @ W.T + b
    # f = self.edge_linear(edge_feats)
    f = edge_feats @ We.T + be
    src = edge_index[0]
    dst = edge_index[1]
    # u_mul_e: message on each edge = h[src] * f
    m = jnp.take(h, src, axis=0) * f
    # sum aggregation to destination nodes
    agg = jax.ops.segment_sum(m, dst, num_segments=node_feats.shape[0])
    # activation + residual
    h_out = jax.nn.relu(agg)
    return node_feats + ALPHA * h_out

if __name__ == "__main__":
    import jax
    _d = setup_inputs()
    print(jax.jit(kernel)(*tuple(_d.values())))

</pallas_src>

<mosaic_0001>
#map = affine_map<(d0, d1) -> (0)>
#map1 = affine_map<(d0, d1) -> (0, 0, 0)>
#map2 = affine_map<(d0, d1) -> (0, 0)>
module attributes {stable_mosaic.version = 14 : i64} {
  func.func @_sc_edge_aggregate(%arg0: i32, %arg1: i32, %arg2: memref<320000xi32, #tpu.memory_space<hbm>>, %arg3: memref<2x10000x128xf32, #tpu.memory_space<hbm>>, %arg4: memref<160000x128xi32, #tpu.memory_space<hbm>>, %arg5: memref<2x10000x128xf32, #tpu.memory_space<hbm>>, %arg6: memref<5000xi32, #tpu.memory_space<vmem>>, %arg7: memref<5000xi32, #tpu.memory_space<vmem>>, %arg8: memref<2x80xi32, #tpu.memory_space<vmem>>, %arg9: memref<2x80x128xf32, #tpu.memory_space<vmem>>, %arg10: memref<40x128xi32, #tpu.memory_space<vmem>>, %arg11: memref<80x128xf32, #tpu.memory_space<vmem>>, %arg12: memref<10000x128xf32, #tpu.memory_space<vmem_shared>>, %arg13: memref<!tpu.dma_semaphore, #tpu.memory_space<semaphore_mem>>, %arg14: memref<!tpu.dma_semaphore, #tpu.memory_space<semaphore_mem>>, %arg15: memref<!tpu.dma_semaphore, #tpu.memory_space<semaphore_mem>>, %arg16: memref<!tpu.dma_semaphore, #tpu.memory_space<semaphore_mem>>, %arg17: memref<!tpu.dma_semaphore, #tpu.memory_space<semaphore_mem>>, %arg18: memref<!tpu.dma_semaphore, #tpu.memory_space<semaphore_mem>>, %arg19: memref<!tpu.dma_semaphore, #tpu.memory_space<semaphore_mem>>) attributes {dimension_semantics = [#tpu.dimension_semantics<core_parallel>, #tpu.dimension_semantics<subcore_parallel>], iteration_bounds = array<i64: 2, 16>, scalar_prefetch = 0 : i64, scratch_operands = 14 : i64, tpu.core_type = #tpu.core_type<sc_vector_subcore>, window_params = [{transform_indices = #map}, {transform_indices = #map1}, {transform_indices = #map2}, {transform_indices = #map1}]} {
    %mul3A = arith.constant 5000 : i32
    %mul3A_0 = arith.muli %arg1, %mul3A : i32
    %dma_start3A = tpu.memref_slice %arg2[%mul3A_0] : memref<320000xi32, #tpu.memory_space<hbm>> -> memref<5000xi32, #tpu.memory_space<hbm>>
    %dma_start3A_1 = tpu.memref_slice %arg2[%mul3A_0] : memref<320000xi32, #tpu.memory_space<hbm>> -> memref<5000xi32, #tpu.memory_space<hbm>>
    tpu.enqueue_dma source(%dma_start3A_1 : memref<5000xi32, #tpu.memory_space<hbm>>) target(%arg6 : memref<5000xi32, #tpu.memory_space<vmem>>) target_semaphore(%arg13 : memref<!tpu.dma_semaphore, #tpu.memory_space<semaphore_mem>>)
    %add3A = arith.constant 16 : i32
    %add3A_2 = arith.addi %add3A, %arg1 : i32
    %mul3A_3 = arith.constant 5000 : i32
    %mul3A_4 = arith.muli %add3A_2, %mul3A_3 : i32
    %dma_start3A_5 = tpu.memref_slice %arg2[%mul3A_4] : memref<320000xi32, #tpu.memory_space<hbm>> -> memref<5000xi32, #tpu.memory_space<hbm>>
    %dma_start3A_6 = tpu.memref_slice %arg2[%mul3A_4] : memref<320000xi32, #tpu.memory_space<hbm>> -> memref<5000xi32, #tpu.memory_space<hbm>>
    tpu.enqueue_dma source(%dma_start3A_6 : memref<5000xi32, #tpu.memory_space<hbm>>) target(%arg7 : memref<5000xi32, #tpu.memory_space<vmem>>) target_semaphore(%arg13 : memref<!tpu.dma_semaphore, #tpu.memory_space<semaphore_mem>>)
    %broadcast_in_dim3A = arith.constant 0.000000e+00 : f32
    %broadcast_in_dim3A_7 = vector.broadcast %broadcast_in_dim3A : f32 to vector<16xf32>
    %scan3A = arith.constant 0 : i32
    %scan3A_8 = arith.constant 0 : i32
    %scan3A_9 = arith.constant 80 : i32
    %scan3A_10 = arith.addi %scan3A_8, %scan3A_9 : i32
    %scan3A_11 = arith.constant 1 : i32
    %scan3A_12 = scf.for %scan3A_187 = %scan3A_8 to %scan3A_10 step %scan3A_11 iter_args(%scan3A_188 = %scan3A) -> (i32)  : i32 {
      %swap3A = arith.index_cast %scan3A_187 : i32 to index
      %swap3A_189 = arith.constant 0 : index
      %swap3A_190 = tpu.vector_load %arg11[%swap3A, %swap3A_189] {strides = array<i32>} : memref<80x128xf32, #tpu.memory_space<vmem>>, vector<1x16xf32>,
      %swap3A_191 = vector.shape_cast %swap3A_190 : vector<1x16xf32> to vector<16xf32>
      %swap3A_192 = vector.shape_cast %broadcast_in_dim3A_7 : vector<16xf32> to vector<1x16xf32>
      tpu.vector_store %arg11[%swap3A, %swap3A_189], %swap3A_192 {strides = array<i32>} : memref<80x128xf32, #tpu.memory_space<vmem>>, vector<1x16xf32>,
      %swap3A_193 = arith.index_cast %scan3A_187 : i32 to index
      %swap3A_194 = arith.constant 16 : index
      %swap3A_195 = tpu.vector_load %arg11[%swap3A_193, %swap3A_194] {strides = array<i32>} : memref<80x128xf32, #tpu.memory_space<vmem>>, vector<1x16xf32>,
      %swap3A_196 = vector.shape_cast %swap3A_195 : vector<1x16xf32> to vector<16xf32>
      %swap3A_197 = vector.shape_cast %broadcast_in_dim3A_7 : vector<16xf32> to vector<1x16xf32>
      tpu.vector_store %arg11[%swap3A_193, %swap3A_194], %swap3A_197 {strides = array<i32>} : memref<80x128xf32, #tpu.memory_space<vmem>>, vector<1x16xf32>,
      %swap3A_198 = arith.index_cast %scan3A_187 : i32 to index
      %swap3A_199 = arith.constant 32 : index
      %swap3A_200 = tpu.vector_load %arg11[%swap3A_198, %swap3A_199] {strides = array<i32>} : memref<80x128xf32, #tpu.memory_space<vmem>>, vector<1x16xf32>,
      %swap3A_201 = vector.shape_cast %swap3A_200 : vector<1x16xf32> to vector<16xf32>
      %swap3A_202 = vector.shape_cast %broadcast_in_dim3A_7 : vector<16xf32> to vector<1x16xf32>
      tpu.vector_store %arg11[%swap3A_198, %swap3A_199], %swap3A_202 {strides = array<i32>} : memref<80x128xf32, #tpu.memory_space<vmem>>, vector<1x16xf32>,
      %swap3A_203 = arith.index_cast %scan3A_187 : i32 to index
      %swap3A_204 = arith.constant 48 : index
      %swap3A_205 = tpu.vector_load %arg11[%swap3A_203, %swap3A_204] {strides = array<i32>} : memref<80x128xf32, #tpu.memory_space<vmem>>, vector<1x16xf32>,
      %swap3A_206 = vector.shape_cast %swap3A_205 : vector<1x16xf32> to vector<16xf32>
      %swap3A_207 = vector.shape_cast %broadcast_in_dim3A_7 : vector<16xf32> to vector<1x16xf32>
      tpu.vector_store %arg11[%swap3A_203, %swap3A_204], %swap3A_207 {strides = array<i32>} : memref<80x128xf32, #tpu.memory_space<vmem>>, vector<1x16xf32>,
      %swap3A_208 = arith.index_cast %scan3A_187 : i32 to index
      %swap3A_209 = arith.constant 64 : index
      %swap3A_210 = tpu.vector_load %arg11[%swap3A_208, %swap3A_209] {strides = array<i32>} : memref<80x128xf32, #tpu.memory_space<vmem>>, vector<1x16xf32>,
      %swap3A_211 = vector.shape_cast %swap3A_210 : vector<1x16xf32> to vector<16xf32>
      %swap3A_212 = vector.shape_cast %broadcast_in_dim3A_7 : vector<16xf32> to vector<1x16xf32>
      tpu.vector_store %arg11[%swap3A_208, %swap3A_209], %swap3A_212 {strides = array<i32>} : memref<80x128xf32, #tpu.memory_space<vmem>>, vector<1x16xf32>,
      %swap3A_213 = arith.index_cast %scan3A_187 : i32 to index
      %swap3A_214 = arith.constant 80 : index
      %swap3A_215 = tpu.vector_load %arg11[%swap3A_213, %swap3A_214] {strides = array<i32>} : memref<80x128xf32, #tpu.memory_space<vmem>>, vector<1x16xf32>,
      %swap3A_216 = vector.shape_cast %swap3A_215 : vector<1x16xf32> to vector<16xf32>
      %swap3A_217 = vector.shape_cast %broadcast_in_dim3A_7 : vector<16xf32> to vector<1x16xf32>
      tpu.vector_store %arg11[%swap3A_213, %swap3A_214], %swap3A_217 {strides = array<i32>} : memref<80x128xf32, #tpu.memory_space<vmem>>, vector<1x16xf32>,
      %swap3A_218 = arith.index_cast %scan3A_187 : i32 to index
      %swap3A_219 = arith.constant 96 : index
      %swap3A_220 = tpu.vector_load %arg11[%swap3A_218, %swap3A_219] {strides = array<i32>} : memref<80x128xf32, #tpu.memory_space<vmem>>, vector<1x16xf32>,
      %swap3A_221 = vector.shape_cast %swap3A_220 : vector<1x16xf32> to vector<16xf32>
      %swap3A_222 = vector.shape_cast %broadcast_in_dim3A_7 : vector<16xf32> to vector<1x16xf32>
      tpu.vector_store %arg11[%swap3A_218, %swap3A_219], %swap3A_222 {strides = array<i32>} : memref<80x128xf32, #tpu.memory_space<vmem>>, vector<1x16xf32>,
      %swap3A_223 = arith.index_cast %scan3A_187 : i32 to index
      %swap3A_224 = arith.constant 112 : index
      %swap3A_225 = tpu.vector_load %arg11[%swap3A_223, %swap3A_224] {strides = array<i32>} : memref<80x128xf32, #tpu.memory_space<vmem>>, vector<1x16xf32>,
      %swap3A_226 = vector.shape_cast %swap3A_225 : vector<1x16xf32> to vector<16xf32>
      %swap3A_227 = vector.shape_cast %broadcast_in_dim3A_7 : vector<16xf32> to vector<1x16xf32>
      tpu.vector_store %arg11[%swap3A_223, %swap3A_224], %swap3A_227 {strides = array<i32>} : memref<80x128xf32, #tpu.memory_space<vmem>>, vector<1x16xf32>,
      %scan3A_228 = arith.constant 0 : i32
      scf.yield %scan3A_228 : i32
    }
    %scan3A_13 = arith.constant 80 : i32
    %mul3A_14 = arith.constant 624 : i32
    %mul3A_15 = arith.muli %arg1, %mul3A_14 : i32
    %lt3A = arith.constant 15 : i32
    %lt3A_16 = arith.cmpi slt, %arg1, %lt3A : i32
    %convert_element_type3A = arith.extui %lt3A_16 : i1 to i32
    %cond3A = arith.constant 0 : i32
    %cond3A_17 = arith.cmpi ne, %convert_element_type3A, %cond3A : i32
    scf.if %cond3A_17 {
      %add3A_187 = arith.constant 0 : i32
      %add3A_188 = arith.addi %mul3A_15, %add3A_187 : i32
      "tpu.region"() ({
        %run_scoped3A = tpu.sem_alloc : memref<!tpu.dma_semaphore, #tpu.memory_space<semaphore_mem>>
        %dma_start3A_203 = arith.constant 0 : i32
        %dma_start3A_204 = tpu.memref_slice %arg12[%add3A_188, %dma_start3A_203] : memref<10000x128xf32, #tpu.memory_space<vmem_shared>> -> memref<80x128xf32, #tpu.memory_space<vmem_shared>>
        %dma_start3A_205 = arith.constant 0 : i32
        %dma_start3A_206 = tpu.memref_slice %arg12[%add3A_188, %dma_start3A_205] : memref<10000x128xf32, #tpu.memory_space<vmem_shared>> -> memref<80x128xf32, #tpu.memory_space<vmem_shared>>
        tpu.enqueue_dma source(%arg11 : memref<80x128xf32, #tpu.memory_space<vmem>>) target(%dma_start3A_206 : memref<80x128xf32, #tpu.memory_space<vmem_shared>>) target_semaphore(%run_scoped3A : memref<!tpu.dma_semaphore, #tpu.memory_space<semaphore_mem>>)
        %dma_wait3A_207 = arith.constant 0 : i32
        %dma_wait3A_208 = tpu.memref_slice %arg12[%add3A_188, %dma_wait3A_207] : memref<10000x128xf32, #tpu.memory_space<vmem_shared>> -> memref<80x128xf32, #tpu.memory_space<vmem_shared>>
        %dma_wait3A_209 = arith.constant 0 : i32
        %dma_wait3A_210 = tpu.memref_slice %arg12[%add3A_188, %dma_wait3A_209] : memref<10000x128xf32, #tpu.memory_space<vmem_shared>> -> memref<80x128xf32, #tpu.memory_space<vmem_shared>>
        tpu.wait_dma2 semaphore(%run_scoped3A : memref<!tpu.dma_semaphore, #tpu.memory_space<semaphore_mem>>) src(%arg11 : memref<80x128xf32, #tpu.memory_space<vmem>>) dst(%dma_wait3A_210 : memref<80x128xf32, #tpu.memory_space<vmem_shared>>)
        tpu.yield
      }) : () -> ()
      %add3A_189 = arith.constant 80 : i32
      %add3A_190 = arith.addi %mul3A_15, %add3A_189 : i32
      "tpu.region"() ({
        %run_scoped3A = tpu.sem_alloc : memref<!tpu.dma_semaphore, #tpu.memory_space<semaphore_mem>>
        %dma_start3A_203 = arith.constant 0 : i32
        %dma_start3A_204 = tpu.memref_slice %arg12[%add3A_190, %dma_start3A_203] : memref<10000x128xf32, #tpu.memory_space<vmem_shared>> -> memref<80x128xf32, #tpu.memory_space<vmem_shared>>
        %dma_start3A_205 = arith.constant 0 : i32
        %dma_start3A_206 = tpu.memref_slice %arg12[%add3A_190, %dma_start3A_205] : memref<10000x128xf32, #tpu.memory_space<vmem_shared>> -> memref<80x128xf32, #tpu.memory_space<vmem_shared>>
        tpu.enqueue_dma source(%arg11 : memref<80x128xf32, #tpu.memory_space<vmem>>) target(%dma_start3A_206 : memref<80x128xf32, #tpu.memory_space<vmem_shared>>) target_semaphore(%run_scoped3A : memref<!tpu.dma_semaphore, #tpu.memory_space<semaphore_mem>>)
        %dma_wait3A_207 = arith.constant 0 : i32
        %dma_wait3A_208 = tpu.memref_slice %arg12[%add3A_190, %dma_wait3A_207] : memref<10000x128xf32, #tpu.memory_space<vmem_shared>> -> memref<80x128xf32, #tpu.memory_space<vmem_shared>>
        %dma_wait3A_209 = arith.constant 0 : i32
        %dma_wait3A_210 = tpu.memref_slice %arg12[%add3A_190, %dma_wait3A_209] : memref<10000x128xf32, #tpu.memory_space<vmem_shared>> -> memref<80x128xf32, #tpu.memory_space<vmem_shared>>
        tpu.wait_dma2 semaphore(%run_scoped3A : memref<!tpu.dma_semaphore, #tpu.memory_space<semaphore_mem>>) src(%arg11 : memref<80x128xf32, #tpu.memory_space<vmem>>) dst(%dma_wait3A_210 : memref<80x128xf32, #tpu.memory_space<vmem_shared>>)
        tpu.yield
      }) : () -> ()
      %add3A_191 = arith.constant 160 : i32
      %add3A_192 = arith.addi %mul3A_15, %add3A_191 : i32
      "tpu.region"() ({
        %run_scoped3A = tpu.sem_alloc : memref<!tpu.dma_semaphore, #tpu.memory_space<semaphore_mem>>
        %dma_start3A_203 = arith.constant 0 : i32
        %dma_start3A_204 = tpu.memref_slice %arg12[%add3A_192, %dma_start3A_203] : memref<10000x128xf32, #tpu.memory_space<vmem_shared>> -> memref<80x128xf32, #tpu.memory_space<vmem_shared>>
        %dma_start3A_205 = arith.constant 0 : i32
        %dma_start3A_206 = tpu.memref_slice %arg12[%add3A_192, %dma_start3A_205] : memref<10000x128xf32, #tpu.memory_space<vmem_shared>> -> memref<80x128xf32, #tpu.memory_space<vmem_shared>>
        tpu.enqueue_dma source(%arg11 : memref<80x128xf32, #tpu.memory_space<vmem>>) target(%dma_start3A_206 : memref<80x128xf32, #tpu.memory_space<vmem_shared>>) target_semaphore(%run_scoped3A : memref<!tpu.dma_semaphore, #tpu.memory_space<semaphore_mem>>)
        %dma_wait3A_207 = arith.constant 0 : i32
        %dma_wait3A_208 = tpu.memref_slice %arg12[%add3A_192, %dma_wait3A_207] : memref<10000x128xf32, #tpu.memory_space<vmem_shared>> -> memref<80x128xf32, #tpu.memory_space<vmem_shared>>
        %dma_wait3A_209 = arith.constant 0 : i32
        %dma_wait3A_210 = tpu.memref_slice %arg12[%add3A_192, %dma_wait3A_209] : memref<10000x128xf32, #tpu.memory_space<vmem_shared>> -> memref<80x128xf32, #tpu.memory_space<vmem_shared>>
        tpu.wait_dma2 semaphore(%run_scoped3A : memref<!tpu.dma_semaphore, #tpu.memory_space<semaphore_mem>>) src(%arg11 : memref<80x128xf32, #tpu.memory_space<vmem>>) dst(%dma_wait3A_210 : memref<80x128xf32, #tpu.memory_space<vmem_shared>>)
        tpu.yield
      }) : () -> ()
      %add3A_193 = arith.constant 240 : i32
      %add3A_194 = arith.addi %mul3A_15, %add3A_193 : i32
      "tpu.region"() ({
        %run_scoped3A = tpu.sem_alloc : memref<!tpu.dma_semaphore, #tpu.memory_space<semaphore_mem>>
        %dma_start3A_203 = arith.constant 0 : i32
        %dma_start3A_204 = tpu.memref_slice %arg12[%add3A_194, %dma_start3A_203] : memref<10000x128xf32, #tpu.memory_space<vmem_shared>> -> memref<80x128xf32, #tpu.memory_space<vmem_shared>>
        %dma_start3A_205 = arith.constant 0 : i32
        %dma_start3A_206 = tpu.memref_slice %arg12[%add3A_194, %dma_start3A_205] : memref<10000x128xf32, #tpu.memory_space<vmem_shared>> -> memref<80x128xf32, #tpu.memory_space<vmem_shared>>
        tpu.enqueue_dma source(%arg11 : memref<80x128xf32, #tpu.memory_space<vmem>>) target(%dma_start3A_206 : memref<80x128xf32, #tpu.memory_space<vmem_shared>>) target_semaphore(%run_scoped3A : memref<!tpu.dma_semaphore, #tpu.memory_space<semaphore_mem>>)
        %dma_wait3A_207 = arith.constant 0 : i32
        %dma_wait3A_208 = tpu.memref_slice %arg12[%add3A_194, %dma_wait3A_207] : memref<10000x128xf32, #tpu.memory_space<vmem_shared>> -> memref<80x128xf32, #tpu.memory_space<vmem_shared>>
        %dma_wait3A_209 = arith.constant 0 : i32
        %dma_wait3A_210 = tpu.memref_slice %arg12[%add3A_194, %dma_wait3A_209] : memref<10000x128xf32, #tpu.memory_space<vmem_shared>> -> memref<80x128xf32, #tpu.memory_space<vmem_shared>>
        tpu.wait_dma2 semaphore(%run_scoped3A : memref<!tpu.dma_semaphore, #tpu.memory_space<semaphore_mem>>) src(%arg11 : memref<80x128xf32, #tpu.memory_space<vmem>>) dst(%dma_wait3A_210 : memref<80x128xf32, #tpu.memory_space<vmem_shared>>)
        tpu.yield
      }) : () -> ()
      %add3A_195 = arith.constant 320 : i32
      %add3A_196 = arith.addi %mul3A_15, %add3A_195 : i32
      "tpu.region"() ({
        %run_scoped3A = tpu.sem_alloc : memref<!tpu.dma_semaphore, #tpu.memory_space<semaphore_mem>>
        %dma_start3A_203 = arith.constant 0 : i32
        %dma_start3A_204 = tpu.memref_slice %arg12[%add3A_196, %dma_start3A_203] : memref<10000x128xf32, #tpu.memory_space<vmem_shared>> -> memref<80x128xf32, #tpu.memory_space<vmem_shared>>
        %dma_start3A_205 = arith.constant 0 : i32
        %dma_start3A_206 = tpu.memref_slice %arg12[%add3A_196, %dma_start3A_205] : memref<10000x128xf32, #tpu.memory_space<vmem_shared>> -> memref<80x128xf32, #tpu.memory_space<vmem_shared>>
        tpu.enqueue_dma source(%arg11 : memref<80x128xf32, #tpu.memory_space<vmem>>) target(%dma_start3A_206 : memref<80x128xf32, #tpu.memory_space<vmem_shared>>) target_semaphore(%run_scoped3A : memref<!tpu.dma_semaphore, #tpu.memory_space<semaphore_mem>>)
        %dma_wait3A_207 = arith.constant 0 : i32
        %dma_wait3A_208 = tpu.memref_slice %arg12[%add3A_196, %dma_wait3A_207] : memref<10000x128xf32, #tpu.memory_space<vmem_shared>> -> memref<80x128xf32, #tpu.memory_space<vmem_shared>>
        %dma_wait3A_209 = arith.constant 0 : i32
        %dma_wait3A_210 = tpu.memref_slice %arg12[%add3A_196, %dma_wait3A_209] : memref<10000x128xf32, #tpu.memory_space<vmem_shared>> -> memref<80x128xf32, #tpu.memory_space<vmem_shared>>
        tpu.wait_dma2 semaphore(%run_scoped3A : memref<!tpu.dma_semaphore, #tpu.memory_space<semaphore_mem>>) src(%arg11 : memref<80x128xf32, #tpu.memory_space<vmem>>) dst(%dma_wait3A_210 : memref<80x128xf32, #tpu.memory_space<vmem_shared>>)
        tpu.yield
      }) : () -> ()
      %add3A_197 = arith.constant 400 : i32
      %add3A_198 = arith.addi %mul3A_15, %add3A_197 : i32
      "tpu.region"() ({
        %run_scoped3A = tpu.sem_alloc : memref<!tpu.dma_semaphore, #tpu.memory_space<semaphore_mem>>
        %dma_start3A_203 = arith.constant 0 : i32
        %dma_start3A_204 = tpu.memref_slice %arg12[%add3A_198, %dma_start3A_203] : memref<10000x128xf32, #tpu.memory_space<vmem_shared>> -> memref<80x128xf32, #tpu.memory_space<vmem_shared>>
        %dma_start3A_205 = arith.constant 0 : i32
        %dma_start3A_206 = tpu.memref_slice %arg12[%add3A_198, %dma_start3A_205] : memref<10000x128xf32, #tpu.memory_space<vmem_shared>> -> memref<80x128xf32, #tpu.memory_space<vmem_shared>>
        tpu.enqueue_dma source(%arg11 : memref<80x128xf32, #tpu.memory_space<vmem>>) target(%dma_start3A_206 : memref<80x128xf32, #tpu.memory_space<vmem_shared>>) target_semaphore(%run_scoped3A : memref<!tpu.dma_semaphore, #tpu.memory_space<semaphore_mem>>)
        %dma_wait3A_207 = arith.constant 0 : i32
        %dma_wait3A_208 = tpu.memref_slice %arg12[%add3A_198, %dma_wait3A_207] : memref<10000x128xf32, #tpu.memory_space<vmem_shared>> -> memref<80x128xf32, #tpu.memory_space<vmem_shared>>
        %dma_wait3A_209 = arith.constant 0 : i32
        %dma_wait3A_210 = tpu.memref_slice %arg12[%add3A_198, %dma_wait3A_209] : memref<10000x128xf32, #tpu.memory_space<vmem_shared>> -> memref<80x128xf32, #tpu.memory_space<vmem_shared>>
        tpu.wait_dma2 semaphore(%run_scoped3A : memref<!tpu.dma_semaphore, #tpu.memory_space<semaphore_mem>>) src(%arg11 : memref<80x128xf32, #tpu.memory_space<vmem>>) dst(%dma_wait3A_210 : memref<80x128xf32, #tpu.memory_space<vmem_shared>>)
        tpu.yield
      }) : () -> ()
      %add3A_199 = arith.constant 480 : i32
      %add3A_200 = arith.addi %mul3A_15, %add3A_199 : i32
      "tpu.region"() ({
        %run_scoped3A = tpu.sem_alloc : memref<!tpu.dma_semaphore, #tpu.memory_space<semaphore_mem>>
        %dma_start3A_203 = arith.constant 0 : i32
        %dma_start3A_204 = tpu.memref_slice %arg12[%add3A_200, %dma_start3A_203] : memref<10000x128xf32, #tpu.memory_space<vmem_shared>> -> memref<80x128xf32, #tpu.memory_space<vmem_shared>>
        %dma_start3A_205 = arith.constant 0 : i32
        %dma_start3A_206 = tpu.memref_slice %arg12[%add3A_200, %dma_start3A_205] : memref<10000x128xf32, #tpu.memory_space<vmem_shared>> -> memref<80x128xf32, #tpu.memory_space<vmem_shared>>
        tpu.enqueue_dma source(%arg11 : memref<80x128xf32, #tpu.memory_space<vmem>>) target(%dma_start3A_206 : memref<80x128xf32, #tpu.memory_space<vmem_shared>>) target_semaphore(%run_scoped3A : memref<!tpu.dma_semaphore, #tpu.memory_space<semaphore_mem>>)
        %dma_wait3A_207 = arith.constant 0 : i32
        %dma_wait3A_208 = tpu.memref_slice %arg12[%add3A_200, %dma_wait3A_207] : memref<10000x128xf32, #tpu.memory_space<vmem_shared>> -> memref<80x128xf32, #tpu.memory_space<vmem_shared>>
        %dma_wait3A_209 = arith.constant 0 : i32
        %dma_wait3A_210 = tpu.memref_slice %arg12[%add3A_200, %dma_wait3A_209] : memref<10000x128xf32, #tpu.memory_space<vmem_shared>> -> memref<80x128xf32, #tpu.memory_space<vmem_shared>>
        tpu.wait_dma2 semaphore(%run_scoped3A : memref<!tpu.dma_semaphore, #tpu.memory_space<semaphore_mem>>) src(%arg11 : memref<80x128xf32, #tpu.memory_space<vmem>>) dst(%dma_wait3A_210 : memref<80x128xf32, #tpu.memory_space<vmem_shared>>)
        tpu.yield
      }) : () -> ()
      %add3A_201 = arith.constant 560 : i32
      %add3A_202 = arith.addi %mul3A_15, %add3A_201 : i32
      "tpu.region"() ({
        %run_scoped3A = tpu.sem_alloc : memref<!tpu.dma_semaphore, #tpu.memory_space<semaphore_mem>>
        %dma_start3A_203 = arith.constant 0 : i32
        %dma_start3A_204 = arith.constant 0 : i32
        %dma_start3A_205 = tpu.memref_slice %arg11[%dma_start3A_203, %dma_start3A_204] : memref<80x128xf32, #tpu.memory_space<vmem>> -> memref<64x128xf32, #tpu.memory_space<vmem>>
        %dma_start3A_206 = arith.constant 0 : i32
        %dma_start3A_207 = tpu.memref_slice %arg12[%add3A_202, %dma_start3A_206] : memref<10000x128xf32, #tpu.memory_space<vmem_shared>> -> memref<64x128xf32, #tpu.memory_space<vmem_shared>>
        %dma_start3A_208 = arith.constant 0 : i32
        %dma_start3A_209 = tpu.memref_slice %arg12[%add3A_202, %dma_start3A_208] : memref<10000x128xf32, #tpu.memory_space<vmem_shared>> -> memref<64x128xf32, #tpu.memory_space<vmem_shared>>
        %dma_start3A_210 = arith.constant 0 : i32
        %dma_start3A_211 = arith.constant 0 : i32
        %dma_start3A_212 = tpu.memref_slice %arg11[%dma_start3A_210, %dma_start3A_211] : memref<80x128xf32, #tpu.memory_space<vmem>> -> memref<64x128xf32, #tpu.memory_space<vmem>>
        tpu.enqueue_dma source(%dma_start3A_212 : memref<64x128xf32, #tpu.memory_space<vmem>>) target(%dma_start3A_209 : memref<64x128xf32, #tpu.memory_space<vmem_shared>>) target_semaphore(%run_scoped3A : memref<!tpu.dma_semaphore, #tpu.memory_space<semaphore_mem>>)
        %dma_wait3A_213 = arith.constant 0 : i32
        %dma_wait3A_214 = arith.constant 0 : i32
        %dma_wait3A_215 = tpu.memref_slice %arg11[%dma_wait3A_213, %dma_wait3A_214] : memref<80x128xf32, #tpu.memory_space<vmem>> -> memref<64x128xf32, #tpu.memory_space<vmem>>
        %dma_wait3A_216 = arith.constant 0 : i32
        %dma_wait3A_217 = tpu.memref_slice %arg12[%add3A_202, %dma_wait3A_216] : memref<10000x128xf32, #tpu.memory_space<vmem_shared>> -> memref<64x128xf32, #tpu.memory_space<vmem_shared>>
        %dma_wait3A_218 = arith.constant 0 : i32
        %dma_wait3A_219 = tpu.memref_slice %arg12[%add3A_202, %dma_wait3A_218] : memref<10000x128xf32, #tpu.memory_space<vmem_shared>> -> memref<64x128xf32, #tpu.memory_space<vmem_shared>>
        %dma_wait3A_220 = arith.constant 0 : i32
        %dma_wait3A_221 = arith.constant 0 : i32
        %dma_wait3A_222 = tpu.memref_slice %arg11[%dma_wait3A_220, %dma_wait3A_221] : memref<80x128xf32, #tpu.memory_space<vmem>> -> memref<64x128xf32, #tpu.memory_space<vmem>>
        tpu.wait_dma2 semaphore(%run_scoped3A : memref<!tpu.dma_semaphore, #tpu.memory_space<semaphore_mem>>) src(%dma_wait3A_222 : memref<64x128xf32, #tpu.memory_space<vmem>>) dst(%dma_wait3A_219 : memref<64x128xf32, #tpu.memory_space<vmem_shared>>)
        tpu.yield
      }) : () -> ()
    } else {
    }
    %eq3A = arith.constant 15 : i32
    %eq3A_18 = arith.cmpi eq, %arg1, %eq3A : i32
    %convert_element_type3A_19 = arith.extui %eq3A_18 : i1 to i32
    %cond3A_20 = arith.constant 0 : i32
    %cond3A_21 = arith.cmpi ne, %convert_element_type3A_19, %cond3A_20 : i32
    scf.if %cond3A_21 {
      %add3A_187 = arith.constant 0 : i32
      %add3A_188 = arith.addi %mul3A_15, %add3A_187 : i32
      "tpu.region"() ({
        %run_scoped3A = tpu.sem_alloc : memref<!tpu.dma_semaphore, #tpu.memory_space<semaphore_mem>>
        %dma_start3A_203 = arith.constant 0 : i32
        %dma_start3A_204 = tpu.memref_slice %arg12[%add3A_188, %dma_start3A_203] : memref<10000x128xf32, #tpu.memory_space<vmem_shared>> -> memref<80x128xf32, #tpu.memory_space<vmem_shared>>
        %dma_start3A_205 = arith.constant 0 : i32
        %dma_start3A_206 = tpu.memref_slice %arg12[%add3A_188, %dma_start3A_205] : memref<10000x128xf32, #tpu.memory_space<vmem_shared>> -> memref<80x128xf32, #tpu.memory_space<vmem_shared>>
        tpu.enqueue_dma source(%arg11 : memref<80x128xf32, #tpu.memory_space<vmem>>) target(%dma_start3A_206 : memref<80x128xf32, #tpu.memory_space<vmem_shared>>) target_semaphore(%run_scoped3A : memref<!tpu.dma_semaphore, #tpu.memory_space<semaphore_mem>>)
        %dma_wait3A_207 = arith.constant 0 : i32
        %dma_wait3A_208 = tpu.memref_slice %arg12[%add3A_188, %dma_wait3A_207] : memref<10000x128xf32, #tpu.memory_space<vmem_shared>> -> memref<80x128xf32, #tpu.memory_space<vmem_shared>>
        %dma_wait3A_209 = arith.constant 0 : i32
        %dma_wait3A_210 = tpu.memref_slice %arg12[%add3A_188, %dma_wait3A_209] : memref<10000x128xf32, #tpu.memory_space<vmem_shared>> -> memref<80x128xf32, #tpu.memory_space<vmem_shared>>
        tpu.wait_dma2 semaphore(%run_scoped3A : memref<!tpu.dma_semaphore, #tpu.memory_space<semaphore_mem>>) src(%arg11 : memref<80x128xf32, #tpu.memory_space<vmem>>) dst(%dma_wait3A_210 : memref<80x128xf32, #tpu.memory_space<vmem_shared>>)
        tpu.yield
      }) : () -> ()
      %add3A_189 = arith.constant 80 : i32
      %add3A_190 = arith.addi %mul3A_15, %add3A_189 : i32
      "tpu.region"() ({
        %run_scoped3A = tpu.sem_alloc : memref<!tpu.dma_semaphore, #tpu.memory_space<semaphore_mem>>
        %dma_start3A_203 = arith.constant 0 : i32
        %dma_start3A_204 = tpu.memref_slice %arg12[%add3A_190, %dma_start3A_203] : memref<10000x128xf32, #tpu.memory_space<vmem_shared>> -> memref<80x128xf32, #tpu.memory_space<vmem_shared>>
        %dma_start3A_205 = arith.constant 0 : i32
        %dma_start3A_206 = tpu.memref_slice %arg12[%add3A_190, %dma_start3A_205] : memref<10000x128xf32, #tpu.memory_space<vmem_shared>> -> memref<80x128xf32, #tpu.memory_space<vmem_shared>>
        tpu.enqueue_dma source(%arg11 : memref<80x128xf32, #tpu.memory_space<vmem>>) target(%dma_start3A_206 : memref<80x128xf32, #tpu.memory_space<vmem_shared>>) target_semaphore(%run_scoped3A : memref<!tpu.dma_semaphore, #tpu.memory_space<semaphore_mem>>)
        %dma_wait3A_207 = arith.constant 0 : i32
        %dma_wait3A_208 = tpu.memref_slice %arg12[%add3A_190, %dma_wait3A_207] : memref<10000x128xf32, #tpu.memory_space<vmem_shared>> -> memref<80x128xf32, #tpu.memory_space<vmem_shared>>
        %dma_wait3A_209 = arith.constant 0 : i32
        %dma_wait3A_210 = tpu.memref_slice %arg12[%add3A_190, %dma_wait3A_209] : memref<10000x128xf32, #tpu.memory_space<vmem_shared>> -> memref<80x128xf32, #tpu.memory_space<vmem_shared>>
        tpu.wait_dma2 semaphore(%run_scoped3A : memref<!tpu.dma_semaphore, #tpu.memory_space<semaphore_mem>>) src(%arg11 : memref<80x128xf32, #tpu.memory_space<vmem>>) dst(%dma_wait3A_210 : memref<80x128xf32, #tpu.memory_space<vmem_shared>>)
        tpu.yield
      }) : () -> ()
      %add3A_191 = arith.constant 160 : i32
      %add3A_192 = arith.addi %mul3A_15, %add3A_191 : i32
      "tpu.region"() ({
        %run_scoped3A = tpu.sem_alloc : memref<!tpu.dma_semaphore, #tpu.memory_space<semaphore_mem>>
        %dma_start3A_203 = arith.constant 0 : i32
        %dma_start3A_204 = tpu.memref_slice %arg12[%add3A_192, %dma_start3A_203] : memref<10000x128xf32, #tpu.memory_space<vmem_shared>> -> memref<80x128xf32, #tpu.memory_space<vmem_shared>>
        %dma_start3A_205 = arith.constant 0 : i32
        %dma_start3A_206 = tpu.memref_slice %arg12[%add3A_192, %dma_start3A_205] : memref<10000x128xf32, #tpu.memory_space<vmem_shared>> -> memref<80x128xf32, #tpu.memory_space<vmem_shared>>
        tpu.enqueue_dma source(%arg11 : memref<80x128xf32, #tpu.memory_space<vmem>>) target(%dma_start3A_206 : memref<80x128xf32, #tpu.memory_space<vmem_shared>>) target_semaphore(%run_scoped3A : memref<!tpu.dma_semaphore, #tpu.memory_space<semaphore_mem>>)
        %dma_wait3A_207 = arith.constant 0 : i32
        %dma_wait3A_208 = tpu.memref_slice %arg12[%add3A_192, %dma_wait3A_207] : memref<10000x128xf32, #tpu.memory_space<vmem_shared>> -> memref<80x128xf32, #tpu.memory_space<vmem_shared>>
        %dma_wait3A_209 = arith.constant 0 : i32
        %dma_wait3A_210 = tpu.memref_slice %arg12[%add3A_192, %dma_wait3A_209] : memref<10000x128xf32, #tpu.memory_space<vmem_shared>> -> memref<80x128xf32, #tpu.memory_space<vmem_shared>>
        tpu.wait_dma2 semaphore(%run_scoped3A : memref<!tpu.dma_semaphore, #tpu.memory_space<semaphore_mem>>) src(%arg11 : memref<80x128xf32, #tpu.memory_space<vmem>>) dst(%dma_wait3A_210 : memref<80x128xf32, #tpu.memory_space<vmem_shared>>)
        tpu.yield
      }) : () -> ()
      %add3A_193 = arith.constant 240 : i32
      %add3A_194 = arith.addi %mul3A_15, %add3A_193 : i32
      "tpu.region"() ({
        %run_scoped3A = tpu.sem_alloc : memref<!tpu.dma_semaphore, #tpu.memory_space<semaphore_mem>>
        %dma_start3A_203 = arith.constant 0 : i32
        %dma_start3A_204 = tpu.memref_slice %arg12[%add3A_194, %dma_start3A_203] : memref<10000x128xf32, #tpu.memory_space<vmem_shared>> -> memref<80x128xf32, #tpu.memory_space<vmem_shared>>
        %dma_start3A_205 = arith.constant 0 : i32
        %dma_start3A_206 = tpu.memref_slice %arg12[%add3A_194, %dma_start3A_205] : memref<10000x128xf32, #tpu.memory_space<vmem_shared>> -> memref<80x128xf32, #tpu.memory_space<vmem_shared>>
        tpu.enqueue_dma source(%arg11 : memref<80x128xf32, #tpu.memory_space<vmem>>) target(%dma_start3A_206 : memref<80x128xf32, #tpu.memory_space<vmem_shared>>) target_semaphore(%run_scoped3A : memref<!tpu.dma_semaphore, #tpu.memory_space<semaphore_mem>>)
        %dma_wait3A_207 = arith.constant 0 : i32
        %dma_wait3A_208 = tpu.memref_slice %arg12[%add3A_194, %dma_wait3A_207] : memref<10000x128xf32, #tpu.memory_space<vmem_shared>> -> memref<80x128xf32, #tpu.memory_space<vmem_shared>>
        %dma_wait3A_209 = arith.constant 0 : i32
        %dma_wait3A_210 = tpu.memref_slice %arg12[%add3A_194, %dma_wait3A_209] : memref<10000x128xf32, #tpu.memory_space<vmem_shared>> -> memref<80x128xf32, #tpu.memory_space<vmem_shared>>
        tpu.wait_dma2 semaphore(%run_scoped3A : memref<!tpu.dma_semaphore, #tpu.memory_space<semaphore_mem>>) src(%arg11 : memref<80x128xf32, #tpu.memory_space<vmem>>) dst(%dma_wait3A_210 : memref<80x128xf32, #tpu.memory_space<vmem_shared>>)
        tpu.yield
      }) : () -> ()
      %add3A_195 = arith.constant 320 : i32
      %add3A_196 = arith.addi %mul3A_15, %add3A_195 : i32
      "tpu.region"() ({
        %run_scoped3A = tpu.sem_alloc : memref<!tpu.dma_semaphore, #tpu.memory_space<semaphore_mem>>
        %dma_start3A_203 = arith.constant 0 : i32
        %dma_start3A_204 = tpu.memref_slice %arg12[%add3A_196, %dma_start3A_203] : memref<10000x128xf32, #tpu.memory_space<vmem_shared>> -> memref<80x128xf32, #tpu.memory_space<vmem_shared>>
        %dma_start3A_205 = arith.constant 0 : i32
        %dma_start3A_206 = tpu.memref_slice %arg12[%add3A_196, %dma_start3A_205] : memref<10000x128xf32, #tpu.memory_space<vmem_shared>> -> memref<80x128xf32, #tpu.memory_space<vmem_shared>>
        tpu.enqueue_dma source(%arg11 : memref<80x128xf32, #tpu.memory_space<vmem>>) target(%dma_start3A_206 : memref<80x128xf32, #tpu.memory_space<vmem_shared>>) target_semaphore(%run_scoped3A : memref<!tpu.dma_semaphore, #tpu.memory_space<semaphore_mem>>)
        %dma_wait3A_207 = arith.constant 0 : i32
        %dma_wait3A_208 = tpu.memref_slice %arg12[%add3A_196, %dma_wait3A_207] : memref<10000x128xf32, #tpu.memory_space<vmem_shared>> -> memref<80x128xf32, #tpu.memory_space<vmem_shared>>
        %dma_wait3A_209 = arith.constant 0 : i32
        %dma_wait3A_210 = tpu.memref_slice %arg12[%add3A_196, %dma_wait3A_209] : memref<10000x128xf32, #tpu.memory_space<vmem_shared>> -> memref<80x128xf32, #tpu.memory_space<vmem_shared>>
        tpu.wait_dma2 semaphore(%run_scoped3A : memref<!tpu.dma_semaphore, #tpu.memory_space<semaphore_mem>>) src(%arg11 : memref<80x128xf32, #tpu.memory_space<vmem>>) dst(%dma_wait3A_210 : memref<80x128xf32, #tpu.memory_space<vmem_shared>>)
        tpu.yield
      }) : () -> ()
      %add3A_197 = arith.constant 400 : i32
      %add3A_198 = arith.addi %mul3A_15, %add3A_197 : i32
      "tpu.region"() ({
        %run_scoped3A = tpu.sem_alloc : memref<!tpu.dma_semaphore, #tpu.memory_space<semaphore_mem>>
        %dma_start3A_203 = arith.constant 0 : i32
        %dma_start3A_204 = tpu.memref_slice %arg12[%add3A_198, %dma_start3A_203] : memref<10000x128xf32, #tpu.memory_space<vmem_shared>> -> memref<80x128xf32, #tpu.memory_space<vmem_shared>>
        %dma_start3A_205 = arith.constant 0 : i32
        %dma_start3A_206 = tpu.memref_slice %arg12[%add3A_198, %dma_start3A_205] : memref<10000x128xf32, #tpu.memory_space<vmem_shared>> -> memref<80x128xf32, #tpu.memory_space<vmem_shared>>
        tpu.enqueue_dma source(%arg11 : memref<80x128xf32, #tpu.memory_space<vmem>>) target(%dma_start3A_206 : memref<80x128xf32, #tpu.memory_space<vmem_shared>>) target_semaphore(%run_scoped3A : memref<!tpu.dma_semaphore, #tpu.memory_space<semaphore_mem>>)
        %dma_wait3A_207 = arith.constant 0 : i32
        %dma_wait3A_208 = tpu.memref_slice %arg12[%add3A_198, %dma_wait3A_207] : memref<10000x128xf32, #tpu.memory_space<vmem_shared>> -> memref<80x128xf32, #tpu.memory_space<vmem_shared>>
        %dma_wait3A_209 = arith.constant 0 : i32
        %dma_wait3A_210 = tpu.memref_slice %arg12[%add3A_198, %dma_wait3A_209] : memref<10000x128xf32, #tpu.memory_space<vmem_shared>> -> memref<80x128xf32, #tpu.memory_space<vmem_shared>>
        tpu.wait_dma2 semaphore(%run_scoped3A : memref<!tpu.dma_semaphore, #tpu.memory_space<semaphore_mem>>) src(%arg11 : memref<80x128xf32, #tpu.memory_space<vmem>>) dst(%dma_wait3A_210 : memref<80x128xf32, #tpu.memory_space<vmem_shared>>)
        tpu.yield
      }) : () -> ()
      %add3A_199 = arith.constant 480 : i32
      %add3A_200 = arith.addi %mul3A_15, %add3A_199 : i32
      "tpu.region"() ({
        %run_scoped3A = tpu.sem_alloc : memref<!tpu.dma_semaphore, #tpu.memory_space<semaphore_mem>>
        %dma_start3A_203 = arith.constant 0 : i32
        %dma_start3A_204 = tpu.memref_slice %arg12[%add3A_200, %dma_start3A_203] : memref<10000x128xf32, #tpu.memory_space<vmem_shared>> -> memref<80x128xf32, #tpu.memory_space<vmem_shared>>
        %dma_start3A_205 = arith.constant 0 : i32
        %dma_start3A_206 = tpu.memref_slice %arg12[%add3A_200, %dma_start3A_205] : memref<10000x128xf32, #tpu.memory_space<vmem_shared>> -> memref<80x128xf32, #tpu.memory_space<vmem_shared>>
        tpu.enqueue_dma source(%arg11 : memref<80x128xf32, #tpu.memory_space<vmem>>) target(%dma_start3A_206 : memref<80x128xf32, #tpu.memory_space<vmem_shared>>) target_semaphore(%run_scoped3A : memref<!tpu.dma_semaphore, #tpu.memory_space<semaphore_mem>>)
        %dma_wait3A_207 = arith.constant 0 : i32
        %dma_wait3A_208 = tpu.memref_slice %arg12[%add3A_200, %dma_wait3A_207] : memref<10000x128xf32, #tpu.memory_space<vmem_shared>> -> memref<80x128xf32, #tpu.memory_space<vmem_shared>>
        %dma_wait3A_209 = arith.constant 0 : i32
        %dma_wait3A_210 = tpu.memref_slice %arg12[%add3A_200, %dma_wait3A_209] : memref<10000x128xf32, #tpu.memory_space<vmem_shared>> -> memref<80x128xf32, #tpu.memory_space<vmem_shared>>
        tpu.wait_dma2 semaphore(%run_scoped3A : memref<!tpu.dma_semaphore, #tpu.memory_space<semaphore_mem>>) src(%arg11 : memref<80x128xf32, #tpu.memory_space<vmem>>) dst(%dma_wait3A_210 : memref<80x128xf32, #tpu.memory_space<vmem_shared>>)
        tpu.yield
      }) : () -> ()
      %add3A_201 = arith.constant 560 : i32
      %add3A_202 = arith.addi %mul3A_15, %add3A_201 : i32
      "tpu.region"() ({
        %run_scoped3A = tpu.sem_alloc : memref<!tpu.dma_semaphore, #tpu.memory_space<semaphore_mem>>
        %dma_start3A_203 = arith.constant 0 : i32
        %dma_start3A_204 = tpu.memref_slice %arg12[%add3A_202, %dma_start3A_203] : memref<10000x128xf32, #tpu.memory_space<vmem_shared>> -> memref<80x128xf32, #tpu.memory_space<vmem_shared>>
        %dma_start3A_205 = arith.constant 0 : i32
        %dma_start3A_206 = tpu.memref_slice %arg12[%add3A_202, %dma_start3A_205] : memref<10000x128xf32, #tpu.memory_space<vmem_shared>> -> memref<80x128xf32, #tpu.memory_space<vmem_shared>>
        tpu.enqueue_dma source(%arg11 : memref<80x128xf32, #tpu.memory_space<vmem>>) target(%dma_start3A_206 : memref<80x128xf32, #tpu.memory_space<vmem_shared>>) target_semaphore(%run_scoped3A : memref<!tpu.dma_semaphore, #tpu.memory_space<semaphore_mem>>)
        %dma_wait3A_207 = arith.constant 0 : i32
        %dma_wait3A_208 = tpu.memref_slice %arg12[%add3A_202, %dma_wait3A_207] : memref<10000x128xf32, #tpu.memory_space<vmem_shared>> -> memref<80x128xf32, #tpu.memory_space<vmem_shared>>
        %dma_wait3A_209 = arith.constant 0 : i32
        %dma_wait3A_210 = tpu.memref_slice %arg12[%add3A_202, %dma_wait3A_209] : memref<10000x128xf32, #tpu.memory_space<vmem_shared>> -> memref<80x128xf32, #tpu.memory_space<vmem_shared>>
        tpu.wait_dma2 semaphore(%run_scoped3A : memref<!tpu.dma_semaphore, #tpu.memory_space<semaphore_mem>>) src(%arg11 : memref<80x128xf32, #tpu.memory_space<vmem>>) dst(%dma_wait3A_210 : memref<80x128xf32, #tpu.memory_space<vmem_shared>>)
        tpu.yield
      }) : () -> ()
    } else {
    }
    %mul3A_22 = arith.constant 5000 : i32
    %mul3A_23 = arith.muli %arg1, %mul3A_22 : i32
    %dma_wait3A = tpu.memref_slice %arg2[%mul3A_23] : memref<320000xi32, #tpu.memory_space<hbm>> -> memref<5000xi32, #tpu.memory_space<hbm>>
    %dma_wait3A_24 = tpu.memref_slice %arg2[%mul3A_23] : memref<320000xi32, #tpu.memory_space<hbm>> -> memref<5000xi32, #tpu.memory_space<hbm>>
    tpu.wait_dma2 semaphore(%arg13 : memref<!tpu.dma_semaphore, #tpu.memory_space<semaphore_mem>>) src(%dma_wait3A_24 : memref<5000xi32, #tpu.memory_space<hbm>>) dst(%arg6 : memref<5000xi32, #tpu.memory_space<vmem>>)
    %mul3A_25 = arith.constant 5000 : i32
    %mul3A_26 = arith.muli %arg1, %mul3A_25 : i32
    %dma_wait3A_27 = tpu.memref_slice %arg2[%mul3A_26] : memref<320000xi32, #tpu.memory_space<hbm>> -> memref<5000xi32, #tpu.memory_space<hbm>>
    %dma_wait3A_28 = tpu.memref_slice %arg2[%mul3A_26] : memref<320000xi32, #tpu.memory_space<hbm>> -> memref<5000xi32, #tpu.memory_space<hbm>>
    tpu.wait_dma2 semaphore(%arg13 : memref<!tpu.dma_semaphore, #tpu.memory_space<semaphore_mem>>) src(%dma_wait3A_28 : memref<5000xi32, #tpu.memory_space<hbm>>) dst(%arg6 : memref<5000xi32, #tpu.memory_space<vmem>>)
    %barrier3A = arith.constant 0 : index
    tpu.barrier barrier_id(%barrier3A)
    %dma_start3A_29 = arith.constant 0 : i32
    %dma_start3A_30 = arith.constant 0 : i32
    %dma_start3A_31 = arith.constant 0 : i32
    %dma_start3A_32 = tpu.memref_slice %arg9[%dma_start3A_29, %dma_start3A_30, %dma_start3A_31] : memref<2x80x128xf32, #tpu.memory_space<vmem>> -> memref<1x40x128xf32, #tpu.memory_space<vmem>>
    %dma_start3A_33 = tpu.memref_squeeze %dma_start3A_32 : memref<1x40x128xf32, #tpu.memory_space<vmem>> -> memref<40x128xf32, #tpu.memory_space<vmem>>
    %dma_start3A_34 = arith.constant 0 : i32
    %dma_start3A_35 = tpu.memref_slice %arg6[%dma_start3A_34] : memref<5000xi32, #tpu.memory_space<vmem>> -> memref<40xi32, #tpu.memory_space<vmem>>
    %dma_start3A_36 = arith.constant 0 : i32
    %dma_start3A_37 = arith.constant 0 : i32
    %dma_start3A_38 = tpu.memref_slice %arg3[%arg0, %dma_start3A_36, %dma_start3A_37] : memref<2x10000x128xf32, #tpu.memory_space<hbm>> -> memref<1x10000x128xf32, #tpu.memory_space<hbm>>
    %dma_start3A_39 = tpu.memref_squeeze %dma_start3A_38 : memref<1x10000x128xf32, #tpu.memory_space<hbm>> -> memref<10000x128xf32, #tpu.memory_space<hbm>>
    %dma_start3A_40 = arith.constant 0 : i32
    %dma_start3A_41 = arith.constant 0 : i32
    %dma_start3A_42 = tpu.memref_slice %dma_start3A_39[%dma_start3A_40, %dma_start3A_41] : memref<10000x128xf32, #tpu.memory_space<hbm>> -> memref<10000x128xf32, #tpu.memory_space<hbm>>
    tpu.enqueue_indirect_dma source(%dma_start3A_42 : memref<10000x128xf32, #tpu.memory_space<hbm>>) target(%dma_start3A_33 : memref<40x128xf32, #tpu.memory_space<vmem>>) offsets(%dma_start3A_35 : memref<40xi32, #tpu.memory_space<vmem>>) semaphore(%arg16 : memref<!tpu.dma_semaphore, #tpu.memory_space<semaphore_mem>>)
    %dma_start3A_43 = arith.constant 0 : i32
    %dma_start3A_44 = arith.constant 40 : i32
    %dma_start3A_45 = arith.constant 0 : i32
    %dma_start3A_46 = tpu.memref_slice %arg9[%dma_start3A_43, %dma_start3A_44, %dma_start3A_45] : memref<2x80x128xf32, #tpu.memory_space<vmem>> -> memref<1x40x128xf32, #tpu.memory_space<vmem>>
    %dma_start3A_47 = tpu.memref_squeeze %dma_start3A_46 : memref<1x40x128xf32, #tpu.memory_space<vmem>> -> memref<40x128xf32, #tpu.memory_space<vmem>>
    %dma_start3A_48 = arith.constant 0 : i32
    %dma_start3A_49 = tpu.memref_slice %arg7[%dma_start3A_48] : memref<5000xi32, #tpu.memory_space<vmem>> -> memref<40xi32, #tpu.memory_space<vmem>>
    %dma_start3A_50 = arith.constant 0 : i32
    %dma_start3A_51 = arith.constant 0 : i32
    %dma_start3A_52 = tpu.memref_slice %arg3[%arg0, %dma_start3A_50, %dma_start3A_51] : memref<2x10000x128xf32, #tpu.memory_space<hbm>> -> memref<1x10000x128xf32, #tpu.memory_space<hbm>>
    %dma_start3A_53 = tpu.memref_squeeze %dma_start3A_52 : memref<1x10000x128xf32, #tpu.memory_space<hbm>> -> memref<10000x128xf32, #tpu.memory_space<hbm>>
    %dma_start3A_54 = arith.constant 0 : i32
    %dma_start3A_55 = arith.constant 0 : i32
    %dma_start3A_56 = tpu.memref_slice %dma_start3A_53[%dma_start3A_54, %dma_start3A_55] : memref<10000x128xf32, #tpu.memory_space<hbm>> -> memref<10000x128xf32, #tpu.memory_space<hbm>>
    tpu.enqueue_indirect_dma source(%dma_start3A_56 : memref<10000x128xf32, #tpu.memory_space<hbm>>) target(%dma_start3A_47 : memref<40x128xf32, #tpu.memory_space<vmem>>) offsets(%dma_start3A_49 : memref<40xi32, #tpu.memory_space<vmem>>) semaphore(%arg16 : memref<!tpu.dma_semaphore, #tpu.memory_space<semaphore_mem>>)
    %mul3A_57 = arith.constant 5000 : i32
    %mul3A_58 = arith.muli %arg1, %mul3A_57 : i32
    %add3A_59 = arith.constant 160000 : i32
    %add3A_60 = arith.addi %add3A_59, %mul3A_58 : i32
    %add3A_61 = arith.constant 0 : i32
    %add3A_62 = arith.addi %add3A_60, %add3A_61 : i32
    %add3A_63 = arith.constant 16 : i32
    %add3A_64 = arith.addi %add3A_63, %arg1 : i32
    %mul3A_65 = arith.constant 5000 : i32
    %mul3A_66 = arith.muli %add3A_64, %mul3A_65 : i32
    %add3A_67 = arith.constant 160000 : i32
    %add3A_68 = arith.addi %add3A_67, %mul3A_66 : i32
    %add3A_69 = arith.constant 0 : i32
    %add3A_70 = arith.addi %add3A_68, %add3A_69 : i32
    %dma_start3A_71 = arith.constant 0 : i32
    %dma_start3A_72 = arith.constant 0 : i32
    %dma_start3A_73 = tpu.memref_slice %arg8[%dma_start3A_71, %dma_start3A_72] : memref<2x80xi32, #tpu.memory_space<vmem>> -> memref<1x40xi32, #tpu.memory_space<vmem>>
    %dma_start3A_74 = tpu.memref_squeeze %dma_start3A_73 : memref<1x40xi32, #tpu.memory_space<vmem>> -> memref<40xi32, #tpu.memory_space<vmem>>
    %dma_start3A_75 = tpu.memref_slice %arg2[%add3A_62] : memref<320000xi32, #tpu.memory_space<hbm>> -> memref<40xi32, #tpu.memory_space<hbm>>
    %dma_start3A_76 = arith.constant 0 : i32
    %dma_start3A_77 = tpu.memref_slice %arg8[%dma_start3A_71, %dma_start3A_76] : memref<2x80xi32, #tpu.memory_space<vmem>> -> memref<1x40xi32, #tpu.memory_space<vmem>>
    %dma_start3A_78 = tpu.memref_squeeze %dma_start3A_77 : memref<1x40xi32, #tpu.memory_space<vmem>> -> memref<40xi32, #tpu.memory_space<vmem>>
    %dma_start3A_79 = tpu.memref_slice %arg2[%add3A_62] : memref<320000xi32, #tpu.memory_space<hbm>> -> memref<40xi32, #tpu.memory_space<hbm>>
    tpu.enqueue_dma source(%dma_start3A_79 : memref<40xi32, #tpu.memory_space<hbm>>) target(%dma_start3A_78 : memref<40xi32, #tpu.memory_space<vmem>>) target_semaphore(%arg14 : memref<!tpu.dma_semaphore, #tpu.memory_space<semaphore_mem>>)
    %dma_start3A_80 = arith.constant 0 : i32
    %dma_start3A_81 = arith.constant 40 : i32
    %dma_start3A_82 = tpu.memref_slice %arg8[%dma_start3A_80, %dma_start3A_81] : memref<2x80xi32, #tpu.memory_space<vmem>> -> memref<1x40xi32, #tpu.memory_space<vmem>>
    %dma_start3A_83 = tpu.memref_squeeze %dma_start3A_82 : memref<1x40xi32, #tpu.memory_space<vmem>> -> memref<40xi32, #tpu.memory_space<vmem>>
    %dma_start3A_84 = tpu.memref_slice %arg2[%add3A_70] : memref<320000xi32, #tpu.memory_space<hbm>> -> memref<40xi32, #tpu.memory_space<hbm>>
    %dma_start3A_85 = arith.constant 40 : i32
    %dma_start3A_86 = tpu.memref_slice %arg8[%dma_start3A_80, %dma_start3A_85] : memref<2x80xi32, #tpu.memory_space<vmem>> -> memref<1x40xi32, #tpu.memory_space<vmem>>
    %dma_start3A_87 = tpu.memref_squeeze %dma_start3A_86 : memref<1x40xi32, #tpu.memory_space<vmem>> -> memref<40xi32, #tpu.memory_space<vmem>>
    %dma_start3A_88 = tpu.memref_slice %arg2[%add3A_70] : memref<320000xi32, #tpu.memory_space<hbm>> -> memref<40xi32, #tpu.memory_space<hbm>>
    tpu.enqueue_dma source(%dma_start3A_88 : memref<40xi32, #tpu.memory_space<hbm>>) target(%dma_start3A_87 : memref<40xi32, #tpu.memory_space<vmem>>) target_semaphore(%arg14 : memref<!tpu.dma_semaphore, #tpu.memory_space<semaphore_mem>>)
    %dma_start3A_89 = arith.constant 1 : i32
    %dma_start3A_90 = arith.constant 0 : i32
    %dma_start3A_91 = arith.constant 0 : i32
    %dma_start3A_92 = tpu.memref_slice %arg9[%dma_start3A_89, %dma_start3A_90, %dma_start3A_91] : memref<2x80x128xf32, #tpu.memory_space<vmem>> -> memref<1x40x128xf32, #tpu.memory_space<vmem>>
    %dma_start3A_93 = tpu.memref_squeeze %dma_start3A_92 : memref<1x40x128xf32, #tpu.memory_space<vmem>> -> memref<40x128xf32, #tpu.memory_space<vmem>>
    %dma_start3A_94 = arith.constant 40 : i32
    %dma_start3A_95 = tpu.memref_slice %arg6[%dma_start3A_94] : memref<5000xi32, #tpu.memory_space<vmem>> -> memref<40xi32, #tpu.memory_space<vmem>>
    %dma_start3A_96 = arith.constant 0 : i32
    %dma_start3A_97 = arith.constant 0 : i32
    %dma_start3A_98 = tpu.memref_slice %arg3[%arg0, %dma_start3A_96, %dma_start3A_97] : memref<2x10000x128xf32, #tpu.memory_space<hbm>> -> memref<1x10000x128xf32, #tpu.memory_space<hbm>>
    %dma_start3A_99 = tpu.memref_squeeze %dma_start3A_98 : memref<1x10000x128xf32, #tpu.memory_space<hbm>> -> memref<10000x128xf32, #tpu.memory_space<hbm>>
    %dma_start3A_100 = arith.constant 0 : i32
    %dma_start3A_101 = arith.constant 0 : i32
    %dma_start3A_102 = tpu.memref_slice %dma_start3A_99[%dma_start3A_100, %dma_start3A_101] : memref<10000x128xf32, #tpu.memory_space<hbm>> -> memref<10000x128xf32, #tpu.memory_space<hbm>>
    tpu.enqueue_indirect_dma source(%dma_start3A_102 : memref<10000x128xf32, #tpu.memory_space<hbm>>) target(%dma_start3A_93 : memref<40x128xf32, #tpu.memory_space<vmem>>) offsets(%dma_start3A_95 : memref<40xi32, #tpu.memory_space<vmem>>) semaphore(%arg17 : memref<!tpu.dma_semaphore, #tpu.memory_space<semaphore_mem>>)
    %dma_start3A_103 = arith.constant 1 : i32
    %dma_start3A_104 = arith.constant 40 : i32
    %dma_start3A_105 = arith.constant 0 : i32
    %dma_start3A_106 = tpu.memref_slice %arg9[%dma_start3A_103, %dma_start3A_104, %dma_start3A_105] : memref<2x80x128xf32, #tpu.memory_space<vmem>> -> memref<1x40x128xf32, #tpu.memory_space<vmem>>
    %dma_start3A_107 = tpu.memref_squeeze %dma_start3A_106 : memref<1x40x128xf32, #tpu.memory_space<vmem>> -> memref<40x128xf32, #tpu.memory_space<vmem>>
    %dma_start3A_108 = arith.constant 40 : i32
    %dma_start3A_109 = tpu.memref_slice %arg7[%dma_start3A_108] : memref<5000xi32, #tpu.memory_space<vmem>> -> memref<40xi32, #tpu.memory_space<vmem>>
    %dma_start3A_110 = arith.constant 0 : i32
    %dma_start3A_111 = arith.constant 0 : i32
    %dma_start3A_112 = tpu.memref_slice %arg3[%arg0, %dma_start3A_110, %dma_start3A_111] : memref<2x10000x128xf32, #tpu.memory_space<hbm>> -> memref<1x10000x128xf32, #tpu.memory_space<hbm>>
    %dma_start3A_113 = tpu.memref_squeeze %dma_start3A_112 : memref<1x10000x128xf32, #tpu.memory_space<hbm>> -> memref<10000x128xf32, #tpu.memory_space<hbm>>
    %dma_start3A_114 = arith.constant 0 : i32
    %dma_start3A_115 = arith.constant 0 : i32
    %dma_start3A_116 = tpu.memref_slice %dma_start3A_113[%dma_start3A_114, %dma_start3A_115] : memref<10000x128xf32, #tpu.memory_space<hbm>> -> memref<10000x128xf32, #tpu.memory_space<hbm>>
    tpu.enqueue_indirect_dma source(%dma_start3A_116 : memref<10000x128xf32, #tpu.memory_space<hbm>>) target(%dma_start3A_107 : memref<40x128xf32, #tpu.memory_space<vmem>>) offsets(%dma_start3A_109 : memref<40xi32, #tpu.memory_space<vmem>>) semaphore(%arg17 : memref<!tpu.dma_semaphore, #tpu.memory_space<semaphore_mem>>)
    %mul3A_117 = arith.constant 5000 : i32
    %mul3A_118 = arith.muli %arg1, %mul3A_117 : i32
    %add3A_119 = arith.constant 160000 : i32
    %add3A_120 = arith.addi %add3A_119, %mul3A_118 : i32
    %add3A_121 = arith.constant 40 : i32
    %add3A_122 = arith.addi %add3A_120, %add3A_121 : i32
    %add3A_123 = arith.constant 16 : i32
    %add3A_124 = arith.addi %add3A_123, %arg1 : i32
    %mul3A_125 = arith.constant 5000 : i32
    %mul3A_126 = arith.muli %add3A_124, %mul3A_125 : i32
    %add3A_127 = arith.constant 160000 : i32
    %add3A_128 = arith.addi %add3A_127, %mul3A_126 : i32
    %add3A_129 = arith.constant 40 : i32
    %add3A_130 = arith.addi %add3A_128, %add3A_129 : i32
    %dma_start3A_131 = arith.constant 1 : i32
    %dma_start3A_132 = arith.constant 0 : i32
    %dma_start3A_133 = tpu.memref_slice %arg8[%dma_start3A_131, %dma_start3A_132] : memref<2x80xi32, #tpu.memory_space<vmem>> -> memref<1x40xi32, #tpu.memory_space<vmem>>
    %dma_start3A_134 = tpu.memref_squeeze %dma_start3A_133 : memref<1x40xi32, #tpu.memory_space<vmem>> -> memref<40xi32, #tpu.memory_space<vmem>>
    %dma_start3A_135 = tpu.memref_slice %arg2[%add3A_122] : memref<320000xi32, #tpu.memory_space<hbm>> -> memref<40xi32, #tpu.memory_space<hbm>>
    %dma_start3A_136 = arith.constant 0 : i32
    %dma_start3A_137 = tpu.memref_slice %arg8[%dma_start3A_131, %dma_start3A_136] : memref<2x80xi32, #tpu.memory_space<vmem>> -> memref<1x40xi32, #tpu.memory_space<vmem>>
    %dma_start3A_138 = tpu.memref_squeeze %dma_start3A_137 : memref<1x40xi32, #tpu.memory_space<vmem>> -> memref<40xi32, #tpu.memory_space<vmem>>
    %dma_start3A_139 = tpu.memref_slice %arg2[%add3A_122] : memref<320000xi32, #tpu.memory_space<hbm>> -> memref<40xi32, #tpu.memory_space<hbm>>
    tpu.enqueue_dma source(%dma_start3A_139 : memref<40xi32, #tpu.memory_space<hbm>>) target(%dma_start3A_138 : memref<40xi32, #tpu.memory_space<vmem>>) target_semaphore(%arg15 : memref<!tpu.dma_semaphore, #tpu.memory_space<semaphore_mem>>)
    %dma_start3A_140 = arith.constant 1 : i32
    %dma_start3A_141 = arith.constant 40 : i32
    %dma_start3A_142 = tpu.memref_slice %arg8[%dma_start3A_140, %dma_start3A_141] : memref<2x80xi32, #tpu.memory_space<vmem>> -> memref<1x40xi32, #tpu.memory_space<vmem>>
    %dma_start3A_143 = tpu.memref_squeeze %dma_start3A_142 : memref<1x40xi32, #tpu.memory_space<vmem>> -> memref<40xi32, #tpu.memory_space<vmem>>
    %dma_start3A_144 = tpu.memref_slice %arg2[%add3A_130] : memref<320000xi32, #tpu.memory_space<hbm>> -> memref<40xi32, #tpu.memory_space<hbm>>
    %dma_start3A_145 = arith.constant 40 : i32
    %dma_start3A_146 = tpu.memref_slice %arg8[%dma_start3A_140, %dma_start3A_145] : memref<2x80xi32, #tpu.memory_space<vmem>> -> memref<1x40xi32, #tpu.memory_space<vmem>>
    %dma_start3A_147 = tpu.memref_squeeze %dma_start3A_146 : memref<1x40xi32, #tpu.memory_space<vmem>> -> memref<40xi32, #tpu.memory_space<vmem>>
    %dma_start3A_148 = tpu.memref_slice %arg2[%add3A_130] : memref<320000xi32, #tpu.memory_space<hbm>> -> memref<40xi32, #tpu.memory_space<hbm>>
    tpu.enqueue_dma source(%dma_start3A_148 : memref<40xi32, #tpu.memory_space<hbm>>) target(%dma_start3A_147 : memref<40xi32, #tpu.memory_space<vmem>>) target_semaphore(%arg15 : memref<!tpu.dma_semaphore, #tpu.memory_space<semaphore_mem>>)
    %mul3A_149 = arith.constant 80000 : i32
    %mul3A_150 = arith.muli %arg0, %mul3A_149 : i32
    %mul3A_151 = arith.constant 5000 : i32
    %mul3A_152 = arith.muli %arg1, %mul3A_151 : i32
    %add3A_153 = arith.addi %mul3A_150, %mul3A_152 : i32
    %add3A_154 = arith.constant 0 : i32
    %add3A_155 = arith.addi %add3A_153, %add3A_154 : i32
    %dma_start3A_156 = arith.constant 0 : i32
    %dma_start3A_157 = tpu.memref_slice %arg4[%add3A_155, %dma_start3A_156] : memref<160000x128xi32, #tpu.memory_space<hbm>> -> memref<40x128xi32, #tpu.memory_space<hbm>>
    %dma_start3A_158 = arith.constant 0 : i32
    %dma_start3A_159 = tpu.memref_slice %arg4[%add3A_155, %dma_start3A_158] : memref<160000x128xi32, #tpu.memory_space<hbm>> -> memref<40x128xi32, #tpu.memory_space<hbm>>
    tpu.enqueue_dma source(%dma_start3A_159 : memref<40x128xi32, #tpu.memory_space<hbm>>) target(%arg10 : memref<40x128xi32, #tpu.memory_space<vmem>>) target_semaphore(%arg18 : memref<!tpu.dma_semaphore, #tpu.memory_space<semaphore_mem>>)
    %broadcast_in_dim3A_160 = arith.constant -65536 : i32
    %broadcast_in_dim3A_161 = vector.broadcast %broadcast_in_dim3A_160 : i32 to vector<16xi32>
    %scan3A_162 = arith.constant 0 : i32
    %scan3A_163 = arith.constant 0 : i32
    %scan3A_164 = arith.constant 63 : i32
    %scan3A_165 = arith.addi %scan3A_163, %scan3A_164 : i32
    %scan3A_166 = arith.constant 1 : i32
    %scan3A_167 = scf.for %scan3A_187 = %scan3A_163 to %scan3A_165 step %scan3A_166 iter_args(%scan3A_188 = %scan3A_162) -> (i32)  : i32 {
      %mul3A_189 = arith.constant 2 : i32
      %mul3A_190 = arith.muli %scan3A_187, %mul3A_189 : i32
      %add3A_191 = arith.constant 0 : i32
      %add3A_192 = arith.addi %mul3A_190, %add3A_191 : i32
      %lt3A_193 = arith.constant 125 : i32
      %lt3A_194 = arith.cmpi slt, %add3A_192, %lt3A_193 : i32
      %convert_element_type3A_195 = arith.extui %lt3A_194 : i1 to i32
      %cond3A_196 = arith.constant 0 : i32
      %cond3A_197 = arith.cmpi ne, %convert_element_type3A_195, %cond3A_196 : i32
      scf.if %cond3A_197 {
        %mul3A_206 = arith.constant 40 : i32
        %mul3A_207 = arith.muli %add3A_192, %mul3A_206 : i32
        %mul3A_208 = arith.constant 40 : i32
        %mul3A_209 = arith.muli %add3A_192, %mul3A_208 : i32
        %dma_wait3A_210 = arith.constant 0 : i32
        %dma_wait3A_211 = arith.constant 0 : i32
        %dma_wait3A_212 = arith.constant 0 : i32
        %dma_wait3A_213 = tpu.memref_slice %arg9[%dma_wait3A_210, %dma_wait3A_211, %dma_wait3A_212] : memref<2x80x128xf32, #tpu.memory_space<vmem>> -> memref<1x40x128xf32, #tpu.memory_space<vmem>>
        %dma_wait3A_214 = tpu.memref_squeeze %dma_wait3A_213 : memref<1x40x128xf32, #tpu.memory_space<vmem>> -> memref<40x128xf32, #tpu.memory_space<vmem>>
        %dma_wait3A_215 = tpu.memref_slice %arg6[%mul3A_207] : memref<5000xi32, #tpu.memory_space<vmem>> -> memref<40xi32, #tpu.memory_space<vmem>>
        %dma_wait3A_216 = arith.constant 0 : i32
        %dma_wait3A_217 = arith.constant 0 : i32
        %dma_wait3A_218 = tpu.memref_slice %arg3[%arg0, %dma_wait3A_216, %dma_wait3A_217] : memref<2x10000x128xf32, #tpu.memory_space<hbm>> -> memref<1x10000x128xf32, #tpu.memory_space<hbm>>
        %dma_wait3A_219 = tpu.memref_squeeze %dma_wait3A_218 : memref<1x10000x128xf32, #tpu.memory_space<hbm>> -> memref<10000x128xf32, #tpu.memory_space<hbm>>
        %dma_wait3A_220 = arith.constant 0 : i32
        %dma_wait3A_221 = arith.constant 0 : i32
        %dma_wait3A_222 = tpu.memref_slice %dma_wait3A_219[%dma_wait3A_220, %dma_wait3A_221] : memref<10000x128xf32, #tpu.memory_space<hbm>> -> memref<10000x128xf32, #tpu.memory_space<hbm>>
        tpu.wait_indirect_dma semaphore(%arg16 : memref<!tpu.dma_semaphore, #tpu.memory_space<semaphore_mem>>) src(%dma_wait3A_222 : memref<10000x128xf32, #tpu.memory_space<hbm>>) dst(%dma_wait3A_214 : memref<40x128xf32, #tpu.memory_space<vmem>>)
        %dma_wait3A_223 = arith.constant 0 : i32
        %dma_wait3A_224 = arith.constant 40 : i32
        %dma_wait3A_225 = arith.constant 0 : i32
        %dma_wait3A_226 = tpu.memref_slice %arg9[%dma_wait3A_223, %dma_wait3A_224, %dma_wait3A_225] : memref<2x80x128xf32, #tpu.memory_space<vmem>> -> memref<1x40x128xf32, #tpu.memory_space<vmem>>
        %dma_wait3A_227 = tpu.memref_squeeze %dma_wait3A_226 : memref<1x40x128xf32, #tpu.memory_space<vmem>> -> memref<40x128xf32, #tpu.memory_space<vmem>>
        %dma_wait3A_228 = tpu.memref_slice %arg7[%mul3A_209] : memref<5000xi32, #tpu.memory_space<vmem>> -> memref<40xi32, #tpu.memory_space<vmem>>
        %dma_wait3A_229 = arith.constant 0 : i32
        %dma_wait3A_230 = arith.constant 0 : i32
        %dma_wait3A_231 = tpu.memref_slice %arg3[%arg0, %dma_wait3A_229, %dma_wait3A_230] : memref<2x10000x128xf32, #tpu.memory_space<hbm>> -> memref<1x10000x128xf32, #tpu.memory_space<hbm>>
        %dma_wait3A_232 = tpu.memref_squeeze %dma_wait3A_231 : memref<1x10000x128xf32, #tpu.memory_space<hbm>> -> memref<10000x128xf32, #tpu.memory_space<hbm>>
        %dma_wait3A_233 = arith.constant 0 : i32
        %dma_wait3A_234 = arith.constant 0 : i32
        %dma_wait3A_235 = tpu.memref_slice %dma_wait3A_232[%dma_wait3A_233, %dma_wait3A_234] : memref<10000x128xf32, #tpu.memory_space<hbm>> -> memref<10000x128xf32, #tpu.memory_space<hbm>>
        tpu.wait_indirect_dma semaphore(%arg16 : memref<!tpu.dma_semaphore, #tpu.memory_space<semaphore_mem>>) src(%dma_wait3A_235 : memref<10000x128xf32, #tpu.memory_space<hbm>>) dst(%dma_wait3A_227 : memref<40x128xf32, #tpu.memory_space<vmem>>)
        %mul3A_236 = arith.constant 80000 : i32
        %mul3A_237 = arith.muli %arg0, %mul3A_236 : i32
        %mul3A_238 = arith.constant 5000 : i32
        %mul3A_239 = arith.muli %arg1, %mul3A_238 : i32
        %add3A_240 = arith.addi %mul3A_237, %mul3A_239 : i32
        %mul3A_241 = arith.constant 40 : i32
        %mul3A_242 = arith.muli %add3A_192, %mul3A_241 : i32
        %add3A_243 = arith.addi %add3A_240, %mul3A_242 : i32
        %dma_wait3A_244 = arith.constant 0 : i32
        %dma_wait3A_245 = tpu.memref_slice %arg4[%add3A_243, %dma_wait3A_244] : memref<160000x128xi32, #tpu.memory_space<hbm>> -> memref<40x128xi32, #tpu.memory_space<hbm>>
        %dma_wait3A_246 = arith.constant 0 : i32
        %dma_wait3A_247 = tpu.memref_slice %arg4[%add3A_243, %dma_wait3A_246] : memref<160000x128xi32, #tpu.memory_space<hbm>> -> memref<40x128xi32, #tpu.memory_space<hbm>>
        tpu.wait_dma2 semaphore(%arg18 : memref<!tpu.dma_semaphore, #tpu.memory_space<semaphore_mem>>) src(%dma_wait3A_247 : memref<40x128xi32, #tpu.memory_space<hbm>>) dst(%arg10 : memref<40x128xi32, #tpu.memory_space<vmem>>)
        %ge3A = arith.constant 1 : i32
        %ge3A_248 = arith.cmpi sge, %add3A_192, %ge3A : i32
        %convert_element_type3A_249 = arith.extui %ge3A_248 : i1 to i32
        %cond3A_250 = arith.constant 0 : i32
        %cond3A_251 = arith.cmpi ne, %convert_element_type3A_249, %cond3A_250 : i32
        scf.if %cond3A_251 {
          %dma_wait3A_314 = arith.constant 1 : i32
          %dma_wait3A_315 = arith.constant 0 : i32
          %dma_wait3A_316 = tpu.memref_slice %arg8[%dma_wait3A_314, %dma_wait3A_315] : memref<2x80xi32, #tpu.memory_space<vmem>> -> memref<1x80xi32, #tpu.memory_space<vmem>>
          %dma_wait3A_317 = tpu.memref_squeeze %dma_wait3A_316 : memref<1x80xi32, #tpu.memory_space<vmem>> -> memref<80xi32, #tpu.memory_space<vmem>>
          %dma_wait3A_318 = arith.constant 0 : i32
          %dma_wait3A_319 = arith.constant 0 : i32
          %dma_wait3A_320 = tpu.memref_slice %arg12[%dma_wait3A_318, %dma_wait3A_319] : memref<10000x128xf32, #tpu.memory_space<vmem_shared>> -> memref<10000x128xf32, #tpu.memory_space<vmem_shared>>
          tpu.wait_indirect_dma semaphore(%arg19 : memref<!tpu.dma_semaphore, #tpu.memory_space<semaphore_mem>>) src(%arg11 : memref<80x128xf32, #tpu.memory_space<vmem>>) dst(%dma_wait3A_320 : memref<10000x128xf32, #tpu.memory_space<vmem_shared>>)
        } else {
        }
        %scan3A_252 = arith.constant 0 : i32
        %scan3A_253 = arith.constant 0 : i32
        %scan3A_254 = arith.constant 40 : i32
        %scan3A_255 = arith.addi %scan3A_253, %scan3A_254 : i32
        %scan3A_256 = arith.constant 1 : i32
        %scan3A_257 = scf.for %scan3A_314 = %scan3A_253 to %scan3A_255 step %scan3A_256 iter_args(%scan3A_315 = %scan3A_252) -> (i32)  : i32 {
          %add3A_316 = arith.constant 0 : i32
          %add3A_317 = arith.addi %scan3A_314, %add3A_316 : i32
          %get3A = arith.index_cast %scan3A_314 : i32 to index
          %get3A_318 = arith.constant 0 : index
          %get3A_319 = tpu.vector_load %arg10[%get3A, %get3A_318] {strides = array<i32>} : memref<40x128xi32, #tpu.memory_space<vmem>>, vector<1x16xi32>,
          %get3A_320 = vector.shape_cast %get3A_319 : vector<1x16xi32> to vector<16xi32>
          %shift_left3A = arith.constant 16 : i32
          %shift_left3A_321 = vector.broadcast %shift_left3A : i32 to vector<16xi32>
          %shift_left3A_322 = arith.shli %get3A_320, %shift_left3A_321 : vector<16xi32>
          %bitcast_convert_type3A = tpu.bitcast %shift_left3A_322 : vector<16xi32> -> vector<16xf32>
          %and3A = arith.andi %get3A_320, %broadcast_in_dim3A_161 : vector<16xi32>
          %bitcast_convert_type3A_323 = tpu.bitcast %and3A : vector<16xi32> -> vector<16xf32>
          %get3A_324 = arith.constant 0 : i32
          %get3A_325 = arith.index_cast %get3A_324 : i32 to index
          %get3A_326 = arith.index_cast %add3A_317 : i32 to index
          %get3A_327 = arith.constant 0 : index
          %get3A_328 = tpu.vector_load %arg9[%get3A_325, %get3A_326, %get3A_327] {strides = array<i32>} : memref<2x80x128xf32, #tpu.memory_space<vmem>>, vector<1x1x16xf32>,
          %get3A_329 = vector.shape_cast %get3A_328 : vector<1x1x16xf32> to vector<16xf32>
          %mul3A_330 = arith.mulf %get3A_329, %bitcast_convert_type3A : vector<16xf32>
          %swap3A = arith.index_cast %add3A_317 : i32 to index
          %swap3A_331 = arith.constant 0 : index
          %swap3A_332 = tpu.vector_load %arg11[%swap3A, %swap3A_331] {strides = array<i32>} : memref<80x128xf32, #tpu.memory_space<vmem>>, vector<1x16xf32>,
          %swap3A_333 = vector.shape_cast %swap3A_332 : vector<1x16xf32> to vector<16xf32>
          %swap3A_334 = vector.shape_cast %mul3A_330 : vector<16xf32> to vector<1x16xf32>
          tpu.vector_store %arg11[%swap3A, %swap3A_331], %swap3A_334 {strides = array<i32>} : memref<80x128xf32, #tpu.memory_space<vmem>>, vector<1x16xf32>,
          %get3A_335 = arith.constant 0 : i32
          %get3A_336 = arith.index_cast %get3A_335 : i32 to index
          %get3A_337 = arith.index_cast %add3A_317 : i32 to index
          %get3A_338 = arith.constant 16 : index
          %get3A_339 = tpu.vector_load %arg9[%get3A_336, %get3A_337, %get3A_338] {strides = array<i32>} : memref<2x80x128xf32, #tpu.memory_space<vmem>>, vector<1x1x16xf32>,
          %get3A_340 = vector.shape_cast %get3A_339 : vector<1x1x16xf32> to vector<16xf32>
          %mul3A_341 = arith.mulf %get3A_340, %bitcast_convert_type3A_323 : vector<16xf32>
          %swap3A_342 = arith.index_cast %add3A_317 : i32 to index
          %swap3A_343 = arith.constant 16 : index
          %swap3A_344 = tpu.vector_load %arg11[%swap3A_342, %swap3A_343] {strides = array<i32>} : memref<80x128xf32, #tpu.memory_space<vmem>>, vector<1x16xf32>,
          %swap3A_345 = vector.shape_cast %swap3A_344 : vector<1x16xf32> to vector<16xf32>
          %swap3A_346 = vector.shape_cast %mul3A_341 : vector<16xf32> to vector<1x16xf32>
          tpu.vector_store %arg11[%swap3A_342, %swap3A_343], %swap3A_346 {strides = array<i32>} : memref<80x128xf32, #tpu.memory_space<vmem>>, vector<1x16xf32>,
          %get3A_347 = arith.index_cast %scan3A_314 : i32 to index
          %get3A_348 = arith.constant 16 : index
          %get3A_349 = tpu.vector_load %arg10[%get3A_347, %get3A_348] {strides = array<i32>} : memref<40x128xi32, #tpu.memory_space<vmem>>, vector<1x16xi32>,
          %get3A_350 = vector.shape_cast %get3A_349 : vector<1x16xi32> to vector<16xi32>
          %shift_left3A_351 = arith.constant 16 : i32
          %shift_left3A_352 = vector.broadcast %shift_left3A_351 : i32 to vector<16xi32>
          %shift_left3A_353 = arith.shli %get3A_350, %shift_left3A_352 : vector<16xi32>
          %bitcast_convert_type3A_354 = tpu.bitcast %shift_left3A_353 : vector<16xi32> -> vector<16xf32>
          %and3A_355 = arith.andi %get3A_350, %broadcast_in_dim3A_161 : vector<16xi32>
          %bitcast_convert_type3A_356 = tpu.bitcast %and3A_355 : vector<16xi32> -> vector<16xf32>
          %get3A_357 = arith.constant 0 : i32
          %get3A_358 = arith.index_cast %get3A_357 : i32 to index
          %get3A_359 = arith.index_cast %add3A_317 : i32 to index
          %get3A_360 = arith.constant 32 : index
          %get3A_361 = tpu.vector_load %arg9[%get3A_358, %get3A_359, %get3A_360] {strides = array<i32>} : memref<2x80x128xf32, #tpu.memory_space<vmem>>, vector<1x1x16xf32>,
          %get3A_362 = vector.shape_cast %get3A_361 : vector<1x1x16xf32> to vector<16xf32>
          %mul3A_363 = arith.mulf %get3A_362, %bitcast_convert_type3A_354 : vector<16xf32>
          %swap3A_364 = arith.index_cast %add3A_317 : i32 to index
          %swap3A_365 = arith.constant 32 : index
          %swap3A_366 = tpu.vector_load %arg11[%swap3A_364, %swap3A_365] {strides = array<i32>} : memref<80x128xf32, #tpu.memory_space<vmem>>, vector<1x16xf32>,
          %swap3A_367 = vector.shape_cast %swap3A_366 : vector<1x16xf32> to vector<16xf32>
          %swap3A_368 = vector.shape_cast %mul3A_363 : vector<16xf32> to vector<1x16xf32>
          tpu.vector_store %arg11[%swap3A_364, %swap3A_365], %swap3A_368 {strides = array<i32>} : memref<80x128xf32, #tpu.memory_space<vmem>>, vector<1x16xf32>,
          %get3A_369 = arith.constant 0 : i32
          %get3A_370 = arith.index_cast %get3A_369 : i32 to index
          %get3A_371 = arith.index_cast %add3A_317 : i32 to index
          %get3A_372 = arith.constant 48 : index
          %get3A_373 = tpu.vector_load %arg9[%get3A_370, %get3A_371, %get3A_372] {strides = array<i32>} : memref<2x80x128xf32, #tpu.memory_space<vmem>>, vector<1x1x16xf32>,
          %get3A_374 = vector.shape_cast %get3A_373 : vector<1x1x16xf32> to vector<16xf32>
          %mul3A_375 = arith.mulf %get3A_374, %bitcast_convert_type3A_356 : vector<16xf32>
          %swap3A_376 = arith.index_cast %add3A_317 : i32 to index
          %swap3A_377 = arith.constant 48 : index
          %swap3A_378 = tpu.vector_load %arg11[%swap3A_376, %swap3A_377] {strides = array<i32>} : memref<80x128xf32, #tpu.memory_space<vmem>>, vector<1x16xf32>,
          %swap3A_379 = vector.shape_cast %swap3A_378 : vector<1x16xf32> to vector<16xf32>
          %swap3A_380 = vector.shape_cast %mul3A_375 : vector<16xf32> to vector<1x16xf32>
          tpu.vector_store %arg11[%swap3A_376, %swap3A_377], %swap3A_380 {strides = array<i32>} : memref<80x128xf32, #tpu.memory_space<vmem>>, vector<1x16xf32>,
          %get3A_381 = arith.index_cast %scan3A_314 : i32 to index
          %get3A_382 = arith.constant 32 : index
          %get3A_383 = tpu.vector_load %arg10[%get3A_381, %get3A_382] {strides = array<i32>} : memref<40x128xi32, #tpu.memory_space<vmem>>, vector<1x16xi32>,
          %get3A_384 = vector.shape_cast %get3A_383 : vector<1x16xi32> to vector<16xi32>
          %shift_left3A_385 = arith.constant 16 : i32
          %shift_left3A_386 = vector.broadcast %shift_left3A_385 : i32 to vector<16xi32>
          %shift_left3A_387 = arith.shli %get3A_384, %shift_left3A_386 : vector<16xi32>
          %bitcast_convert_type3A_388 = tpu.bitcast %shift_left3A_387 : vector<16xi32> -> vector<16xf32>
          %and3A_389 = arith.andi %get3A_384, %broadcast_in_dim3A_161 : vector<16xi32>
          %bitcast_convert_type3A_390 = tpu.bitcast %and3A_389 : vector<16xi32> -> vector<16xf32>
          %get3A_391 = arith.constant 0 : i32
          %get3A_392 = arith.index_cast %get3A_391 : i32 to index
          %get3A_393 = arith.index_cast %add3A_317 : i32 to index
          %get3A_394 = arith.constant 64 : index
          %get3A_395 = tpu.vector_load %arg9[%get3A_392, %get3A_393, %get3A_394] {strides = array<i32>} : memref<2x80x128xf32, #tpu.memory_space<vmem>>, vector<1x1x16xf32>,
          %get3A_396 = vector.shape_cast %get3A_395 : vector<1x1x16xf32> to vector<16xf32>
          %mul3A_397 = arith.mulf %get3A_396, %bitcast_convert_type3A_388 : vector<16xf32>
          %swap3A_398 = arith.index_cast %add3A_317 : i32 to index
          %swap3A_399 = arith.constant 64 : index
          %swap3A_400 = tpu.vector_load %arg11[%swap3A_398, %swap3A_399] {strides = array<i32>} : memref<80x128xf32, #tpu.memory_space<vmem>>, vector<1x16xf32>,
          %swap3A_401 = vector.shape_cast %swap3A_400 : vector<1x16xf32> to vector<16xf32>
          %swap3A_402 = vector.shape_cast %mul3A_397 : vector<16xf32> to vector<1x16xf32>
          tpu.vector_store %arg11[%swap3A_398, %swap3A_399], %swap3A_402 {strides = array<i32>} : memref<80x128xf32, #tpu.memory_space<vmem>>, vector<1x16xf32>,
          %get3A_403 = arith.constant 0 : i32
          %get3A_404 = arith.index_cast %get3A_403 : i32 to index
          %get3A_405 = arith.index_cast %add3A_317 : i32 to index
          %get3A_406 = arith.constant 80 : index
          %get3A_407 = tpu.vector_load %arg9[%get3A_404, %get3A_405, %get3A_406] {strides = array<i32>} : memref<2x80x128xf32, #tpu.memory_space<vmem>>, vector<1x1x16xf32>,
          %get3A_408 = vector.shape_cast %get3A_407 : vector<1x1x16xf32> to vector<16xf32>
          %mul3A_409 = arith.mulf %get3A_408, %bitcast_convert_type3A_390 : vector<16xf32>
          %swap3A_410 = arith.index_cast %add3A_317 : i32 to index
          %swap3A_411 = arith.constant 80 : index
          %swap3A_412 = tpu.vector_load %arg11[%swap3A_410, %swap3A_411] {strides = array<i32>} : memref<80x128xf32, #tpu.memory_space<vmem>>, vector<1x16xf32>,
          %swap3A_413 = vector.shape_cast %swap3A_412 : vector<1x16xf32> to vector<16xf32>
          %swap3A_414 = vector.shape_cast %mul3A_409 : vector<16xf32> to vector<1x16xf32>
          tpu.vector_store %arg11[%swap3A_410, %swap3A_411], %swap3A_414 {strides = array<i32>} : memref<80x128xf32, #tpu.memory_space<vmem>>, vector<1x16xf32>,
          %get3A_415 = arith.index_cast %scan3A_314 : i32 to index
          %get3A_416 = arith.constant 48 : index
          %get3A_417 = tpu.vector_load %arg10[%get3A_415, %get3A_416] {strides = array<i32>} : memref<40x128xi32, #tpu.memory_space<vmem>>, vector<1x16xi32>,
          %get3A_418 = vector.shape_cast %get3A_417 : vector<1x16xi32> to vector<16xi32>
          %shift_left3A_419 = arith.constant 16 : i32
          %shift_left3A_420 = vector.broadcast %shift_left3A_419 : i32 to vector<16xi32>
          %shift_left3A_421 = arith.shli %get3A_418, %shift_left3A_420 : vector<16xi32>
          %bitcast_convert_type3A_422 = tpu.bitcast %shift_left3A_421 : vector<16xi32> -> vector<16xf32>
          %and3A_423 = arith.andi %get3A_418, %broadcast_in_dim3A_161 : vector<16xi32>
          %bitcast_convert_type3A_424 = tpu.bitcast %and3A_423 : vector<16xi32> -> vector<16xf32>
          %get3A_425 = arith.constant 0 : i32
          %get3A_426 = arith.index_cast %get3A_425 : i32 to index
          %get3A_427 = arith.index_cast %add3A_317 : i32 to index
          %get3A_428 = arith.constant 96 : index
          %get3A_429 = tpu.vector_load %arg9[%get3A_426, %get3A_427, %get3A_428] {strides = array<i32>} : memref<2x80x128xf32, #tpu.memory_space<vmem>>, vector<1x1x16xf32>,
          %get3A_430 = vector.shape_cast %get3A_429 : vector<1x1x16xf32> to vector<16xf32>
          %mul3A_431 = arith.mulf %get3A_430, %bitcast_convert_type3A_422 : vector<16xf32>
          %swap3A_432 = arith.index_cast %add3A_317 : i32 to index
          %swap3A_433 = arith.constant 96 : index
          %swap3A_434 = tpu.vector_load %arg11[%swap3A_432, %swap3A_433] {strides = array<i32>} : memref<80x128xf32, #tpu.memory_space<vmem>>, vector<1x16xf32>,
          %swap3A_435 = vector.shape_cast %swap3A_434 : vector<1x16xf32> to vector<16xf32>
          %swap3A_436 = vector.shape_cast %mul3A_431 : vector<16xf32> to vector<1x16xf32>
          tpu.vector_store %arg11[%swap3A_432, %swap3A_433], %swap3A_436 {strides = array<i32>} : memref<80x128xf32, #tpu.memory_space<vmem>>, vector<1x16xf32>,
          %get3A_437 = arith.constant 0 : i32
          %get3A_438 = arith.index_cast %get3A_437 : i32 to index
          %get3A_439 = arith.index_cast %add3A_317 : i32 to index
          %get3A_440 = arith.constant 112 : index
          %get3A_441 = tpu.vector_load %arg9[%get3A_438, %get3A_439, %get3A_440] {strides = array<i32>} : memref<2x80x128xf32, #tpu.memory_space<vmem>>, vector<1x1x16xf32>,
          %get3A_442 = vector.shape_cast %get3A_441 : vector<1x1x16xf32> to vector<16xf32>
          %mul3A_443 = arith.mulf %get3A_442, %bitcast_convert_type3A_424 : vector<16xf32>
          %swap3A_444 = arith.index_cast %add3A_317 : i32 to index
          %swap3A_445 = arith.constant 112 : index
          %swap3A_446 = tpu.vector_load %arg11[%swap3A_444, %swap3A_445] {strides = array<i32>} : memref<80x128xf32, #tpu.memory_space<vmem>>, vector<1x16xf32>,
          %swap3A_447 = vector.shape_cast %swap3A_446 : vector<1x16xf32> to vector<16xf32>
          %swap3A_448 = vector.shape_cast %mul3A_443 : vector<16xf32> to vector<1x16xf32>
          tpu.vector_store %arg11[%swap3A_444, %swap3A_445], %swap3A_448 {strides = array<i32>} : memref<80x128xf32, #tpu.memory_space<vmem>>, vector<1x16xf32>,
          %add3A_449 = arith.constant 40 : i32
          %add3A_450 = arith.addi %scan3A_314, %add3A_449 : i32
          %get3A_451 = arith.index_cast %scan3A_314 : i32 to index
          %get3A_452 = arith.constant 64 : index
          %get3A_453 = tpu.vector_load %arg10[%get3A_451, %get3A_452] {strides = array<i32>} : memref<40x128xi32, #tpu.memory_space<vmem>>, vector<1x16xi32>,
          %get3A_454 = vector.shape_cast %get3A_453 : vector<1x16xi32> to vector<16xi32>
          %shift_left3A_455 = arith.constant 16 : i32
          %shift_left3A_456 = vector.broadcast %shift_left3A_455 : i32 to vector<16xi32>
          %shift_left3A_457 = arith.shli %get3A_454, %shift_left3A_456 : vector<16xi32>
          %bitcast_convert_type3A_458 = tpu.bitcast %shift_left3A_457 : vector<16xi32> -> vector<16xf32>
          %and3A_459 = arith.andi %get3A_454, %broadcast_in_dim3A_161 : vector<16xi32>
          %bitcast_convert_type3A_460 = tpu.bitcast %and3A_459 : vector<16xi32> -> vector<16xf32>
          %get3A_461 = arith.constant 0 : i32
          %get3A_462 = arith.index_cast %get3A_461 : i32 to index
          %get3A_463 = arith.index_cast %add3A_450 : i32 to index
          %get3A_464 = arith.constant 0 : index
          %get3A_465 = tpu.vector_load %arg9[%get3A_462, %get3A_463, %get3A_464] {strides = array<i32>} : memref<2x80x128xf32, #tpu.memory_space<vmem>>, vector<1x1x16xf32>,
          %get3A_466 = vector.shape_cast %get3A_465 : vector<1x1x16xf32> to vector<16xf32>
          %mul3A_467 = arith.mulf %get3A_466, %bitcast_convert_type3A_458 : vector<16xf32>
          %swap3A_468 = arith.index_cast %add3A_450 : i32 to index
          %swap3A_469 = arith.constant 0 : index
          %swap3A_470 = tpu.vector_load %arg11[%swap3A_468, %swap3A_469] {strides = array<i32>} : memref<80x128xf32, #tpu.memory_space<vmem>>, vector<1x16xf32>,
          %swap3A_471 = vector.shape_cast %swap3A_470 : vector<1x16xf32> to vector<16xf32>
          %swap3A_472 = vector.shape_cast %mul3A_467 : vector<16xf32> to vector<1x16xf32>
          tpu.vector_store %arg11[%swap3A_468, %swap3A_469], %swap3A_472 {strides = array<i32>} : memref<80x128xf32, #tpu.memory_space<vmem>>, vector<1x16xf32>,
          %get3A_473 = arith.constant 0 : i32
          %get3A_474 = arith.index_cast %get3A_473 : i32 to index
          %get3A_475 = arith.index_cast %add3A_450 : i32 to index
          %get3A_476 = arith.constant 16 : index
          %get3A_477 = tpu.vector_load %arg9[%get3A_474, %get3A_475, %get3A_476] {strides = array<i32>} : memref<2x80x128xf32, #tpu.memory_space<vmem>>, vector<1x1x16xf32>,
          %get3A_478 = vector.shape_cast %get3A_477 : vector<1x1x16xf32> to vector<16xf32>
          %mul3A_479 = arith.mulf %get3A_478, %bitcast_convert_type3A_460 : vector<16xf32>
          %swap3A_480 = arith.index_cast %add3A_450 : i32 to index
          %swap3A_481 = arith.constant 16 : index
          %swap3A_482 = tpu.vector_load %arg11[%swap3A_480, %swap3A_481] {strides = array<i32>} : memref<80x128xf32, #tpu.memory_space<vmem>>, vector<1x16xf32>,
          %swap3A_483 = vector.shape_cast %swap3A_482 : vector<1x16xf32> to vector<16xf32>
          %swap3A_484 = vector.shape_cast %mul3A_479 : vector<16xf32> to vector<1x16xf32>
          tpu.vector_store %arg11[%swap3A_480, %swap3A_481], %swap3A_484 {strides = array<i32>} : memref<80x128xf32, #tpu.memory_space<vmem>>, vector<1x16xf32>,
          %get3A_485 = arith.index_cast %scan3A_314 : i32 to index
          %get3A_486 = arith.constant 80 : index
          %get3A_487 = tpu.vector_load %arg10[%get3A_485, %get3A_486] {strides = array<i32>} : memref<40x128xi32, #tpu.memory_space<vmem>>, vector<1x16xi32>,
          %get3A_488 = vector.shape_cast %get3A_487 : vector<1x16xi32> to vector<16xi32>
          %shift_left3A_489 = arith.constant 16 : i32
          %shift_left3A_490 = vector.broadcast %shift_left3A_489 : i32 to vector<16xi32>
          %shift_left3A_491 = arith.shli %get3A_488, %shift_left3A_490 : vector<16xi32>
          %bitcast_convert_type3A_492 = tpu.bitcast %shift_left3A_491 : vector<16xi32> -> vector<16xf32>
          %and3A_493 = arith.andi %get3A_488, %broadcast_in_dim3A_161 : vector<16xi32>
          %bitcast_convert_type3A_494 = tpu.bitcast %and3A_493 : vector<16xi32> -> vector<16xf32>
          %get3A_495 = arith.constant 0 : i32
          %get3A_496 = arith.index_cast %get3A_495 : i32 to index
          %get3A_497 = arith.index_cast %add3A_450 : i32 to index
          %get3A_498 = arith.constant 32 : index
          %get3A_499 = tpu.vector_load %arg9[%get3A_496, %get3A_497, %get3A_498] {strides = array<i32>} : memref<2x80x128xf32, #tpu.memory_space<vmem>>, vector<1x1x16xf32>,
          %get3A_500 = vector.shape_cast %get3A_499 : vector<1x1x16xf32> to vector<16xf32>
          %mul3A_501 = arith.mulf %get3A_500, %bitcast_convert_type3A_492 : vector<16xf32>
          %swap3A_502 = arith.index_cast %add3A_450 : i32 to index
          %swap3A_503 = arith.constant 32 : index
          %swap3A_504 = tpu.vector_load %arg11[%swap3A_502, %swap3A_503] {strides = array<i32>} : memref<80x128xf32, #tpu.memory_space<vmem>>, vector<1x16xf32>,
          %swap3A_505 = vector.shape_cast %swap3A_504 : vector<1x16xf32> to vector<16xf32>
          %swap3A_506 = vector.shape_cast %mul3A_501 : vector<16xf32> to vector<1x16xf32>
          tpu.vector_store %arg11[%swap3A_502, %swap3A_503], %swap3A_506 {strides = array<i32>} : memref<80x128xf32, #tpu.memory_space<vmem>>, vector<1x16xf32>,
          %get3A_507 = arith.constant 0 : i32
          %get3A_508 = arith.index_cast %get3A_507 : i32 to index
          %get3A_509 = arith.index_cast %add3A_450 : i32 to index
          %get3A_510 = arith.constant 48 : index
          %get3A_511 = tpu.vector_load %arg9[%get3A_508, %get3A_509, %get3A_510] {strides = array<i32>} : memref<2x80x128xf32, #tpu.memory_space<vmem>>, vector<1x1x16xf32>,
          %get3A_512 = vector.shape_cast %get3A_511 : vector<1x1x16xf32> to vector<16xf32>
          %mul3A_513 = arith.mulf %get3A_512, %bitcast_convert_type3A_494 : vector<16xf32>
          %swap3A_514 = arith.index_cast %add3A_450 : i32 to index
          %swap3A_515 = arith.constant 48 : index
          %swap3A_516 = tpu.vector_load %arg11[%swap3A_514, %swap3A_515] {strides = array<i32>} : memref<80x128xf32, #tpu.memory_space<vmem>>, vector<1x16xf32>,
          %swap3A_517 = vector.shape_cast %swap3A_516 : vector<1x16xf32> to vector<16xf32>
          %swap3A_518 = vector.shape_cast %mul3A_513 : vector<16xf32> to vector<1x16xf32>
          tpu.vector_store %arg11[%swap3A_514, %swap3A_515], %swap3A_518 {strides = array<i32>} : memref<80x128xf32, #tpu.memory_space<vmem>>, vector<1x16xf32>,
          %get3A_519 = arith.index_cast %scan3A_314 : i32 to index
          %get3A_520 = arith.constant 96 : index
          %get3A_521 = tpu.vector_load %arg10[%get3A_519, %get3A_520] {strides = array<i32>} : memref<40x128xi32, #tpu.memory_space<vmem>>, vector<1x16xi32>,
          %get3A_522 = vector.shape_cast %get3A_521 : vector<1x16xi32> to vector<16xi32>
          %shift_left3A_523 = arith.constant 16 : i32
          %shift_left3A_524 = vector.broadcast %shift_left3A_523 : i32 to vector<16xi32>
          %shift_left3A_525 = arith.shli %get3A_522, %shift_left3A_524 : vector<16xi32>
          %bitcast_convert_type3A_526 = tpu.bitcast %shift_left3A_525 : vector<16xi32> -> vector<16xf32>
          %and3A_527 = arith.andi %get3A_522, %broadcast_in_dim3A_161 : vector<16xi32>
          %bitcast_convert_type3A_528 = tpu.bitcast %and3A_527 : vector<16xi32> -> vector<16xf32>
          %get3A_529 = arith.constant 0 : i32
          %get3A_530 = arith.index_cast %get3A_529 : i32 to index
          %get3A_531 = arith.index_cast %add3A_450 : i32 to index
          %get3A_532 = arith.constant 64 : index
          %get3A_533 = tpu.vector_load %arg9[%get3A_530, %get3A_531, %get3A_532] {strides = array<i32>} : memref<2x80x128xf32, #tpu.memory_space<vmem>>, vector<1x1x16xf32>,
          %get3A_534 = vector.shape_cast %get3A_533 : vector<1x1x16xf32> to vector<16xf32>
          %mul3A_535 = arith.mulf %get3A_534, %bitcast_convert_type3A_526 : vector<16xf32>
          %swap3A_536 = arith.index_cast %add3A_450 : i32 to index
          %swap3A_537 = arith.constant 64 : index
          %swap3A_538 = tpu.vector_load %arg11[%swap3A_536, %swap3A_537] {strides = array<i32>} : memref<80x128xf32, #tpu.memory_space<vmem>>, vector<1x16xf32>,
          %swap3A_539 = vector.shape_cast %swap3A_538 : vector<1x16xf32> to vector<16xf32>
          %swap3A_540 = vector.shape_cast %mul3A_535 : vector<16xf32> to vector<1x16xf32>
          tpu.vector_store %arg11[%swap3A_536, %swap3A_537], %swap3A_540 {strides = array<i32>} : memref<80x128xf32, #tpu.memory_space<vmem>>, vector<1x16xf32>,
          %get3A_541 = arith.constant 0 : i32
          %get3A_542 = arith.index_cast %get3A_541 : i32 to index
          %get3A_543 = arith.index_cast %add3A_450 : i32 to index
          %get3A_544 = arith.constant 80 : index
          %get3A_545 = tpu.vector_load %arg9[%get3A_542, %get3A_543, %get3A_544] {strides = array<i32>} : memref<2x80x128xf32, #tpu.memory_space<vmem>>, vector<1x1x16xf32>,
          %get3A_546 = vector.shape_cast %get3A_545 : vector<1x1x16xf32> to vector<16xf32>
          %mul3A_547 = arith.mulf %get3A_546, %bitcast_convert_type3A_528 : vector<16xf32>
          %swap3A_548 = arith.index_cast %add3A_450 : i32 to index
          %swap3A_549 = arith.constant 80 : index
          %swap3A_550 = tpu.vector_load %arg11[%swap3A_548, %swap3A_549] {strides = array<i32>} : memref<80x128xf32, #tpu.memory_space<vmem>>, vector<1x16xf32>,
          %swap3A_551 = vector.shape_cast %swap3A_550 : vector<1x16xf32> to vector<16xf32>
          %swap3A_552 = vector.shape_cast %mul3A_547 : vector<16xf32> to vector<1x16xf32>
          tpu.vector_store %arg11[%swap3A_548, %swap3A_549], %swap3A_552 {strides = array<i32>} : memref<80x128xf32, #tpu.memory_space<vmem>>, vector<1x16xf32>,
          %get3A_553 = arith.index_cast %scan3A_314 : i32 to index
          %get3A_554 = arith.constant 112 : index
          %get3A_555 = tpu.vector_load %arg10[%get3A_553, %get3A_554] {strides = array<i32>} : memref<40x128xi32, #tpu.memory_space<vmem>>, vector<1x16xi32>,
          %get3A_556 = vector.shape_cast %get3A_555 : vector<1x16xi32> to vector<16xi32>
          %shift_left3A_557 = arith.constant 16 : i32
          %shift_left3A_558 = vector.broadcast %shift_left3A_557 : i32 to vector<16xi32>
          %shift_left3A_559 = arith.shli %get3A_556, %shift_left3A_558 : vector<16xi32>
          %bitcast_convert_type3A_560 = tpu.bitcast %shift_left3A_559 : vector<16xi32> -> vector<16xf32>
          %and3A_561 = arith.andi %get3A_556, %broadcast_in_dim3A_161 : vector<16xi32>
          %bitcast_convert_type3A_562 = tpu.bitcast %and3A_561 : vector<16xi32> -> vector<16xf32>
          %get3A_563 = arith.constant 0 : i32
          %get3A_564 = arith.index_cast %get3A_563 : i32 to index
          %get3A_565 = arith.index_cast %add3A_450 : i32 to index
          %get3A_566 = arith.constant 96 : index
          %get3A_567 = tpu.vector_load %arg9[%get3A_564, %get3A_565, %get3A_566] {strides = array<i32>} : memref<2x80x128xf32, #tpu.memory_space<vmem>>, vector<1x1x16xf32>,
          %get3A_568 = vector.shape_cast %get3A_567 : vector<1x1x16xf32> to vector<16xf32>
          %mul3A_569 = arith.mulf %get3A_568, %bitcast_convert_type3A_560 : vector<16xf32>
          %swap3A_570 = arith.index_cast %add3A_450 : i32 to index
          %swap3A_571 = arith.constant 96 : index
          %swap3A_572 = tpu.vector_load %arg11[%swap3A_570, %swap3A_571] {strides = array<i32>} : memref<80x128xf32, #tpu.memory_space<vmem>>, vector<1x16xf32>,
          %swap3A_573 = vector.shape_cast %swap3A_572 : vector<1x16xf32> to vector<16xf32>
          %swap3A_574 = vector.shape_cast %mul3A_569 : vector<16xf32> to vector<1x16xf32>
          tpu.vector_store %arg11[%swap3A_570, %swap3A_571], %swap3A_574 {strides = array<i32>} : memref<80x128xf32, #tpu.memory_space<vmem>>, vector<1x16xf32>,
          %get3A_575 = arith.constant 0 : i32
          %get3A_576 = arith.index_cast %get3A_575 : i32 to index
          %get3A_577 = arith.index_cast %add3A_450 : i32 to index
          %get3A_578 = arith.constant 112 : index
          %get3A_579 = tpu.vector_load %arg9[%get3A_576, %get3A_577, %get3A_578] {strides = array<i32>} : memref<2x80x128xf32, #tpu.memory_space<vmem>>, vector<1x1x16xf32>,
          %get3A_580 = vector.shape_cast %get3A_579 : vector<1x1x16xf32> to vector<16xf32>
          %mul3A_581 = arith.mulf %get3A_580, %bitcast_convert_type3A_562 : vector<16xf32>
          %swap3A_582 = arith.index_cast %add3A_450 : i32 to index
          %swap3A_583 = arith.constant 112 : index
          %swap3A_584 = tpu.vector_load %arg11[%swap3A_582, %swap3A_583] {strides = array<i32>} : memref<80x128xf32, #tpu.memory_space<vmem>>, vector<1x16xf32>,
          %swap3A_585 = vector.shape_cast %swap3A_584 : vector<1x16xf32> to vector<16xf32>
          %swap3A_586 = vector.shape_cast %mul3A_581 : vector<16xf32> to vector<1x16xf32>
          tpu.vector_store %arg11[%swap3A_582, %swap3A_583], %swap3A_586 {strides = array<i32>} : memref<80x128xf32, #tpu.memory_space<vmem>>, vector<1x16xf32>,
          %scan3A_587 = arith.constant 0 : i32
          scf.yield %scan3A_587 : i32
        }
        %scan3A_258 = arith.constant 40 : i32
        %mul3A_259 = arith.constant 5000 : i32
        %mul3A_260 = arith.muli %arg1, %mul3A_259 : i32
        %add3A_261 = arith.constant 160000 : i32
        %add3A_262 = arith.addi %add3A_261, %mul3A_260 : i32
        %mul3A_263 = arith.constant 40 : i32
        %mul3A_264 = arith.muli %add3A_192, %mul3A_263 : i32
        %add3A_265 = arith.addi %add3A_262, %mul3A_264 : i32
        %add3A_266 = arith.constant 16 : i32
        %add3A_267 = arith.addi %add3A_266, %arg1 : i32
        %mul3A_268 = arith.constant 5000 : i32
        %mul3A_269 = arith.muli %add3A_267, %mul3A_268 : i32
        %add3A_270 = arith.constant 160000 : i32
        %add3A_271 = arith.addi %add3A_270, %mul3A_269 : i32
        %mul3A_272 = arith.constant 40 : i32
        %mul3A_273 = arith.muli %add3A_192, %mul3A_272 : i32
        %add3A_274 = arith.addi %add3A_271, %mul3A_273 : i32
        %dma_wait3A_275 = arith.constant 0 : i32
        %dma_wait3A_276 = arith.constant 0 : i32
        %dma_wait3A_277 = tpu.memref_slice %arg8[%dma_wait3A_275, %dma_wait3A_276] : memref<2x80xi32, #tpu.memory_space<vmem>> -> memref<1x40xi32, #tpu.memory_space<vmem>>
        %dma_wait3A_278 = tpu.memref_squeeze %dma_wait3A_277 : memref<1x40xi32, #tpu.memory_space<vmem>> -> memref<40xi32, #tpu.memory_space<vmem>>
        %dma_wait3A_279 = tpu.memref_slice %arg2[%add3A_265] : memref<320000xi32, #tpu.memory_space<hbm>> -> memref<40xi32, #tpu.memory_space<hbm>>
        %dma_wait3A_280 = arith.constant 0 : i32
        %dma_wait3A_281 = tpu.memref_slice %arg8[%dma_wait3A_275, %dma_wait3A_280] : memref<2x80xi32, #tpu.memory_space<vmem>> -> memref<1x40xi32, #tpu.memory_space<vmem>>
        %dma_wait3A_282 = tpu.memref_squeeze %dma_wait3A_281 : memref<1x40xi32, #tpu.memory_space<vmem>> -> memref<40xi32, #tpu.memory_space<vmem>>
        %dma_wait3A_283 = tpu.memref_slice %arg2[%add3A_265] : memref<320000xi32, #tpu.memory_space<hbm>> -> memref<40xi32, #tpu.memory_space<hbm>>
        tpu.wait_dma2 semaphore(%arg14 : memref<!tpu.dma_semaphore, #tpu.memory_space<semaphore_mem>>) src(%dma_wait3A_283 : memref<40xi32, #tpu.memory_space<hbm>>) dst(%dma_wait3A_282 : memref<40xi32, #tpu.memory_space<vmem>>)
        %dma_wait3A_284 = arith.constant 0 : i32
        %dma_wait3A_285 = arith.constant 40 : i32
        %dma_wait3A_286 = tpu.memref_slice %arg8[%dma_wait3A_284, %dma_wait3A_285] : memref<2x80xi32, #tpu.memory_space<vmem>> -> memref<1x40xi32, #tpu.memory_space<vmem>>
        %dma_wait3A_287 = tpu.memref_squeeze %dma_wait3A_286 : memref<1x40xi32, #tpu.memory_space<vmem>> -> memref<40xi32, #tpu.memory_space<vmem>>
        %dma_wait3A_288 = tpu.memref_slice %arg2[%add3A_274] : memref<320000xi32, #tpu.memory_space<hbm>> -> memref<40xi32, #tpu.memory_space<hbm>>
        %dma_wait3A_289 = arith.constant 40 : i32
        %dma_wait3A_290 = tpu.memref_slice %arg8[%dma_wait3A_284, %dma_wait3A_289] : memref<2x80xi32, #tpu.memory_space<vmem>> -> memref<1x40xi32, #tpu.memory_space<vmem>>
        %dma_wait3A_291 = tpu.memref_squeeze %dma_wait3A_290 : memref<1x40xi32, #tpu.memory_space<vmem>> -> memref<40xi32, #tpu.memory_space<vmem>>
        %dma_wait3A_292 = tpu.memref_slice %arg2[%add3A_274] : memref<320000xi32, #tpu.memory_space<hbm>> -> memref<40xi32, #tpu.memory_space<hbm>>
        tpu.wait_dma2 semaphore(%arg14 : memref<!tpu.dma_semaphore, #tpu.memory_space<semaphore_mem>>) src(%dma_wait3A_292 : memref<40xi32, #tpu.memory_space<hbm>>) dst(%dma_wait3A_291 : memref<40xi32, #tpu.memory_space<vmem>>)
        %dma_start3A_293 = arith.constant 0 : i32
        %dma_start3A_294 = arith.constant 0 : i32
        %dma_start3A_295 = tpu.memref_slice %arg8[%dma_start3A_293, %dma_start3A_294] : memref<2x80xi32, #tpu.memory_space<vmem>> -> memref<1x80xi32, #tpu.memory_space<vmem>>
        %dma_start3A_296 = tpu.memref_squeeze %dma_start3A_295 : memref<1x80xi32, #tpu.memory_space<vmem>> -> memref<80xi32, #tpu.memory_space<vmem>>
        %dma_start3A_297 = arith.constant 0 : i32
        %dma_start3A_298 = arith.constant 0 : i32
        %dma_start3A_299 = tpu.memref_slice %arg12[%dma_start3A_297, %dma_start3A_298] : memref<10000x128xf32, #tpu.memory_space<vmem_shared>> -> memref<10000x128xf32, #tpu.memory_space<vmem_shared>>
        tpu.enqueue_indirect_dma source(%arg11 : memref<80x128xf32, #tpu.memory_space<vmem>>) target(%dma_start3A_299 : memref<10000x128xf32, #tpu.memory_space<vmem_shared>>) offsets(%dma_start3A_296 : memref<80xi32, #tpu.memory_space<vmem>>) semaphore(%arg19 : memref<!tpu.dma_semaphore, #tpu.memory_space<semaphore_mem>>) {add = true}
        %add3A_300 = arith.constant 1 : i32
        %add3A_301 = arith.addi %add3A_192, %add3A_300 : i32
        %lt3A_302 = arith.constant 125 : i32
        %lt3A_303 = arith.cmpi slt, %add3A_301, %lt3A_302 : i32
        %convert_element_type3A_304 = arith.extui %lt3A_303 : i1 to i32
        %cond3A_305 = arith.constant 0 : i32
        %cond3A_306 = arith.cmpi ne, %convert_element_type3A_304, %cond3A_305 : i32
        scf.if %cond3A_306 {
          %add3A_314 = arith.constant 1 : i32
          %add3A_315 = arith.addi %add3A_192, %add3A_314 : i32
          %mul3A_316 = arith.constant 80000 : i32
          %mul3A_317 = arith.muli %arg0, %mul3A_316 : i32
          %mul3A_318 = arith.constant 5000 : i32
          %mul3A_319 = arith.muli %arg1, %mul3A_318 : i32
          %add3A_320 = arith.addi %mul3A_317, %mul3A_319 : i32
          %mul3A_321 = arith.constant 40 : i32
          %mul3A_322 = arith.muli %add3A_315, %mul3A_321 : i32
          %add3A_323 = arith.addi %add3A_320, %mul3A_322 : i32
          %dma_start3A_324 = arith.constant 0 : i32
          %dma_start3A_325 = tpu.memref_slice %arg4[%add3A_323, %dma_start3A_324] : memref<160000x128xi32, #tpu.memory_space<hbm>> -> memref<40x128xi32, #tpu.memory_space<hbm>>
          %dma_start3A_326 = arith.constant 0 : i32
          %dma_start3A_327 = tpu.memref_slice %arg4[%add3A_323, %dma_start3A_326] : memref<160000x128xi32, #tpu.memory_space<hbm>> -> memref<40x128xi32, #tpu.memory_space<hbm>>
          tpu.enqueue_dma source(%dma_start3A_327 : memref<40x128xi32, #tpu.memory_space<hbm>>) target(%arg10 : memref<40x128xi32, #tpu.memory_space<vmem>>) target_semaphore(%arg18 : memref<!tpu.dma_semaphore, #tpu.memory_space<semaphore_mem>>)
        } else {
        }
        %add3A_307 = arith.constant 2 : i32
        %add3A_308 = arith.addi %add3A_192, %add3A_307 : i32
        %lt3A_309 = arith.constant 125 : i32
        %lt3A_310 = arith.cmpi slt, %add3A_308, %lt3A_309 : i32
        %convert_element_type3A_311 = arith.extui %lt3A_310 : i1 to i32
        %cond3A_312 = arith.constant 0 : i32
        %cond3A_313 = arith.cmpi ne, %convert_element_type3A_311, %cond3A_312 : i32
        scf.if %cond3A_313 {
          %add3A_314 = arith.constant 2 : i32
          %add3A_315 = arith.addi %add3A_192, %add3A_314 : i32
          %mul3A_316 = arith.constant 40 : i32
          %mul3A_317 = arith.muli %add3A_315, %mul3A_316 : i32
          %mul3A_318 = arith.constant 40 : i32
          %mul3A_319 = arith.muli %add3A_315, %mul3A_318 : i32
          %dma_start3A_320 = arith.constant 0 : i32
          %dma_start3A_321 = arith.constant 0 : i32
          %dma_start3A_322 = arith.constant 0 : i32
          %dma_start3A_323 = tpu.memref_slice %arg9[%dma_start3A_320, %dma_start3A_321, %dma_start3A_322] : memref<2x80x128xf32, #tpu.memory_space<vmem>> -> memref<1x40x128xf32, #tpu.memory_space<vmem>>
          %dma_start3A_324 = tpu.memref_squeeze %dma_start3A_323 : memref<1x40x128xf32, #tpu.memory_space<vmem>> -> memref<40x128xf32, #tpu.memory_space<vmem>>
          %dma_start3A_325 = tpu.memref_slice %arg6[%mul3A_317] : memref<5000xi32, #tpu.memory_space<vmem>> -> memref<40xi32, #tpu.memory_space<vmem>>
          %dma_start3A_326 = arith.constant 0 : i32
          %dma_start3A_327 = arith.constant 0 : i32
          %dma_start3A_328 = tpu.memref_slice %arg3[%arg0, %dma_start3A_326, %dma_start3A_327] : memref<2x10000x128xf32, #tpu.memory_space<hbm>> -> memref<1x10000x128xf32, #tpu.memory_space<hbm>>
          %dma_start3A_329 = tpu.memref_squeeze %dma_start3A_328 : memref<1x10000x128xf32, #tpu.memory_space<hbm>> -> memref<10000x128xf32, #tpu.memory_space<hbm>>
          %dma_start3A_330 = arith.constant 0 : i32
          %dma_start3A_331 = arith.constant 0 : i32
          %dma_start3A_332 = tpu.memref_slice %dma_start3A_329[%dma_start3A_330, %dma_start3A_331] : memref<10000x128xf32, #tpu.memory_space<hbm>> -> memref<10000x128xf32, #tpu.memory_space<hbm>>
          tpu.enqueue_indirect_dma source(%dma_start3A_332 : memref<10000x128xf32, #tpu.memory_space<hbm>>) target(%dma_start3A_324 : memref<40x128xf32, #tpu.memory_space<vmem>>) offsets(%dma_start3A_325 : memref<40xi32, #tpu.memory_space<vmem>>) semaphore(%arg16 : memref<!tpu.dma_semaphore, #tpu.memory_space<semaphore_mem>>)
          %dma_start3A_333 = arith.constant 0 : i32
          %dma_start3A_334 = arith.constant 40 : i32
          %dma_start3A_335 = arith.constant 0 : i32
          %dma_start3A_336 = tpu.memref_slice %arg9[%dma_start3A_333, %dma_start3A_334, %dma_start3A_335] : memref<2x80x128xf32, #tpu.memory_space<vmem>> -> memref<1x40x128xf32, #tpu.memory_space<vmem>>
          %dma_start3A_337 = tpu.memref_squeeze %dma_start3A_336 : memref<1x40x128xf32, #tpu.memory_space<vmem>> -> memref<40x128xf32, #tpu.memory_space<vmem>>
          %dma_start3A_338 = tpu.memref_slice %arg7[%mul3A_319] : memref<5000xi32, #tpu.memory_space<vmem>> -> memref<40xi32, #tpu.memory_space<vmem>>
          %dma_start3A_339 = arith.constant 0 : i32
          %dma_start3A_340 = arith.constant 0 : i32
          %dma_start3A_341 = tpu.memref_slice %arg3[%arg0, %dma_start3A_339, %dma_start3A_340] : memref<2x10000x128xf32, #tpu.memory_space<hbm>> -> memref<1x10000x128xf32, #tpu.memory_space<hbm>>
          %dma_start3A_342 = tpu.memref_squeeze %dma_start3A_341 : memref<1x10000x128xf32, #tpu.memory_space<hbm>> -> memref<10000x128xf32, #tpu.memory_space<hbm>>
          %dma_start3A_343 = arith.constant 0 : i32
          %dma_start3A_344 = arith.constant 0 : i32
          %dma_start3A_345 = tpu.memref_slice %dma_start3A_342[%dma_start3A_343, %dma_start3A_344] : memref<10000x128xf32, #tpu.memory_space<hbm>> -> memref<10000x128xf32, #tpu.memory_space<hbm>>
          tpu.enqueue_indirect_dma source(%dma_start3A_345 : memref<10000x128xf32, #tpu.memory_space<hbm>>) target(%dma_start3A_337 : memref<40x128xf32, #tpu.memory_space<vmem>>) offsets(%dma_start3A_338 : memref<40xi32, #tpu.memory_space<vmem>>) semaphore(%arg16 : memref<!tpu.dma_semaphore, #tpu.memory_space<semaphore_mem>>)
          %add3A_346 = arith.constant 2 : i32
          %add3A_347 = arith.addi %add3A_192, %add3A_346 : i32
          %mul3A_348 = arith.constant 5000 : i32
          %mul3A_349 = arith.muli %arg1, %mul3A_348 : i32
          %add3A_350 = arith.constant 160000 : i32
          %add3A_351 = arith.addi %add3A_350, %mul3A_349 : i32
          %mul3A_352 = arith.constant 40 : i32
          %mul3A_353 = arith.muli %add3A_347, %mul3A_352 : i32
          %add3A_354 = arith.addi %add3A_351, %mul3A_353 : i32
          %add3A_355 = arith.constant 16 : i32
          %add3A_356 = arith.addi %add3A_355, %arg1 : i32
          %mul3A_357 = arith.constant 5000 : i32
          %mul3A_358 = arith.muli %add3A_356, %mul3A_357 : i32
          %add3A_359 = arith.constant 160000 : i32
          %add3A_360 = arith.addi %add3A_359, %mul3A_358 : i32
          %mul3A_361 = arith.constant 40 : i32
          %mul3A_362 = arith.muli %add3A_347, %mul3A_361 : i32
          %add3A_363 = arith.addi %add3A_360, %mul3A_362 : i32
          %dma_start3A_364 = arith.constant 0 : i32
          %dma_start3A_365 = arith.constant 0 : i32
          %dma_start3A_366 = tpu.memref_slice %arg8[%dma_start3A_364, %dma_start3A_365] : memref<2x80xi32, #tpu.memory_space<vmem>> -> memref<1x40xi32, #tpu.memory_space<vmem>>
          %dma_start3A_367 = tpu.memref_squeeze %dma_start3A_366 : memref<1x40xi32, #tpu.memory_space<vmem>> -> memref<40xi32, #tpu.memory_space<vmem>>
          %dma_start3A_368 = tpu.memref_slice %arg2[%add3A_354] : memref<320000xi32, #tpu.memory_space<hbm>> -> memref<40xi32, #tpu.memory_space<hbm>>
          %dma_start3A_369 = arith.constant 0 : i32
          %dma_start3A_370 = tpu.memref_slice %arg8[%dma_start3A_364, %dma_start3A_369] : memref<2x80xi32, #tpu.memory_space<vmem>> -> memref<1x40xi32, #tpu.memory_space<vmem>>
          %dma_start3A_371 = tpu.memref_squeeze %dma_start3A_370 : memref<1x40xi32, #tpu.memory_space<vmem>> -> memref<40xi32, #tpu.memory_space<vmem>>
          %dma_start3A_372 = tpu.memref_slice %arg2[%add3A_354] : memref<320000xi32, #tpu.memory_space<hbm>> -> memref<40xi32, #tpu.memory_space<hbm>>
          tpu.enqueue_dma source(%dma_start3A_372 : memref<40xi32, #tpu.memory_space<hbm>>) target(%dma_start3A_371 : memref<40xi32, #tpu.memory_space<vmem>>) target_semaphore(%arg14 : memref<!tpu.dma_semaphore, #tpu.memory_space<semaphore_mem>>)
          %dma_start3A_373 = arith.constant 0 : i32
          %dma_start3A_374 = arith.constant 40 : i32
          %dma_start3A_375 = tpu.memref_slice %arg8[%dma_start3A_373, %dma_start3A_374] : memref<2x80xi32, #tpu.memory_space<vmem>> -> memref<1x40xi32, #tpu.memory_space<vmem>>
          %dma_start3A_376 = tpu.memref_squeeze %dma_start3A_375 : memref<1x40xi32, #tpu.memory_space<vmem>> -> memref<40xi32, #tpu.memory_space<vmem>>
          %dma_start3A_377 = tpu.memref_slice %arg2[%add3A_363] : memref<320000xi32, #tpu.memory_space<hbm>> -> memref<40xi32, #tpu.memory_space<hbm>>
          %dma_start3A_378 = arith.constant 40 : i32
          %dma_start3A_379 = tpu.memref_slice %arg8[%dma_start3A_373, %dma_start3A_378] : memref<2x80xi32, #tpu.memory_space<vmem>> -> memref<1x40xi32, #tpu.memory_space<vmem>>
          %dma_start3A_380 = tpu.memref_squeeze %dma_start3A_379 : memref<1x40xi32, #tpu.memory_space<vmem>> -> memref<40xi32, #tpu.memory_space<vmem>>
          %dma_start3A_381 = tpu.memref_slice %arg2[%add3A_363] : memref<320000xi32, #tpu.memory_space<hbm>> -> memref<40xi32, #tpu.memory_space<hbm>>
          tpu.enqueue_dma source(%dma_start3A_381 : memref<40xi32, #tpu.memory_space<hbm>>) target(%dma_start3A_380 : memref<40xi32, #tpu.memory_space<vmem>>) target_semaphore(%arg14 : memref<!tpu.dma_semaphore, #tpu.memory_space<semaphore_mem>>)
        } else {
        }
      } else {
      }
      %add3A_198 = arith.constant 1 : i32
      %add3A_199 = arith.addi %mul3A_190, %add3A_198 : i32
      %lt3A_200 = arith.constant 125 : i32
      %lt3A_201 = arith.cmpi slt, %add3A_199, %lt3A_200 : i32
      %convert_element_type3A_202 = arith.extui %lt3A_201 : i1 to i32
      %cond3A_203 = arith.constant 0 : i32
      %cond3A_204 = arith.cmpi ne, %convert_element_type3A_202, %cond3A_203 : i32
      scf.if %cond3A_204 {
        %mul3A_206 = arith.constant 40 : i32
        %mul3A_207 = arith.muli %add3A_199, %mul3A_206 : i32
        %mul3A_208 = arith.constant 40 : i32
        %mul3A_209 = arith.muli %add3A_199, %mul3A_208 : i32
        %dma_wait3A_210 = arith.constant 1 : i32
        %dma_wait3A_211 = arith.constant 0 : i32
        %dma_wait3A_212 = arith.constant 0 : i32
        %dma_wait3A_213 = tpu.memref_slice %arg9[%dma_wait3A_210, %dma_wait3A_211, %dma_wait3A_212] : memref<2x80x128xf32, #tpu.memory_space<vmem>> -> memref<1x40x128xf32, #tpu.memory_space<vmem>>
        %dma_wait3A_214 = tpu.memref_squeeze %dma_wait3A_213 : memref<1x40x128xf32, #tpu.memory_space<vmem>> -> memref<40x128xf32, #tpu.memory_space<vmem>>
        %dma_wait3A_215 = tpu.memref_slice %arg6[%mul3A_207] : memref<5000xi32, #tpu.memory_space<vmem>> -> memref<40xi32, #tpu.memory_space<vmem>>
        %dma_wait3A_216 = arith.constant 0 : i32
        %dma_wait3A_217 = arith.constant 0 : i32
        %dma_wait3A_218 = tpu.memref_slice %arg3[%arg0, %dma_wait3A_216, %dma_wait3A_217] : memref<2x10000x128xf32, #tpu.memory_space<hbm>> -> memref<1x10000x128xf32, #tpu.memory_space<hbm>>
        %dma_wait3A_219 = tpu.memref_squeeze %dma_wait3A_218 : memref<1x10000x128xf32, #tpu.memory_space<hbm>> -> memref<10000x128xf32, #tpu.memory_space<hbm>>
        %dma_wait3A_220 = arith.constant 0 : i32
        %dma_wait3A_221 = arith.constant 0 : i32
        %dma_wait3A_222 = tpu.memref_slice %dma_wait3A_219[%dma_wait3A_220, %dma_wait3A_221] : memref<10000x128xf32, #tpu.memory_space<hbm>> -> memref<10000x128xf32, #tpu.memory_space<hbm>>
        tpu.wait_indirect_dma semaphore(%arg17 : memref<!tpu.dma_semaphore, #tpu.memory_space<semaphore_mem>>) src(%dma_wait3A_222 : memref<10000x128xf32, #tpu.memory_space<hbm>>) dst(%dma_wait3A_214 : memref<40x128xf32, #tpu.memory_space<vmem>>)
        %dma_wait3A_223 = arith.constant 1 : i32
        %dma_wait3A_224 = arith.constant 40 : i32
        %dma_wait3A_225 = arith.constant 0 : i32
        %dma_wait3A_226 = tpu.memref_slice %arg9[%dma_wait3A_223, %dma_wait3A_224, %dma_wait3A_225] : memref<2x80x128xf32, #tpu.memory_space<vmem>> -> memref<1x40x128xf32, #tpu.memory_space<vmem>>
        %dma_wait3A_227 = tpu.memref_squeeze %dma_wait3A_226 : memref<1x40x128xf32, #tpu.memory_space<vmem>> -> memref<40x128xf32, #tpu.memory_space<vmem>>
        %dma_wait3A_228 = tpu.memref_slice %arg7[%mul3A_209] : memref<5000xi32, #tpu.memory_space<vmem>> -> memref<40xi32, #tpu.memory_space<vmem>>
        %dma_wait3A_229 = arith.constant 0 : i32
        %dma_wait3A_230 = arith.constant 0 : i32
        %dma_wait3A_231 = tpu.memref_slice %arg3[%arg0, %dma_wait3A_229, %dma_wait3A_230] : memref<2x10000x128xf32, #tpu.memory_space<hbm>> -> memref<1x10000x128xf32, #tpu.memory_space<hbm>>
        %dma_wait3A_232 = tpu.memref_squeeze %dma_wait3A_231 : memref<1x10000x128xf32, #tpu.memory_space<hbm>> -> memref<10000x128xf32, #tpu.memory_space<hbm>>
        %dma_wait3A_233 = arith.constant 0 : i32
        %dma_wait3A_234 = arith.constant 0 : i32
        %dma_wait3A_235 = tpu.memref_slice %dma_wait3A_232[%dma_wait3A_233, %dma_wait3A_234] : memref<10000x128xf32, #tpu.memory_space<hbm>> -> memref<10000x128xf32, #tpu.memory_space<hbm>>
        tpu.wait_indirect_dma semaphore(%arg17 : memref<!tpu.dma_semaphore, #tpu.memory_space<semaphore_mem>>) src(%dma_wait3A_235 : memref<10000x128xf32, #tpu.memory_space<hbm>>) dst(%dma_wait3A_227 : memref<40x128xf32, #tpu.memory_space<vmem>>)
        %mul3A_236 = arith.constant 80000 : i32
        %mul3A_237 = arith.muli %arg0, %mul3A_236 : i32
        %mul3A_238 = arith.constant 5000 : i32
        %mul3A_239 = arith.muli %arg1, %mul3A_238 : i32
        %add3A_240 = arith.addi %mul3A_237, %mul3A_239 : i32
        %mul3A_241 = arith.constant 40 : i32
        %mul3A_242 = arith.muli %add3A_199, %mul3A_241 : i32
        %add3A_243 = arith.addi %add3A_240, %mul3A_242 : i32
        %dma_wait3A_244 = arith.constant 0 : i32
        %dma_wait3A_245 = tpu.memref_slice %arg4[%add3A_243, %dma_wait3A_244] : memref<160000x128xi32, #tpu.memory_space<hbm>> -> memref<40x128xi32, #tpu.memory_space<hbm>>
        %dma_wait3A_246 = arith.constant 0 : i32
        %dma_wait3A_247 = tpu.memref_slice %arg4[%add3A_243, %dma_wait3A_246] : memref<160000x128xi32, #tpu.memory_space<hbm>> -> memref<40x128xi32, #tpu.memory_space<hbm>>
        tpu.wait_dma2 semaphore(%arg18 : memref<!tpu.dma_semaphore, #tpu.memory_space<semaphore_mem>>) src(%dma_wait3A_247 : memref<40x128xi32, #tpu.memory_space<hbm>>) dst(%arg10 : memref<40x128xi32, #tpu.memory_space<vmem>>)
        %ge3A = arith.constant 1 : i32
        %ge3A_248 = arith.cmpi sge, %add3A_199, %ge3A : i32
        %convert_element_type3A_249 = arith.extui %ge3A_248 : i1 to i32
        %cond3A_250 = arith.constant 0 : i32
        %cond3A_251 = arith.cmpi ne, %convert_element_type3A_249, %cond3A_250 : i32
        scf.if %cond3A_251 {
          %dma_wait3A_314 = arith.constant 0 : i32
          %dma_wait3A_315 = arith.constant 0 : i32
          %dma_wait3A_316 = tpu.memref_slice %arg8[%dma_wait3A_314, %dma_wait3A_315] : memref<2x80xi32, #tpu.memory_space<vmem>> -> memref<1x80xi32, #tpu.memory_space<vmem>>
          %dma_wait3A_317 = tpu.memref_squeeze %dma_wait3A_316 : memref<1x80xi32, #tpu.memory_space<vmem>> -> memref<80xi32, #tpu.memory_space<vmem>>
          %dma_wait3A_318 = arith.constant 0 : i32
          %dma_wait3A_319 = arith.constant 0 : i32
          %dma_wait3A_320 = tpu.memref_slice %arg12[%dma_wait3A_318, %dma_wait3A_319] : memref<10000x128xf32, #tpu.memory_space<vmem_shared>> -> memref<10000x128xf32, #tpu.memory_space<vmem_shared>>
          tpu.wait_indirect_dma semaphore(%arg19 : memref<!tpu.dma_semaphore, #tpu.memory_space<semaphore_mem>>) src(%arg11 : memref<80x128xf32, #tpu.memory_space<vmem>>) dst(%dma_wait3A_320 : memref<10000x128xf32, #tpu.memory_space<vmem_shared>>)
        } else {
        }
        %scan3A_252 = arith.constant 0 : i32
        %scan3A_253 = arith.constant 0 : i32
        %scan3A_254 = arith.constant 40 : i32
        %scan3A_255 = arith.addi %scan3A_253, %scan3A_254 : i32
        %scan3A_256 = arith.constant 1 : i32
        %scan3A_257 = scf.for %scan3A_314 = %scan3A_253 to %scan3A_255 step %scan3A_256 iter_args(%scan3A_315 = %scan3A_252) -> (i32)  : i32 {
          %add3A_316 = arith.constant 0 : i32
          %add3A_317 = arith.addi %scan3A_314, %add3A_316 : i32
          %get3A = arith.index_cast %scan3A_314 : i32 to index
          %get3A_318 = arith.constant 0 : index
          %get3A_319 = tpu.vector_load %arg10[%get3A, %get3A_318] {strides = array<i32>} : memref<40x128xi32, #tpu.memory_space<vmem>>, vector<1x16xi32>,
          %get3A_320 = vector.shape_cast %get3A_319 : vector<1x16xi32> to vector<16xi32>
          %shift_left3A = arith.constant 16 : i32
          %shift_left3A_321 = vector.broadcast %shift_left3A : i32 to vector<16xi32>
          %shift_left3A_322 = arith.shli %get3A_320, %shift_left3A_321 : vector<16xi32>
          %bitcast_convert_type3A = tpu.bitcast %shift_left3A_322 : vector<16xi32> -> vector<16xf32>
          %and3A = arith.andi %get3A_320, %broadcast_in_dim3A_161 : vector<16xi32>
          %bitcast_convert_type3A_323 = tpu.bitcast %and3A : vector<16xi32> -> vector<16xf32>
          %get3A_324 = arith.constant 1 : i32
          %get3A_325 = arith.index_cast %get3A_324 : i32 to index
          %get3A_326 = arith.index_cast %add3A_317 : i32 to index
          %get3A_327 = arith.constant 0 : index
          %get3A_328 = tpu.vector_load %arg9[%get3A_325, %get3A_326, %get3A_327] {strides = array<i32>} : memref<2x80x128xf32, #tpu.memory_space<vmem>>, vector<1x1x16xf32>,
          %get3A_329 = vector.shape_cast %get3A_328 : vector<1x1x16xf32> to vector<16xf32>
          %mul3A_330 = arith.mulf %get3A_329, %bitcast_convert_type3A : vector<16xf32>
          %swap3A = arith.index_cast %add3A_317 : i32 to index
          %swap3A_331 = arith.constant 0 : index
          %swap3A_332 = tpu.vector_load %arg11[%swap3A, %swap3A_331] {strides = array<i32>} : memref<80x128xf32, #tpu.memory_space<vmem>>, vector<1x16xf32>,
          %swap3A_333 = vector.shape_cast %swap3A_332 : vector<1x16xf32> to vector<16xf32>
          %swap3A_334 = vector.shape_cast %mul3A_330 : vector<16xf32> to vector<1x16xf32>
          tpu.vector_store %arg11[%swap3A, %swap3A_331], %swap3A_334 {strides = array<i32>} : memref<80x128xf32, #tpu.memory_space<vmem>>, vector<1x16xf32>,
          %get3A_335 = arith.constant 1 : i32
          %get3A_336 = arith.index_cast %get3A_335 : i32 to index
          %get3A_337 = arith.index_cast %add3A_317 : i32 to index
          %get3A_338 = arith.constant 16 : index
          %get3A_339 = tpu.vector_load %arg9[%get3A_336, %get3A_337, %get3A_338] {strides = array<i32>} : memref<2x80x128xf32, #tpu.memory_space<vmem>>, vector<1x1x16xf32>,
          %get3A_340 = vector.shape_cast %get3A_339 : vector<1x1x16xf32> to vector<16xf32>
          %mul3A_341 = arith.mulf %get3A_340, %bitcast_convert_type3A_323 : vector<16xf32>
          %swap3A_342 = arith.index_cast %add3A_317 : i32 to index
          %swap3A_343 = arith.constant 16 : index
          %swap3A_344 = tpu.vector_load %arg11[%swap3A_342, %swap3A_343] {strides = array<i32>} : memref<80x128xf32, #tpu.memory_space<vmem>>, vector<1x16xf32>,
          %swap3A_345 = vector.shape_cast %swap3A_344 : vector<1x16xf32> to vector<16xf32>
          %swap3A_346 = vector.shape_cast %mul3A_341 : vector<16xf32> to vector<1x16xf32>
          tpu.vector_store %arg11[%swap3A_342, %swap3A_343], %swap3A_346 {strides = array<i32>} : memref<80x128xf32, #tpu.memory_space<vmem>>, vector<1x16xf32>,
          %get3A_347 = arith.index_cast %scan3A_314 : i32 to index
          %get3A_348 = arith.constant 16 : index
          %get3A_349 = tpu.vector_load %arg10[%get3A_347, %get3A_348] {strides = array<i32>} : memref<40x128xi32, #tpu.memory_space<vmem>>, vector<1x16xi32>,
          %get3A_350 = vector.shape_cast %get3A_349 : vector<1x16xi32> to vector<16xi32>
          %shift_left3A_351 = arith.constant 16 : i32
          %shift_left3A_352 = vector.broadcast %shift_left3A_351 : i32 to vector<16xi32>
          %shift_left3A_353 = arith.shli %get3A_350, %shift_left3A_352 : vector<16xi32>
          %bitcast_convert_type3A_354 = tpu.bitcast %shift_left3A_353 : vector<16xi32> -> vector<16xf32>
          %and3A_355 = arith.andi %get3A_350, %broadcast_in_dim3A_161 : vector<16xi32>
          %bitcast_convert_type3A_356 = tpu.bitcast %and3A_355 : vector<16xi32> -> vector<16xf32>
          %get3A_357 = arith.constant 1 : i32
          %get3A_358 = arith.index_cast %get3A_357 : i32 to index
          %get3A_359 = arith.index_cast %add3A_317 : i32 to index
          %get3A_360 = arith.constant 32 : index
          %get3A_361 = tpu.vector_load %arg9[%get3A_358, %get3A_359, %get3A_360] {strides = array<i32>} : memref<2x80x128xf32, #tpu.memory_space<vmem>>, vector<1x1x16xf32>,
          %get3A_362 = vector.shape_cast %get3A_361 : vector<1x1x16xf32> to vector<16xf32>
          %mul3A_363 = arith.mulf %get3A_362, %bitcast_convert_type3A_354 : vector<16xf32>
          %swap3A_364 = arith.index_cast %add3A_317 : i32 to index
          %swap3A_365 = arith.constant 32 : index
          %swap3A_366 = tpu.vector_load %arg11[%swap3A_364, %swap3A_365] {strides = array<i32>} : memref<80x128xf32, #tpu.memory_space<vmem>>, vector<1x16xf32>,
          %swap3A_367 = vector.shape_cast %swap3A_366 : vector<1x16xf32> to vector<16xf32>
          %swap3A_368 = vector.shape_cast %mul3A_363 : vector<16xf32> to vector<1x16xf32>
          tpu.vector_store %arg11[%swap3A_364, %swap3A_365], %swap3A_368 {strides = array<i32>} : memref<80x128xf32, #tpu.memory_space<vmem>>, vector<1x16xf32>,
          %get3A_369 = arith.constant 1 : i32
          %get3A_370 = arith.index_cast %get3A_369 : i32 to index
          %get3A_371 = arith.index_cast %add3A_317 : i32 to index
          %get3A_372 = arith.constant 48 : index
          %get3A_373 = tpu.vector_load %arg9[%get3A_370, %get3A_371, %get3A_372] {strides = array<i32>} : memref<2x80x128xf32, #tpu.memory_space<vmem>>, vector<1x1x16xf32>,
          %get3A_374 = vector.shape_cast %get3A_373 : vector<1x1x16xf32> to vector<16xf32>
          %mul3A_375 = arith.mulf %get3A_374, %bitcast_convert_type3A_356 : vector<16xf32>
          %swap3A_376 = arith.index_cast %add3A_317 : i32 to index
          %swap3A_377 = arith.constant 48 : index
          %swap3A_378 = tpu.vector_load %arg11[%swap3A_376, %swap3A_377] {strides = array<i32>} : memref<80x128xf32, #tpu.memory_space<vmem>>, vector<1x16xf32>,
          %swap3A_379 = vector.shape_cast %swap3A_378 : vector<1x16xf32> to vector<16xf32>
          %swap3A_380 = vector.shape_cast %mul3A_375 : vector<16xf32> to vector<1x16xf32>
          tpu.vector_store %arg11[%swap3A_376, %swap3A_377], %swap3A_380 {strides = array<i32>} : memref<80x128xf32, #tpu.memory_space<vmem>>, vector<1x16xf32>,
          %get3A_381 = arith.index_cast %scan3A_314 : i32 to index
          %get3A_382 = arith.constant 32 : index
          %get3A_383 = tpu.vector_load %arg10[%get3A_381, %get3A_382] {strides = array<i32>} : memref<40x128xi32, #tpu.memory_space<vmem>>, vector<1x16xi32>,
          %get3A_384 = vector.shape_cast %get3A_383 : vector<1x16xi32> to vector<16xi32>
          %shift_left3A_385 = arith.constant 16 : i32
          %shift_left3A_386 = vector.broadcast %shift_left3A_385 : i32 to vector<16xi32>
          %shift_left3A_387 = arith.shli %get3A_384, %shift_left3A_386 : vector<16xi32>
          %bitcast_convert_type3A_388 = tpu.bitcast %shift_left3A_387 : vector<16xi32> -> vector<16xf32>
          %and3A_389 = arith.andi %get3A_384, %broadcast_in_dim3A_161 : vector<16xi32>
          %bitcast_convert_type3A_390 = tpu.bitcast %and3A_389 : vector<16xi32> -> vector<16xf32>
          %get3A_391 = arith.constant 1 : i32
          %get3A_392 = arith.index_cast %get3A_391 : i32 to index
          %get3A_393 = arith.index_cast %add3A_317 : i32 to index
          %get3A_394 = arith.constant 64 : index
          %get3A_395 = tpu.vector_load %arg9[%get3A_392, %get3A_393, %get3A_394] {strides = array<i32>} : memref<2x80x128xf32, #tpu.memory_space<vmem>>, vector<1x1x16xf32>,
          %get3A_396 = vector.shape_cast %get3A_395 : vector<1x1x16xf32> to vector<16xf32>
          %mul3A_397 = arith.mulf %get3A_396, %bitcast_convert_type3A_388 : vector<16xf32>
          %swap3A_398 = arith.index_cast %add3A_317 : i32 to index
          %swap3A_399 = arith.constant 64 : index
          %swap3A_400 = tpu.vector_load %arg11[%swap3A_398, %swap3A_399] {strides = array<i32>} : memref<80x128xf32, #tpu.memory_space<vmem>>, vector<1x16xf32>,
          %swap3A_401 = vector.shape_cast %swap3A_400 : vector<1x16xf32> to vector<16xf32>
          %swap3A_402 = vector.shape_cast %mul3A_397 : vector<16xf32> to vector<1x16xf32>
          tpu.vector_store %arg11[%swap3A_398, %swap3A_399], %swap3A_402 {strides = array<i32>} : memref<80x128xf32, #tpu.memory_space<vmem>>, vector<1x16xf32>,
          %get3A_403 = arith.constant 1 : i32
          %get3A_404 = arith.index_cast %get3A_403 : i32 to index
          %get3A_405 = arith.index_cast %add3A_317 : i32 to index
          %get3A_406 = arith.constant 80 : index
          %get3A_407 = tpu.vector_load %arg9[%get3A_404, %get3A_405, %get3A_406] {strides = array<i32>} : memref<2x80x128xf32, #tpu.memory_space<vmem>>, vector<1x1x16xf32>,
          %get3A_408 = vector.shape_cast %get3A_407 : vector<1x1x16xf32> to vector<16xf32>
          %mul3A_409 = arith.mulf %get3A_408, %bitcast_convert_type3A_390 : vector<16xf32>
          %swap3A_410 = arith.index_cast %add3A_317 : i32 to index
          %swap3A_411 = arith.constant 80 : index
          %swap3A_412 = tpu.vector_load %arg11[%swap3A_410, %swap3A_411] {strides = array<i32>} : memref<80x128xf32, #tpu.memory_space<vmem>>, vector<1x16xf32>,
          %swap3A_413 = vector.shape_cast %swap3A_412 : vector<1x16xf32> to vector<16xf32>
          %swap3A_414 = vector.shape_cast %mul3A_409 : vector<16xf32> to vector<1x16xf32>
          tpu.vector_store %arg11[%swap3A_410, %swap3A_411], %swap3A_414 {strides = array<i32>} : memref<80x128xf32, #tpu.memory_space<vmem>>, vector<1x16xf32>,
          %get3A_415 = arith.index_cast %scan3A_314 : i32 to index
          %get3A_416 = arith.constant 48 : index
          %get3A_417 = tpu.vector_load %arg10[%get3A_415, %get3A_416] {strides = array<i32>} : memref<40x128xi32, #tpu.memory_space<vmem>>, vector<1x16xi32>,
          %get3A_418 = vector.shape_cast %get3A_417 : vector<1x16xi32> to vector<16xi32>
          %shift_left3A_419 = arith.constant 16 : i32
          %shift_left3A_420 = vector.broadcast %shift_left3A_419 : i32 to vector<16xi32>
          %shift_left3A_421 = arith.shli %get3A_418, %shift_left3A_420 : vector<16xi32>
          %bitcast_convert_type3A_422 = tpu.bitcast %shift_left3A_421 : vector<16xi32> -> vector<16xf32>
          %and3A_423 = arith.andi %get3A_418, %broadcast_in_dim3A_161 : vector<16xi32>
          %bitcast_convert_type3A_424 = tpu.bitcast %and3A_423 : vector<16xi32> -> vector<16xf32>
          %get3A_425 = arith.constant 1 : i32
          %get3A_426 = arith.index_cast %get3A_425 : i32 to index
          %get3A_427 = arith.index_cast %add3A_317 : i32 to index
          %get3A_428 = arith.constant 96 : index
          %get3A_429 = tpu.vector_load %arg9[%get3A_426, %get3A_427, %get3A_428] {strides = array<i32>} : memref<2x80x128xf32, #tpu.memory_space<vmem>>, vector<1x1x16xf32>,
          %get3A_430 = vector.shape_cast %get3A_429 : vector<1x1x16xf32> to vector<16xf32>
          %mul3A_431 = arith.mulf %get3A_430, %bitcast_convert_type3A_422 : vector<16xf32>
          %swap3A_432 = arith.index_cast %add3A_317 : i32 to index
          %swap3A_433 = arith.constant 96 : index
          %swap3A_434 = tpu.vector_load %arg11[%swap3A_432, %swap3A_433] {strides = array<i32>} : memref<80x128xf32, #tpu.memory_space<vmem>>, vector<1x16xf32>,
          %swap3A_435 = vector.shape_cast %swap3A_434 : vector<1x16xf32> to vector<16xf32>
          %swap3A_436 = vector.shape_cast %mul3A_431 : vector<16xf32> to vector<1x16xf32>
          tpu.vector_store %arg11[%swap3A_432, %swap3A_433], %swap3A_436 {strides = array<i32>} : memref<80x128xf32, #tpu.memory_space<vmem>>, vector<1x16xf32>,
          %get3A_437 = arith.constant 1 : i32
          %get3A_438 = arith.index_cast %get3A_437 : i32 to index
          %get3A_439 = arith.index_cast %add3A_317 : i32 to index
          %get3A_440 = arith.constant 112 : index
          %get3A_441 = tpu.vector_load %arg9[%get3A_438, %get3A_439, %get3A_440] {strides = array<i32>} : memref<2x80x128xf32, #tpu.memory_space<vmem>>, vector<1x1x16xf32>,
          %get3A_442 = vector.shape_cast %get3A_441 : vector<1x1x16xf32> to vector<16xf32>
          %mul3A_443 = arith.mulf %get3A_442, %bitcast_convert_type3A_424 : vector<16xf32>
          %swap3A_444 = arith.index_cast %add3A_317 : i32 to index
          %swap3A_445 = arith.constant 112 : index
          %swap3A_446 = tpu.vector_load %arg11[%swap3A_444, %swap3A_445] {strides = array<i32>} : memref<80x128xf32, #tpu.memory_space<vmem>>, vector<1x16xf32>,
          %swap3A_447 = vector.shape_cast %swap3A_446 : vector<1x16xf32> to vector<16xf32>
          %swap3A_448 = vector.shape_cast %mul3A_443 : vector<16xf32> to vector<1x16xf32>
          tpu.vector_store %arg11[%swap3A_444, %swap3A_445], %swap3A_448 {strides = array<i32>} : memref<80x128xf32, #tpu.memory_space<vmem>>, vector<1x16xf32>,
          %add3A_449 = arith.constant 40 : i32
          %add3A_450 = arith.addi %scan3A_314, %add3A_449 : i32
          %get3A_451 = arith.index_cast %scan3A_314 : i32 to index
          %get3A_452 = arith.constant 64 : index
          %get3A_453 = tpu.vector_load %arg10[%get3A_451, %get3A_452] {strides = array<i32>} : memref<40x128xi32, #tpu.memory_space<vmem>>, vector<1x16xi32>,
          %get3A_454 = vector.shape_cast %get3A_453 : vector<1x16xi32> to vector<16xi32>
          %shift_left3A_455 = arith.constant 16 : i32
          %shift_left3A_456 = vector.broadcast %shift_left3A_455 : i32 to vector<16xi32>
          %shift_left3A_457 = arith.shli %get3A_454, %shift_left3A_456 : vector<16xi32>
          %bitcast_convert_type3A_458 = tpu.bitcast %shift_left3A_457 : vector<16xi32> -> vector<16xf32>
          %and3A_459 = arith.andi %get3A_454, %broadcast_in_dim3A_161 : vector<16xi32>
          %bitcast_convert_type3A_460 = tpu.bitcast %and3A_459 : vector<16xi32> -> vector<16xf32>
          %get3A_461 = arith.constant 1 : i32
          %get3A_462 = arith.index_cast %get3A_461 : i32 to index
          %get3A_463 = arith.index_cast %add3A_450 : i32 to index
          %get3A_464 = arith.constant 0 : index
          %get3A_465 = tpu.vector_load %arg9[%get3A_462, %get3A_463, %get3A_464] {strides = array<i32>} : memref<2x80x128xf32, #tpu.memory_space<vmem>>, vector<1x1x16xf32>,
          %get3A_466 = vector.shape_cast %get3A_465 : vector<1x1x16xf32> to vector<16xf32>
          %mul3A_467 = arith.mulf %get3A_466, %bitcast_convert_type3A_458 : vector<16xf32>
          %swap3A_468 = arith.index_cast %add3A_450 : i32 to index
          %swap3A_469 = arith.constant 0 : index
          %swap3A_470 = tpu.vector_load %arg11[%swap3A_468, %swap3A_469] {strides = array<i32>} : memref<80x128xf32, #tpu.memory_space<vmem>>, vector<1x16xf32>,
          %swap3A_471 = vector.shape_cast %swap3A_470 : vector<1x16xf32> to vector<16xf32>
          %swap3A_472 = vector.shape_cast %mul3A_467 : vector<16xf32> to vector<1x16xf32>
          tpu.vector_store %arg11[%swap3A_468, %swap3A_469], %swap3A_472 {strides = array<i32>} : memref<80x128xf32, #tpu.memory_space<vmem>>, vector<1x16xf32>,
          %get3A_473 = arith.constant 1 : i32
          %get3A_474 = arith.index_cast %get3A_473 : i32 to index
          %get3A_475 = arith.index_cast %add3A_450 : i32 to index
          %get3A_476 = arith.constant 16 : index
          %get3A_477 = tpu.vector_load %arg9[%get3A_474, %get3A_475, %get3A_476] {strides = array<i32>} : memref<2x80x128xf32, #tpu.memory_space<vmem>>, vector<1x1x16xf32>,
          %get3A_478 = vector.shape_cast %get3A_477 : vector<1x1x16xf32> to vector<16xf32>
          %mul3A_479 = arith.mulf %get3A_478, %bitcast_convert_type3A_460 : vector<16xf32>
          %swap3A_480 = arith.index_cast %add3A_450 : i32 to index
          %swap3A_481 = arith.constant 16 : index
          %swap3A_482 = tpu.vector_load %arg11[%swap3A_480, %swap3A_481] {strides = array<i32>} : memref<80x128xf32, #tpu.memory_space<vmem>>, vector<1x16xf32>,
          %swap3A_483 = vector.shape_cast %swap3A_482 : vector<1x16xf32> to vector<16xf32>
          %swap3A_484 = vector.shape_cast %mul3A_479 : vector<16xf32> to vector<1x16xf32>
          tpu.vector_store %arg11[%swap3A_480, %swap3A_481], %swap3A_484 {strides = array<i32>} : memref<80x128xf32, #tpu.memory_space<vmem>>, vector<1x16xf32>,
          %get3A_485 = arith.index_cast %scan3A_314 : i32 to index
          %get3A_486 = arith.constant 80 : index
          %get3A_487 = tpu.vector_load %arg10[%get3A_485, %get3A_486] {strides = array<i32>} : memref<40x128xi32, #tpu.memory_space<vmem>>, vector<1x16xi32>,
          %get3A_488 = vector.shape_cast %get3A_487 : vector<1x16xi32> to vector<16xi32>
          %shift_left3A_489 = arith.constant 16 : i32
          %shift_left3A_490 = vector.broadcast %shift_left3A_489 : i32 to vector<16xi32>
          %shift_left3A_491 = arith.shli %get3A_488, %shift_left3A_490 : vector<16xi32>
          %bitcast_convert_type3A_492 = tpu.bitcast %shift_left3A_491 : vector<16xi32> -> vector<16xf32>
          %and3A_493 = arith.andi %get3A_488, %broadcast_in_dim3A_161 : vector<16xi32>
          %bitcast_convert_type3A_494 = tpu.bitcast %and3A_493 : vector<16xi32> -> vector<16xf32>
          %get3A_495 = arith.constant 1 : i32
          %get3A_496 = arith.index_cast %get3A_495 : i32 to index
          %get3A_497 = arith.index_cast %add3A_450 : i32 to index
          %get3A_498 = arith.constant 32 : index
          %get3A_499 = tpu.vector_load %arg9[%get3A_496, %get3A_497, %get3A_498] {strides = array<i32>} : memref<2x80x128xf32, #tpu.memory_space<vmem>>, vector<1x1x16xf32>,
          %get3A_500 = vector.shape_cast %get3A_499 : vector<1x1x16xf32> to vector<16xf32>
          %mul3A_501 = arith.mulf %get3A_500, %bitcast_convert_type3A_492 : vector<16xf32>
          %swap3A_502 = arith.index_cast %add3A_450 : i32 to index
          %swap3A_503 = arith.constant 32 : index
          %swap3A_504 = tpu.vector_load %arg11[%swap3A_502, %swap3A_503] {strides = array<i32>} : memref<80x128xf32, #tpu.memory_space<vmem>>, vector<1x16xf32>,
          %swap3A_505 = vector.shape_cast %swap3A_504 : vector<1x16xf32> to vector<16xf32>
          %swap3A_506 = vector.shape_cast %mul3A_501 : vector<16xf32> to vector<1x16xf32>
          tpu.vector_store %arg11[%swap3A_502, %swap3A_503], %swap3A_506 {strides = array<i32>} : memref<80x128xf32, #tpu.memory_space<vmem>>, vector<1x16xf32>,
          %get3A_507 = arith.constant 1 : i32
          %get3A_508 = arith.index_cast %get3A_507 : i32 to index
          %get3A_509 = arith.index_cast %add3A_450 : i32 to index
          %get3A_510 = arith.constant 48 : index
          %get3A_511 = tpu.vector_load %arg9[%get3A_508, %get3A_509, %get3A_510] {strides = array<i32>} : memref<2x80x128xf32, #tpu.memory_space<vmem>>, vector<1x1x16xf32>,
          %get3A_512 = vector.shape_cast %get3A_511 : vector<1x1x16xf32> to vector<16xf32>
          %mul3A_513 = arith.mulf %get3A_512, %bitcast_convert_type3A_494 : vector<16xf32>
          %swap3A_514 = arith.index_cast %add3A_450 : i32 to index
          %swap3A_515 = arith.constant 48 : index
          %swap3A_516 = tpu.vector_load %arg11[%swap3A_514, %swap3A_515] {strides = array<i32>} : memref<80x128xf32, #tpu.memory_space<vmem>>, vector<1x16xf32>,
          %swap3A_517 = vector.shape_cast %swap3A_516 : vector<1x16xf32> to vector<16xf32>
          %swap3A_518 = vector.shape_cast %mul3A_513 : vector<16xf32> to vector<1x16xf32>
          tpu.vector_store %arg11[%swap3A_514, %swap3A_515], %swap3A_518 {strides = array<i32>} : memref<80x128xf32, #tpu.memory_space<vmem>>, vector<1x16xf32>,
          %get3A_519 = arith.index_cast %scan3A_314 : i32 to index
          %get3A_520 = arith.constant 96 : index
          %get3A_521 = tpu.vector_load %arg10[%get3A_519, %get3A_520] {strides = array<i32>} : memref<40x128xi32, #tpu.memory_space<vmem>>, vector<1x16xi32>,
          %get3A_522 = vector.shape_cast %get3A_521 : vector<1x16xi32> to vector<16xi32>
          %shift_left3A_523 = arith.constant 16 : i32
          %shift_left3A_524 = vector.broadcast %shift_left3A_523 : i32 to vector<16xi32>
          %shift_left3A_525 = arith.shli %get3A_522, %shift_left3A_524 : vector<16xi32>
          %bitcast_convert_type3A_526 = tpu.bitcast %shift_left3A_525 : vector<16xi32> -> vector<16xf32>
          %and3A_527 = arith.andi %get3A_522, %broadcast_in_dim3A_161 : vector<16xi32>
          %bitcast_convert_type3A_528 = tpu.bitcast %and3A_527 : vector<16xi32> -> vector<16xf32>
          %get3A_529 = arith.constant 1 : i32
          %get3A_530 = arith.index_cast %get3A_529 : i32 to index
          %get3A_531 = arith.index_cast %add3A_450 : i32 to index
          %get3A_532 = arith.constant 64 : index
          %get3A_533 = tpu.vector_load %arg9[%get3A_530, %get3A_531, %get3A_532] {strides = array<i32>} : memref<2x80x128xf32, #tpu.memory_space<vmem>>, vector<1x1x16xf32>,
          %get3A_534 = vector.shape_cast %get3A_533 : vector<1x1x16xf32> to vector<16xf32>
          %mul3A_535 = arith.mulf %get3A_534, %bitcast_convert_type3A_526 : vector<16xf32>
          %swap3A_536 = arith.index_cast %add3A_450 : i32 to index
          %swap3A_537 = arith.constant 64 : index
          %swap3A_538 = tpu.vector_load %arg11[%swap3A_536, %swap3A_537] {strides = array<i32>} : memref<80x128xf32, #tpu.memory_space<vmem>>, vector<1x16xf32>,
          %swap3A_539 = vector.shape_cast %swap3A_538 : vector<1x16xf32> to vector<16xf32>
          %swap3A_540 = vector.shape_cast %mul3A_535 : vector<16xf32> to vector<1x16xf32>
          tpu.vector_store %arg11[%swap3A_536, %swap3A_537], %swap3A_540 {strides = array<i32>} : memref<80x128xf32, #tpu.memory_space<vmem>>, vector<1x16xf32>,
          %get3A_541 = arith.constant 1 : i32
          %get3A_542 = arith.index_cast %get3A_541 : i32 to index
          %get3A_543 = arith.index_cast %add3A_450 : i32 to index
          %get3A_544 = arith.constant 80 : index
          %get3A_545 = tpu.vector_load %arg9[%get3A_542, %get3A_543, %get3A_544] {strides = array<i32>} : memref<2x80x128xf32, #tpu.memory_space<vmem>>, vector<1x1x16xf32>,
          %get3A_546 = vector.shape_cast %get3A_545 : vector<1x1x16xf32> to vector<16xf32>
          %mul3A_547 = arith.mulf %get3A_546, %bitcast_convert_type3A_528 : vector<16xf32>
          %swap3A_548 = arith.index_cast %add3A_450 : i32 to index
          %swap3A_549 = arith.constant 80 : index
          %swap3A_550 = tpu.vector_load %arg11[%swap3A_548, %swap3A_549] {strides = array<i32>} : memref<80x128xf32, #tpu.memory_space<vmem>>, vector<1x16xf32>,
          %swap3A_551 = vector.shape_cast %swap3A_550 : vector<1x16xf32> to vector<16xf32>
          %swap3A_552 = vector.shape_cast %mul3A_547 : vector<16xf32> to vector<1x16xf32>
          tpu.vector_store %arg11[%swap3A_548, %swap3A_549], %swap3A_552 {strides = array<i32>} : memref<80x128xf32, #tpu.memory_space<vmem>>, vector<1x16xf32>,
          %get3A_553 = arith.index_cast %scan3A_314 : i32 to index
          %get3A_554 = arith.constant 112 : index
          %get3A_555 = tpu.vector_load %arg10[%get3A_553, %get3A_554] {strides = array<i32>} : memref<40x128xi32, #tpu.memory_space<vmem>>, vector<1x16xi32>,
          %get3A_556 = vector.shape_cast %get3A_555 : vector<1x16xi32> to vector<16xi32>
          %shift_left3A_557 = arith.constant 16 : i32
          %shift_left3A_558 = vector.broadcast %shift_left3A_557 : i32 to vector<16xi32>
          %shift_left3A_559 = arith.shli %get3A_556, %shift_left3A_558 : vector<16xi32>
          %bitcast_convert_type3A_560 = tpu.bitcast %shift_left3A_559 : vector<16xi32> -> vector<16xf32>
          %and3A_561 = arith.andi %get3A_556, %broadcast_in_dim3A_161 : vector<16xi32>
          %bitcast_convert_type3A_562 = tpu.bitcast %and3A_561 : vector<16xi32> -> vector<16xf32>
          %get3A_563 = arith.constant 1 : i32
          %get3A_564 = arith.index_cast %get3A_563 : i32 to index
          %get3A_565 = arith.index_cast %add3A_450 : i32 to index
          %get3A_566 = arith.constant 96 : index
          %get3A_567 = tpu.vector_load %arg9[%get3A_564, %get3A_565, %get3A_566] {strides = array<i32>} : memref<2x80x128xf32, #tpu.memory_space<vmem>>, vector<1x1x16xf32>,
          %get3A_568 = vector.shape_cast %get3A_567 : vector<1x1x16xf32> to vector<16xf32>
          %mul3A_569 = arith.mulf %get3A_568, %bitcast_convert_type3A_560 : vector<16xf32>
          %swap3A_570 = arith.index_cast %add3A_450 : i32 to index
          %swap3A_571 = arith.constant 96 : index
          %swap3A_572 = tpu.vector_load %arg11[%swap3A_570, %swap3A_571] {strides = array<i32>} : memref<80x128xf32, #tpu.memory_space<vmem>>, vector<1x16xf32>,
          %swap3A_573 = vector.shape_cast %swap3A_572 : vector<1x16xf32> to vector<16xf32>
          %swap3A_574 = vector.shape_cast %mul3A_569 : vector<16xf32> to vector<1x16xf32>
          tpu.vector_store %arg11[%swap3A_570, %swap3A_571], %swap3A_574 {strides = array<i32>} : memref<80x128xf32, #tpu.memory_space<vmem>>, vector<1x16xf32>,
          %get3A_575 = arith.constant 1 : i32
          %get3A_576 = arith.index_cast %get3A_575 : i32 to index
          %get3A_577 = arith.index_cast %add3A_450 : i32 to index
          %get3A_578 = arith.constant 112 : index
          %get3A_579 = tpu.vector_load %arg9[%get3A_576, %get3A_577, %get3A_578] {strides = array<i32>} : memref<2x80x128xf32, #tpu.memory_space<vmem>>, vector<1x1x16xf32>,
          %get3A_580 = vector.shape_cast %get3A_579 : vector<1x1x16xf32> to vector<16xf32>
          %mul3A_581 = arith.mulf %get3A_580, %bitcast_convert_type3A_562 : vector<16xf32>
          %swap3A_582 = arith.index_cast %add3A_450 : i32 to index
          %swap3A_583 = arith.constant 112 : index
          %swap3A_584 = tpu.vector_load %arg11[%swap3A_582, %swap3A_583] {strides = array<i32>} : memref<80x128xf32, #tpu.memory_space<vmem>>, vector<1x16xf32>,
          %swap3A_585 = vector.shape_cast %swap3A_584 : vector<1x16xf32> to vector<16xf32>
          %swap3A_586 = vector.shape_cast %mul3A_581 : vector<16xf32> to vector<1x16xf32>
          tpu.vector_store %arg11[%swap3A_582, %swap3A_583], %swap3A_586 {strides = array<i32>} : memref<80x128xf32, #tpu.memory_space<vmem>>, vector<1x16xf32>,
          %scan3A_587 = arith.constant 0 : i32
          scf.yield %scan3A_587 : i32
        }
        %scan3A_258 = arith.constant 40 : i32
        %mul3A_259 = arith.constant 5000 : i32
        %mul3A_260 = arith.muli %arg1, %mul3A_259 : i32
        %add3A_261 = arith.constant 160000 : i32
        %add3A_262 = arith.addi %add3A_261, %mul3A_260 : i32
        %mul3A_263 = arith.constant 40 : i32
        %mul3A_264 = arith.muli %add3A_199, %mul3A_263 : i32
        %add3A_265 = arith.addi %add3A_262, %mul3A_264 : i32
        %add3A_266 = arith.constant 16 : i32
        %add3A_267 = arith.addi %add3A_266, %arg1 : i32
        %mul3A_268 = arith.constant 5000 : i32
        %mul3A_269 = arith.muli %add3A_267, %mul3A_268 : i32
        %add3A_270 = arith.constant 160000 : i32
        %add3A_271 = arith.addi %add3A_270, %mul3A_269 : i32
        %mul3A_272 = arith.constant 40 : i32
        %mul3A_273 = arith.muli %add3A_199, %mul3A_272 : i32
        %add3A_274 = arith.addi %add3A_271, %mul3A_273 : i32
        %dma_wait3A_275 = arith.constant 1 : i32
        %dma_wait3A_276 = arith.constant 0 : i32
        %dma_wait3A_277 = tpu.memref_slice %arg8[%dma_wait3A_275, %dma_wait3A_276] : memref<2x80xi32, #tpu.memory_space<vmem>> -> memref<1x40xi32, #tpu.memory_space<vmem>>
        %dma_wait3A_278 = tpu.memref_squeeze %dma_wait3A_277 : memref<1x40xi32, #tpu.memory_space<vmem>> -> memref<40xi32, #tpu.memory_space<vmem>>
        %dma_wait3A_279 = tpu.memref_slice %arg2[%add3A_265] : memref<320000xi32, #tpu.memory_space<hbm>> -> memref<40xi32, #tpu.memory_space<hbm>>
        %dma_wait3A_280 = arith.constant 0 : i32
        %dma_wait3A_281 = tpu.memref_slice %arg8[%dma_wait3A_275, %dma_wait3A_280] : memref<2x80xi32, #tpu.memory_space<vmem>> -> memref<1x40xi32, #tpu.memory_space<vmem>>
        %dma_wait3A_282 = tpu.memref_squeeze %dma_wait3A_281 : memref<1x40xi32, #tpu.memory_space<vmem>> -> memref<40xi32, #tpu.memory_space<vmem>>
        %dma_wait3A_283 = tpu.memref_slice %arg2[%add3A_265] : memref<320000xi32, #tpu.memory_space<hbm>> -> memref<40xi32, #tpu.memory_space<hbm>>
        tpu.wait_dma2 semaphore(%arg15 : memref<!tpu.dma_semaphore, #tpu.memory_space<semaphore_mem>>) src(%dma_wait3A_283 : memref<40xi32, #tpu.memory_space<hbm>>) dst(%dma_wait3A_282 : memref<40xi32, #tpu.memory_space<vmem>>)
        %dma_wait3A_284 = arith.constant 1 : i32
        %dma_wait3A_285 = arith.constant 40 : i32
        %dma_wait3A_286 = tpu.memref_slice %arg8[%dma_wait3A_284, %dma_wait3A_285] : memref<2x80xi32, #tpu.memory_space<vmem>> -> memref<1x40xi32, #tpu.memory_space<vmem>>
        %dma_wait3A_287 = tpu.memref_squeeze %dma_wait3A_286 : memref<1x40xi32, #tpu.memory_space<vmem>> -> memref<40xi32, #tpu.memory_space<vmem>>
        %dma_wait3A_288 = tpu.memref_slice %arg2[%add3A_274] : memref<320000xi32, #tpu.memory_space<hbm>> -> memref<40xi32, #tpu.memory_space<hbm>>
        %dma_wait3A_289 = arith.constant 40 : i32
        %dma_wait3A_290 = tpu.memref_slice %arg8[%dma_wait3A_284, %dma_wait3A_289] : memref<2x80xi32, #tpu.memory_space<vmem>> -> memref<1x40xi32, #tpu.memory_space<vmem>>
        %dma_wait3A_291 = tpu.memref_squeeze %dma_wait3A_290 : memref<1x40xi32, #tpu.memory_space<vmem>> -> memref<40xi32, #tpu.memory_space<vmem>>
        %dma_wait3A_292 = tpu.memref_slice %arg2[%add3A_274] : memref<320000xi32, #tpu.memory_space<hbm>> -> memref<40xi32, #tpu.memory_space<hbm>>
        tpu.wait_dma2 semaphore(%arg15 : memref<!tpu.dma_semaphore, #tpu.memory_space<semaphore_mem>>) src(%dma_wait3A_292 : memref<40xi32, #tpu.memory_space<hbm>>) dst(%dma_wait3A_291 : memref<40xi32, #tpu.memory_space<vmem>>)
        %dma_start3A_293 = arith.constant 1 : i32
        %dma_start3A_294 = arith.constant 0 : i32
        %dma_start3A_295 = tpu.memref_slice %arg8[%dma_start3A_293, %dma_start3A_294] : memref<2x80xi32, #tpu.memory_space<vmem>> -> memref<1x80xi32, #tpu.memory_space<vmem>>
        %dma_start3A_296 = tpu.memref_squeeze %dma_start3A_295 : memref<1x80xi32, #tpu.memory_space<vmem>> -> memref<80xi32, #tpu.memory_space<vmem>>
        %dma_start3A_297 = arith.constant 0 : i32
        %dma_start3A_298 = arith.constant 0 : i32
        %dma_start3A_299 = tpu.memref_slice %arg12[%dma_start3A_297, %dma_start3A_298] : memref<10000x128xf32, #tpu.memory_space<vmem_shared>> -> memref<10000x128xf32, #tpu.memory_space<vmem_shared>>
        tpu.enqueue_indirect_dma source(%arg11 : memref<80x128xf32, #tpu.memory_space<vmem>>) target(%dma_start3A_299 : memref<10000x128xf32, #tpu.memory_space<vmem_shared>>) offsets(%dma_start3A_296 : memref<80xi32, #tpu.memory_space<vmem>>) semaphore(%arg19 : memref<!tpu.dma_semaphore, #tpu.memory_space<semaphore_mem>>) {add = true}
        %add3A_300 = arith.constant 1 : i32
        %add3A_301 = arith.addi %add3A_199, %add3A_300 : i32
        %lt3A_302 = arith.constant 125 : i32
        %lt3A_303 = arith.cmpi slt, %add3A_301, %lt3A_302 : i32
        %convert_element_type3A_304 = arith.extui %lt3A_303 : i1 to i32
        %cond3A_305 = arith.constant 0 : i32
        %cond3A_306 = arith.cmpi ne, %convert_element_type3A_304, %cond3A_305 : i32
        scf.if %cond3A_306 {
          %add3A_314 = arith.constant 1 : i32
          %add3A_315 = arith.addi %add3A_199, %add3A_314 : i32
          %mul3A_316 = arith.constant 80000 : i32
          %mul3A_317 = arith.muli %arg0, %mul3A_316 : i32
          %mul3A_318 = arith.constant 5000 : i32
          %mul3A_319 = arith.muli %arg1, %mul3A_318 : i32
          %add3A_320 = arith.addi %mul3A_317, %mul3A_319 : i32
          %mul3A_321 = arith.constant 40 : i32
          %mul3A_322 = arith.muli %add3A_315, %mul3A_321 : i32
          %add3A_323 = arith.addi %add3A_320, %mul3A_322 : i32
          %dma_start3A_324 = arith.constant 0 : i32
          %dma_start3A_325 = tpu.memref_slice %arg4[%add3A_323, %dma_start3A_324] : memref<160000x128xi32, #tpu.memory_space<hbm>> -> memref<40x128xi32, #tpu.memory_space<hbm>>
          %dma_start3A_326 = arith.constant 0 : i32
          %dma_start3A_327 = tpu.memref_slice %arg4[%add3A_323, %dma_start3A_326] : memref<160000x128xi32, #tpu.memory_space<hbm>> -> memref<40x128xi32, #tpu.memory_space<hbm>>
          tpu.enqueue_dma source(%dma_start3A_327 : memref<40x128xi32, #tpu.memory_space<hbm>>) target(%arg10 : memref<40x128xi32, #tpu.memory_space<vmem>>) target_semaphore(%arg18 : memref<!tpu.dma_semaphore, #tpu.memory_space<semaphore_mem>>)
        } else {
        }
        %add3A_307 = arith.constant 2 : i32
        %add3A_308 = arith.addi %add3A_199, %add3A_307 : i32
        %lt3A_309 = arith.constant 125 : i32
        %lt3A_310 = arith.cmpi slt, %add3A_308, %lt3A_309 : i32
        %convert_element_type3A_311 = arith.extui %lt3A_310 : i1 to i32
        %cond3A_312 = arith.constant 0 : i32
        %cond3A_313 = arith.cmpi ne, %convert_element_type3A_311, %cond3A_312 : i32
        scf.if %cond3A_313 {
          %add3A_314 = arith.constant 2 : i32
          %add3A_315 = arith.addi %add3A_199, %add3A_314 : i32
          %mul3A_316 = arith.constant 40 : i32
          %mul3A_317 = arith.muli %add3A_315, %mul3A_316 : i32
          %mul3A_318 = arith.constant 40 : i32
          %mul3A_319 = arith.muli %add3A_315, %mul3A_318 : i32
          %dma_start3A_320 = arith.constant 1 : i32
          %dma_start3A_321 = arith.constant 0 : i32
          %dma_start3A_322 = arith.constant 0 : i32
          %dma_start3A_323 = tpu.memref_slice %arg9[%dma_start3A_320, %dma_start3A_321, %dma_start3A_322] : memref<2x80x128xf32, #tpu.memory_space<vmem>> -> memref<1x40x128xf32, #tpu.memory_space<vmem>>
          %dma_start3A_324 = tpu.memref_squeeze %dma_start3A_323 : memref<1x40x128xf32, #tpu.memory_space<vmem>> -> memref<40x128xf32, #tpu.memory_space<vmem>>
          %dma_start3A_325 = tpu.memref_slice %arg6[%mul3A_317] : memref<5000xi32, #tpu.memory_space<vmem>> -> memref<40xi32, #tpu.memory_space<vmem>>
          %dma_start3A_326 = arith.constant 0 : i32
          %dma_start3A_327 = arith.constant 0 : i32
          %dma_start3A_328 = tpu.memref_slice %arg3[%arg0, %dma_start3A_326, %dma_start3A_327] : memref<2x10000x128xf32, #tpu.memory_space<hbm>> -> memref<1x10000x128xf32, #tpu.memory_space<hbm>>
          %dma_start3A_329 = tpu.memref_squeeze %dma_start3A_328 : memref<1x10000x128xf32, #tpu.memory_space<hbm>> -> memref<10000x128xf32, #tpu.memory_space<hbm>>
          %dma_start3A_330 = arith.constant 0 : i32
          %dma_start3A_331 = arith.constant 0 : i32
          %dma_start3A_332 = tpu.memref_slice %dma_start3A_329[%dma_start3A_330, %dma_start3A_331] : memref<10000x128xf32, #tpu.memory_space<hbm>> -> memref<10000x128xf32, #tpu.memory_space<hbm>>
          tpu.enqueue_indirect_dma source(%dma_start3A_332 : memref<10000x128xf32, #tpu.memory_space<hbm>>) target(%dma_start3A_324 : memref<40x128xf32, #tpu.memory_space<vmem>>) offsets(%dma_start3A_325 : memref<40xi32, #tpu.memory_space<vmem>>) semaphore(%arg17 : memref<!tpu.dma_semaphore, #tpu.memory_space<semaphore_mem>>)
          %dma_start3A_333 = arith.constant 1 : i32
          %dma_start3A_334 = arith.constant 40 : i32
          %dma_start3A_335 = arith.constant 0 : i32
          %dma_start3A_336 = tpu.memref_slice %arg9[%dma_start3A_333, %dma_start3A_334, %dma_start3A_335] : memref<2x80x128xf32, #tpu.memory_space<vmem>> -> memref<1x40x128xf32, #tpu.memory_space<vmem>>
          %dma_start3A_337 = tpu.memref_squeeze %dma_start3A_336 : memref<1x40x128xf32, #tpu.memory_space<vmem>> -> memref<40x128xf32, #tpu.memory_space<vmem>>
          %dma_start3A_338 = tpu.memref_slice %arg7[%mul3A_319] : memref<5000xi32, #tpu.memory_space<vmem>> -> memref<40xi32, #tpu.memory_space<vmem>>
          %dma_start3A_339 = arith.constant 0 : i32
          %dma_start3A_340 = arith.constant 0 : i32
          %dma_start3A_341 = tpu.memref_slice %arg3[%arg0, %dma_start3A_339, %dma_start3A_340] : memref<2x10000x128xf32, #tpu.memory_space<hbm>> -> memref<1x10000x128xf32, #tpu.memory_space<hbm>>
          %dma_start3A_342 = tpu.memref_squeeze %dma_start3A_341 : memref<1x10000x128xf32, #tpu.memory_space<hbm>> -> memref<10000x128xf32, #tpu.memory_space<hbm>>
          %dma_start3A_343 = arith.constant 0 : i32
          %dma_start3A_344 = arith.constant 0 : i32
          %dma_start3A_345 = tpu.memref_slice %dma_start3A_342[%dma_start3A_343, %dma_start3A_344] : memref<10000x128xf32, #tpu.memory_space<hbm>> -> memref<10000x128xf32, #tpu.memory_space<hbm>>
          tpu.enqueue_indirect_dma source(%dma_start3A_345 : memref<10000x128xf32, #tpu.memory_space<hbm>>) target(%dma_start3A_337 : memref<40x128xf32, #tpu.memory_space<vmem>>) offsets(%dma_start3A_338 : memref<40xi32, #tpu.memory_space<vmem>>) semaphore(%arg17 : memref<!tpu.dma_semaphore, #tpu.memory_space<semaphore_mem>>)
          %add3A_346 = arith.constant 2 : i32
          %add3A_347 = arith.addi %add3A_199, %add3A_346 : i32
          %mul3A_348 = arith.constant 5000 : i32
          %mul3A_349 = arith.muli %arg1, %mul3A_348 : i32
          %add3A_350 = arith.constant 160000 : i32
          %add3A_351 = arith.addi %add3A_350, %mul3A_349 : i32
          %mul3A_352 = arith.constant 40 : i32
          %mul3A_353 = arith.muli %add3A_347, %mul3A_352 : i32
          %add3A_354 = arith.addi %add3A_351, %mul3A_353 : i32
          %add3A_355 = arith.constant 16 : i32
          %add3A_356 = arith.addi %add3A_355, %arg1 : i32
          %mul3A_357 = arith.constant 5000 : i32
          %mul3A_358 = arith.muli %add3A_356, %mul3A_357 : i32
          %add3A_359 = arith.constant 160000 : i32
          %add3A_360 = arith.addi %add3A_359, %mul3A_358 : i32
          %mul3A_361 = arith.constant 40 : i32
          %mul3A_362 = arith.muli %add3A_347, %mul3A_361 : i32
          %add3A_363 = arith.addi %add3A_360, %mul3A_362 : i32
          %dma_start3A_364 = arith.constant 1 : i32
          %dma_start3A_365 = arith.constant 0 : i32
          %dma_start3A_366 = tpu.memref_slice %arg8[%dma_start3A_364, %dma_start3A_365] : memref<2x80xi32, #tpu.memory_space<vmem>> -> memref<1x40xi32, #tpu.memory_space<vmem>>
          %dma_start3A_367 = tpu.memref_squeeze %dma_start3A_366 : memref<1x40xi32, #tpu.memory_space<vmem>> -> memref<40xi32, #tpu.memory_space<vmem>>
          %dma_start3A_368 = tpu.memref_slice %arg2[%add3A_354] : memref<320000xi32, #tpu.memory_space<hbm>> -> memref<40xi32, #tpu.memory_space<hbm>>
          %dma_start3A_369 = arith.constant 0 : i32
          %dma_start3A_370 = tpu.memref_slice %arg8[%dma_start3A_364, %dma_start3A_369] : memref<2x80xi32, #tpu.memory_space<vmem>> -> memref<1x40xi32, #tpu.memory_space<vmem>>
          %dma_start3A_371 = tpu.memref_squeeze %dma_start3A_370 : memref<1x40xi32, #tpu.memory_space<vmem>> -> memref<40xi32, #tpu.memory_space<vmem>>
          %dma_start3A_372 = tpu.memref_slice %arg2[%add3A_354] : memref<320000xi32, #tpu.memory_space<hbm>> -> memref<40xi32, #tpu.memory_space<hbm>>
          tpu.enqueue_dma source(%dma_start3A_372 : memref<40xi32, #tpu.memory_space<hbm>>) target(%dma_start3A_371 : memref<40xi32, #tpu.memory_space<vmem>>) target_semaphore(%arg15 : memref<!tpu.dma_semaphore, #tpu.memory_space<semaphore_mem>>)
          %dma_start3A_373 = arith.constant 1 : i32
          %dma_start3A_374 = arith.constant 40 : i32
          %dma_start3A_375 = tpu.memref_slice %arg8[%dma_start3A_373, %dma_start3A_374] : memref<2x80xi32, #tpu.memory_space<vmem>> -> memref<1x40xi32, #tpu.memory_space<vmem>>
          %dma_start3A_376 = tpu.memref_squeeze %dma_start3A_375 : memref<1x40xi32, #tpu.memory_space<vmem>> -> memref<40xi32, #tpu.memory_space<vmem>>
          %dma_start3A_377 = tpu.memref_slice %arg2[%add3A_363] : memref<320000xi32, #tpu.memory_space<hbm>> -> memref<40xi32, #tpu.memory_space<hbm>>
          %dma_start3A_378 = arith.constant 40 : i32
          %dma_start3A_379 = tpu.memref_slice %arg8[%dma_start3A_373, %dma_start3A_378] : memref<2x80xi32, #tpu.memory_space<vmem>> -> memref<1x40xi32, #tpu.memory_space<vmem>>
          %dma_start3A_380 = tpu.memref_squeeze %dma_start3A_379 : memref<1x40xi32, #tpu.memory_space<vmem>> -> memref<40xi32, #tpu.memory_space<vmem>>
          %dma_start3A_381 = tpu.memref_slice %arg2[%add3A_363] : memref<320000xi32, #tpu.memory_space<hbm>> -> memref<40xi32, #tpu.memory_space<hbm>>
          tpu.enqueue_dma source(%dma_start3A_381 : memref<40xi32, #tpu.memory_space<hbm>>) target(%dma_start3A_380 : memref<40xi32, #tpu.memory_space<vmem>>) target_semaphore(%arg15 : memref<!tpu.dma_semaphore, #tpu.memory_space<semaphore_mem>>)
        } else {
        }
      } else {
      }
      %scan3A_205 = arith.constant 0 : i32
      scf.yield %scan3A_205 : i32
    }
    %scan3A_168 = arith.constant 63 : i32
    %dma_wait3A_169 = arith.constant 0 : i32
    %dma_wait3A_170 = arith.constant 0 : i32
    %dma_wait3A_171 = tpu.memref_slice %arg8[%dma_wait3A_169, %dma_wait3A_170] : memref<2x80xi32, #tpu.memory_space<vmem>> -> memref<1x80xi32, #tpu.memory_space<vmem>>
    %dma_wait3A_172 = tpu.memref_squeeze %dma_wait3A_171 : memref<1x80xi32, #tpu.memory_space<vmem>> -> memref<80xi32, #tpu.memory_space<vmem>>
    %dma_wait3A_173 = arith.constant 0 : i32
    %dma_wait3A_174 = arith.constant 0 : i32
    %dma_wait3A_175 = tpu.memref_slice %arg12[%dma_wait3A_173, %dma_wait3A_174] : memref<10000x128xf32, #tpu.memory_space<vmem_shared>> -> memref<10000x128xf32, #tpu.memory_space<vmem_shared>>
    tpu.wait_indirect_dma semaphore(%arg19 : memref<!tpu.dma_semaphore, #tpu.memory_space<semaphore_mem>>) src(%arg11 : memref<80x128xf32, #tpu.memory_space<vmem>>) dst(%dma_wait3A_175 : memref<10000x128xf32, #tpu.memory_space<vmem_shared>>)
    %barrier3A_176 = arith.constant 0 : index
    tpu.barrier barrier_id(%barrier3A_176)
    %lt3A_177 = arith.constant 15 : i32
    %lt3A_178 = arith.cmpi slt, %arg1, %lt3A_177 : i32
    %convert_element_type3A_179 = arith.extui %lt3A_178 : i1 to i32
    %cond3A_180 = arith.constant 0 : i32
    %cond3A_181 = arith.cmpi ne, %convert_element_type3A_179, %cond3A_180 : i32
    scf.if %cond3A_181 {
      "tpu.region"() ({
        %run_scoped3A = tpu.sem_alloc : memref<!tpu.dma_semaphore, #tpu.memory_space<semaphore_mem>>
        %dma_start3A_187 = arith.constant 0 : i32
        %dma_start3A_188 = tpu.memref_slice %arg5[%arg0, %mul3A_15, %dma_start3A_187] : memref<2x10000x128xf32, #tpu.memory_space<hbm>> -> memref<1x624x128xf32, #tpu.memory_space<hbm>>
        %dma_start3A_189 = tpu.memref_squeeze %dma_start3A_188 : memref<1x624x128xf32, #tpu.memory_space<hbm>> -> memref<624x128xf32, #tpu.memory_space<hbm>>
        %dma_start3A_190 = arith.constant 0 : i32
        %dma_start3A_191 = tpu.memref_slice %arg12[%mul3A_15, %dma_start3A_190] : memref<10000x128xf32, #tpu.memory_space<vmem_shared>> -> memref<624x128xf32, #tpu.memory_space<vmem_shared>>
        tpu.enqueue_dma source(%dma_start3A_191 : memref<624x128xf32, #tpu.memory_space<vmem_shared>>) target(%dma_start3A_189 : memref<624x128xf32, #tpu.memory_space<hbm>>) target_semaphore(%run_scoped3A : memref<!tpu.dma_semaphore, #tpu.memory_space<semaphore_mem>>)
        %dma_wait3A_192 = arith.constant 0 : i32
        %dma_wait3A_193 = tpu.memref_slice %arg5[%arg0, %mul3A_15, %dma_wait3A_192] : memref<2x10000x128xf32, #tpu.memory_space<hbm>> -> memref<1x624x128xf32, #tpu.memory_space<hbm>>
        %dma_wait3A_194 = tpu.memref_squeeze %dma_wait3A_193 : memref<1x624x128xf32, #tpu.memory_space<hbm>> -> memref<624x128xf32, #tpu.memory_space<hbm>>
        %dma_wait3A_195 = arith.constant 0 : i32
        %dma_wait3A_196 = tpu.memref_slice %arg12[%mul3A_15, %dma_wait3A_195] : memref<10000x128xf32, #tpu.memory_space<vmem_shared>> -> memref<624x128xf32, #tpu.memory_space<vmem_shared>>
        tpu.wait_dma2 semaphore(%run_scoped3A : memref<!tpu.dma_semaphore, #tpu.memory_space<semaphore_mem>>) src(%dma_wait3A_196 : memref<624x128xf32, #tpu.memory_space<vmem_shared>>) dst(%dma_wait3A_194 : memref<624x128xf32, #tpu.memory_space<hbm>>)
        tpu.yield
      }) : () -> ()
    } else {
    }
    %eq3A_182 = arith.constant 15 : i32
    %eq3A_183 = arith.cmpi eq, %arg1, %eq3A_182 : i32
    %convert_element_type3A_184 = arith.extui %eq3A_183 : i1 to i32
    %cond3A_185 = arith.constant 0 : i32
    %cond3A_186 = arith.cmpi ne, %convert_element_type3A_184, %cond3A_185 : i32
    scf.if %cond3A_186 {
      "tpu.region"() ({
        %run_scoped3A = tpu.sem_alloc : memref<!tpu.dma_semaphore, #tpu.memory_space<semaphore_mem>>
        %dma_start3A_187 = arith.constant 0 : i32
        %dma_start3A_188 = tpu.memref_slice %arg5[%arg0, %mul3A_15, %dma_start3A_187] : memref<2x10000x128xf32, #tpu.memory_space<hbm>> -> memref<1x640x128xf32, #tpu.memory_space<hbm>>
        %dma_start3A_189 = tpu.memref_squeeze %dma_start3A_188 : memref<1x640x128xf32, #tpu.memory_space<hbm>> -> memref<640x128xf32, #tpu.memory_space<hbm>>
        %dma_start3A_190 = arith.constant 0 : i32
        %dma_start3A_191 = tpu.memref_slice %arg12[%mul3A_15, %dma_start3A_190] : memref<10000x128xf32, #tpu.memory_space<vmem_shared>> -> memref<640x128xf32, #tpu.memory_space<vmem_shared>>
        tpu.enqueue_dma source(%dma_start3A_191 : memref<640x128xf32, #tpu.memory_space<vmem_shared>>) target(%dma_start3A_189 : memref<640x128xf32, #tpu.memory_space<hbm>>) target_semaphore(%run_scoped3A : memref<!tpu.dma_semaphore, #tpu.memory_space<semaphore_mem>>)
        %dma_wait3A_192 = arith.constant 0 : i32
        %dma_wait3A_193 = tpu.memref_slice %arg5[%arg0, %mul3A_15, %dma_wait3A_192] : memref<2x10000x128xf32, #tpu.memory_space<hbm>> -> memref<1x640x128xf32, #tpu.memory_space<hbm>>
        %dma_wait3A_194 = tpu.memref_squeeze %dma_wait3A_193 : memref<1x640x128xf32, #tpu.memory_space<hbm>> -> memref<640x128xf32, #tpu.memory_space<hbm>>
        %dma_wait3A_195 = arith.constant 0 : i32
        %dma_wait3A_196 = tpu.memref_slice %arg12[%mul3A_15, %dma_wait3A_195] : memref<10000x128xf32, #tpu.memory_space<vmem_shared>> -> memref<640x128xf32, #tpu.memory_space<vmem_shared>>
        tpu.wait_dma2 semaphore(%run_scoped3A : memref<!tpu.dma_semaphore, #tpu.memory_space<semaphore_mem>>) src(%dma_wait3A_196 : memref<640x128xf32, #tpu.memory_space<vmem_shared>>) dst(%dma_wait3A_194 : memref<640x128xf32, #tpu.memory_space<hbm>>)
        tpu.yield
      }) : () -> ()
    } else {
    }
    return
  }
}

module attributes {stable_mosaic.version = 14 : i64} {
  func.func @_h_body(%arg0: i32, %arg1: i32, %arg2: memref<5000x256xf32, #tpu.memory_space<vmem>>, %arg3: memref<128x256xf32, #tpu.memory_space<vmem>>, %arg4: memref<2x128xf32, #tpu.memory_space<vmem>>, %arg5: memref<1x5000x128xf32, #tpu.memory_space<vmem>>) attributes {dimension_semantics = [#tpu.dimension_semantics<arbitrary>, #tpu.dimension_semantics<arbitrary>], iteration_bounds = array<i64: 2, 2>, scalar_prefetch = 0 : i64, scratch_operands = 0 : i64, tpu.core_type = #tpu.core_type<tc>, window_params = [{transform_indices = @transform_0, window_bounds = array<i64: 5000, 256>}, {transform_indices = @transform_1, window_bounds = array<i64: 128, 256>}, {pipeline_mode = #tpu.pipeline_mode<synchronous>, transform_indices = @transform_2, window_bounds = array<i64: 2, 128>}, {transform_indices = @transform_3, window_bounds = array<i64: 1, 5000, 128>}]} {
    %get3A = arith.constant 0 : index
    %get3A_0 = arith.constant 0 : index
    %get3A_1 = vector.load %arg4[%get3A, %get3A_0] : memref<2x128xf32, #tpu.memory_space<vmem>>, vector<2x128xf32>
    %iota3A = tpu.iota {dimensions = array<i32: 0>} : vector<2x128xi32>
    %eq3A = vector.broadcast %arg0 : i32 to vector<2x128xi32>
    %eq3A_2 = arith.cmpi eq, %iota3A, %eq3A : vector<2x128xi32>
    %jit3A = arith.constant 0.000000e+00 : f32
    %broadcast_in_dim3A = vector.broadcast %jit3A : f32 to vector<2x128xf32>
    %select_n3A = arith.select %eq3A_2, %get3A_1, %broadcast_in_dim3A : vector<2x128xi1>, vector<2x128xf32>
    %reduce_sum3A = arith.constant dense<0.000000e+00> : vector<128xf32>
    %reduce_sum3A_3 = vector.multi_reduction <add>, %select_n3A, %reduce_sum3A [0] : vector<2x128xf32> to vector<128xf32>
    %broadcast_in_dim3A_4 = vector.shape_cast %reduce_sum3A_3 : vector<128xf32> to vector<1x128xf32>
    %get3A_5 = arith.constant 0 : index
    %get3A_6 = arith.constant 0 : index
    %get3A_7 = vector.load %arg2[%get3A_5, %get3A_6] : memref<5000x256xf32, #tpu.memory_space<vmem>>, vector<5000x256xf32>
    %get3A_8 = arith.constant 0 : index
    %get3A_9 = arith.constant 0 : index
    %get3A_10 = vector.load %arg3[%get3A_8, %get3A_9] : memref<128x256xf32, #tpu.memory_space<vmem>>, vector<128x256xf32>
    %dot_general3A = arith.constant dense<0.000000e+00> : vector<5000x128xf32>
    %dot_general3A_11 = tpu.matmul %get3A_7, %get3A_10, %dot_general3A {dimension_numbers = #tpu.dot_dimension_numbers<[1], [1], [0], [0], [0, 0, 1, 0], [], []>, transpose_lhs_hint = false} : vector<5000x256xf32>, vector<128x256xf32>, vector<5000x128xf32> -> vector<5000x128xf32>
    %add3A = vector.broadcast %broadcast_in_dim3A_4 : vector<1x128xf32> to vector<5000x128xf32>
    %add3A_12 = arith.addf %dot_general3A_11, %add3A : vector<5000x128xf32>
    %swap3A = arith.constant 0 : index
    %swap3A_13 = arith.constant 0 : index
    %swap3A_14 = arith.constant 0 : index
    %swap3A_15 = vector.load %arg5[%swap3A, %swap3A_13, %swap3A_14] : memref<1x5000x128xf32, #tpu.memory_space<vmem>>, vector<1x5000x128xf32>
    %swap3A_16 = vector.shape_cast %swap3A_15 : vector<1x5000x128xf32> to vector<5000x128xf32>
    %swap3A_17 = vector.shape_cast %add3A_12 : vector<5000x128xf32> to vector<1x5000x128xf32>
    tpu.vector_store %arg5[%swap3A, %swap3A_13, %swap3A_14], %swap3A_17 {strides = array<i32>} : memref<1x5000x128xf32, #tpu.memory_space<vmem>>, vector<1x5000x128xf32>,
    return
  }
  func.func @transform_0(%arg0: i32, %arg1: i32) -> (i32, i32) {
    %c0_i32 = arith.constant 0 : i32
    %c0_i32_0 = arith.constant 0 : i32
    return %arg1, %c0_i32 : i32, i32
  }
  func.func @transform_1(%arg0: i32, %arg1: i32) -> (i32, i32) {
    %c0_i32 = arith.constant 0 : i32
    %c0_i32_0 = arith.constant 0 : i32
    return %arg0, %c0_i32 : i32, i32
  }
  func.func @transform_2(%arg0: i32, %arg1: i32) -> (i32, i32) {
    %c0_i32 = arith.constant 0 : i32
    %c0_i32_0 = arith.constant 0 : i32
    %c0_i32_1 = arith.constant 0 : i32
    return %c0_i32, %c0_i32_0 : i32, i32
  }
  func.func @transform_3(%arg0: i32, %arg1: i32) -> (i32, i32, i32) {
    %c0_i32 = arith.constant 0 : i32
    %c0_i32_0 = arith.constant 0 : i32
    return %arg0, %arg1, %c0_i32 : i32, i32, i32
  }
}

module attributes {stable_mosaic.version = 14 : i64} {
  func.func @_f_body(%arg0: i32, %arg1: i32, %arg2: memref<8000x16xf32, #tpu.memory_space<vmem>>, %arg3: memref<8000x16xf32, #tpu.memory_space<vmem>>, %arg4: memref<64x16xf32, #tpu.memory_space<vmem>>, %arg5: memref<64x16xf32, #tpu.memory_space<vmem>>, %arg6: memref<2x64xf32, #tpu.memory_space<vmem>>, %arg7: memref<2x64xf32, #tpu.memory_space<vmem>>, %arg8: memref<8000x128xi32, #tpu.memory_space<vmem>>) attributes {dimension_semantics = [#tpu.dimension_semantics<arbitrary>, #tpu.dimension_semantics<arbitrary>], iteration_bounds = array<i64: 2, 10>, scalar_prefetch = 0 : i64, scratch_operands = 0 : i64, tpu.core_type = #tpu.core_type<tc>, window_params = [{transform_indices = @transform_0, window_bounds = array<i64: 8000, 16>}, {transform_indices = @transform_1, window_bounds = array<i64: 8000, 16>}, {transform_indices = @transform_2, window_bounds = array<i64: 64, 16>}, {transform_indices = @transform_3, window_bounds = array<i64: 64, 16>}, {pipeline_mode = #tpu.pipeline_mode<synchronous>, transform_indices = @transform_4, window_bounds = array<i64: 2, 64>}, {pipeline_mode = #tpu.pipeline_mode<synchronous>, transform_indices = @transform_5, window_bounds = array<i64: 2, 64>}, {transform_indices = @transform_6, window_bounds = array<i64: 8000, 128>}]} {
    %get3A = arith.constant 0 : index
    %get3A_0 = arith.constant 0 : index
    %get3A_1 = vector.load %arg6[%get3A, %get3A_0] : memref<2x64xf32, #tpu.memory_space<vmem>>, vector<2x64xf32>
    %iota3A = tpu.iota {dimensions = array<i32: 0>} : vector<2x64xi32>
    %eq3A = vector.broadcast %arg0 : i32 to vector<2x64xi32>
    %eq3A_2 = arith.cmpi eq, %iota3A, %eq3A : vector<2x64xi32>
    %jit3A = arith.constant 0.000000e+00 : f32
    %broadcast_in_dim3A = vector.broadcast %jit3A : f32 to vector<2x64xf32>
    %select_n3A = arith.select %eq3A_2, %get3A_1, %broadcast_in_dim3A : vector<2x64xi1>, vector<2x64xf32>
    %reduce_sum3A = arith.constant dense<0.000000e+00> : vector<64xf32>
    %reduce_sum3A_3 = vector.multi_reduction <add>, %select_n3A, %reduce_sum3A [0] : vector<2x64xf32> to vector<64xf32>
    %broadcast_in_dim3A_4 = vector.shape_cast %reduce_sum3A_3 : vector<64xf32> to vector<1x64xf32>
    %get3A_5 = arith.constant 0 : index
    %get3A_6 = arith.constant 0 : index
    %get3A_7 = vector.load %arg7[%get3A_5, %get3A_6] : memref<2x64xf32, #tpu.memory_space<vmem>>, vector<2x64xf32>
    %iota3A_8 = tpu.iota {dimensions = array<i32: 0>} : vector<2x64xi32>
    %eq3A_9 = vector.broadcast %arg0 : i32 to vector<2x64xi32>
    %eq3A_10 = arith.cmpi eq, %iota3A_8, %eq3A_9 : vector<2x64xi32>
    %jit3A_11 = arith.constant 0.000000e+00 : f32
    %broadcast_in_dim3A_12 = vector.broadcast %jit3A_11 : f32 to vector<2x64xf32>
    %select_n3A_13 = arith.select %eq3A_10, %get3A_7, %broadcast_in_dim3A_12 : vector<2x64xi1>, vector<2x64xf32>
    %reduce_sum3A_14 = arith.constant dense<0.000000e+00> : vector<64xf32>
    %reduce_sum3A_15 = vector.multi_reduction <add>, %select_n3A_13, %reduce_sum3A_14 [0] : vector<2x64xf32> to vector<64xf32>
    %broadcast_in_dim3A_16 = vector.shape_cast %reduce_sum3A_15 : vector<64xf32> to vector<1x64xf32>
    %get3A_17 = arith.constant 0 : index
    %get3A_18 = arith.constant 0 : index
    %get3A_19 = vector.load %arg2[%get3A_17, %get3A_18] : memref<8000x16xf32, #tpu.memory_space<vmem>>, vector<8000x16xf32>
    %get3A_20 = arith.constant 0 : index
    %get3A_21 = arith.constant 0 : index
    %get3A_22 = vector.load %arg3[%get3A_20, %get3A_21] : memref<8000x16xf32, #tpu.memory_space<vmem>>, vector<8000x16xf32>
    %get3A_23 = arith.constant 0 : index
    %get3A_24 = arith.constant 0 : index
    %get3A_25 = vector.load %arg4[%get3A_23, %get3A_24] : memref<64x16xf32, #tpu.memory_space<vmem>>, vector<64x16xf32>
    %dot_general3A = arith.constant dense<0.000000e+00> : vector<8000x64xf32>
    %dot_general3A_26 = tpu.matmul %get3A_19, %get3A_25, %dot_general3A {dimension_numbers = #tpu.dot_dimension_numbers<[1], [1], [0], [0], [0, 0, 1, 0], [], []>, transpose_lhs_hint = false} : vector<8000x16xf32>, vector<64x16xf32>, vector<8000x64xf32> -> vector<8000x64xf32>
    %add3A = vector.broadcast %broadcast_in_dim3A_4 : vector<1x64xf32> to vector<8000x64xf32>
    %add3A_27 = arith.addf %dot_general3A_26, %add3A : vector<8000x64xf32>
    %get3A_28 = arith.constant 0 : index
    %get3A_29 = arith.constant 0 : index
    %get3A_30 = vector.load %arg5[%get3A_28, %get3A_29] : memref<64x16xf32, #tpu.memory_space<vmem>>, vector<64x16xf32>
    %dot_general3A_31 = arith.constant dense<0.000000e+00> : vector<8000x64xf32>
    %dot_general3A_32 = tpu.matmul %get3A_19, %get3A_30, %dot_general3A_31 {dimension_numbers = #tpu.dot_dimension_numbers<[1], [1], [0], [0], [0, 0, 1, 0], [], []>, transpose_lhs_hint = false} : vector<8000x16xf32>, vector<64x16xf32>, vector<8000x64xf32> -> vector<8000x64xf32>
    %add3A_33 = vector.broadcast %broadcast_in_dim3A_16 : vector<1x64xf32> to vector<8000x64xf32>
    %add3A_34 = arith.addf %dot_general3A_32, %add3A_33 : vector<8000x64xf32>
    %convert_element_type3A = arith.truncf %add3A_27 : vector<8000x64xf32> to vector<8000x64xbf16>
    %bitcast_convert_type3A = tpu.bitcast %convert_element_type3A : vector<8000x64xbf16> -> vector<8000x64xi16>
    %convert_element_type3A_35 = arith.extui %bitcast_convert_type3A : vector<8000x64xi16> to vector<8000x64xi32>
    %convert_element_type3A_36 = arith.truncf %add3A_34 : vector<8000x64xf32> to vector<8000x64xbf16>
    %bitcast_convert_type3A_37 = tpu.bitcast %convert_element_type3A_36 : vector<8000x64xbf16> -> vector<8000x64xi16>
    %convert_element_type3A_38 = arith.extui %bitcast_convert_type3A_37 : vector<8000x64xi16> to vector<8000x64xi32>
    %shift_left3A = arith.constant 16 : i32
    %shift_left3A_39 = vector.broadcast %shift_left3A : i32 to vector<8000x64xi32>
    %shift_left3A_40 = arith.shli %convert_element_type3A_38, %shift_left3A_39 : vector<8000x64xi32>
    %or3A = arith.ori %convert_element_type3A_35, %shift_left3A_40 : vector<8000x64xi32>
    %bitcast_convert_type3A_41 = tpu.bitcast %or3A : vector<8000x64xi32> -> vector<8000x64xi32>
    %get3A_42 = arith.constant 0 : index
    %get3A_43 = arith.constant 0 : index
    %get3A_44 = vector.load %arg4[%get3A_42, %get3A_43] : memref<64x16xf32, #tpu.memory_space<vmem>>, vector<64x16xf32>
    %dot_general3A_45 = arith.constant dense<0.000000e+00> : vector<8000x64xf32>
    %dot_general3A_46 = tpu.matmul %get3A_22, %get3A_44, %dot_general3A_45 {dimension_numbers = #tpu.dot_dimension_numbers<[1], [1], [0], [0], [0, 0, 1, 0], [], []>, transpose_lhs_hint = false} : vector<8000x16xf32>, vector<64x16xf32>, vector<8000x64xf32> -> vector<8000x64xf32>
    %add3A_47 = vector.broadcast %broadcast_in_dim3A_4 : vector<1x64xf32> to vector<8000x64xf32>
    %add3A_48 = arith.addf %dot_general3A_46, %add3A_47 : vector<8000x64xf32>
    %get3A_49 = arith.constant 0 : index
    %get3A_50 = arith.constant 0 : index
    %get3A_51 = vector.load %arg5[%get3A_49, %get3A_50] : memref<64x16xf32, #tpu.memory_space<vmem>>, vector<64x16xf32>
    %dot_general3A_52 = arith.constant dense<0.000000e+00> : vector<8000x64xf32>
    %dot_general3A_53 = tpu.matmul %get3A_22, %get3A_51, %dot_general3A_52 {dimension_numbers = #tpu.dot_dimension_numbers<[1], [1], [0], [0], [0, 0, 1, 0], [], []>, transpose_lhs_hint = false} : vector<8000x16xf32>, vector<64x16xf32>, vector<8000x64xf32> -> vector<8000x64xf32>
    %add3A_54 = vector.broadcast %broadcast_in_dim3A_16 : vector<1x64xf32> to vector<8000x64xf32>
    %add3A_55 = arith.addf %dot_general3A_53, %add3A_54 : vector<8000x64xf32>
    %convert_element_type3A_56 = arith.truncf %add3A_48 : vector<8000x64xf32> to vector<8000x64xbf16>
    %bitcast_convert_type3A_57 = tpu.bitcast %convert_element_type3A_56 : vector<8000x64xbf16> -> vector<8000x64xi16>
    %convert_element_type3A_58 = arith.extui %bitcast_convert_type3A_57 : vector<8000x64xi16> to vector<8000x64xi32>
    %convert_element_type3A_59 = arith.truncf %add3A_55 : vector<8000x64xf32> to vector<8000x64xbf16>
    %bitcast_convert_type3A_60 = tpu.bitcast %convert_element_type3A_59 : vector<8000x64xbf16> -> vector<8000x64xi16>
    %convert_element_type3A_61 = arith.extui %bitcast_convert_type3A_60 : vector<8000x64xi16> to vector<8000x64xi32>
    %shift_left3A_62 = arith.constant 16 : i32
    %shift_left3A_63 = vector.broadcast %shift_left3A_62 : i32 to vector<8000x64xi32>
    %shift_left3A_64 = arith.shli %convert_element_type3A_61, %shift_left3A_63 : vector<8000x64xi32>
    %or3A_65 = arith.ori %convert_element_type3A_58, %shift_left3A_64 : vector<8000x64xi32>
    %bitcast_convert_type3A_66 = tpu.bitcast %or3A_65 : vector<8000x64xi32> -> vector<8000x64xi32>
    %concatenate3A = tpu.concatenate %bitcast_convert_type3A_41, %bitcast_convert_type3A_66 in 1 : vector<8000x64xi32>, vector<8000x64xi32> -> vector<8000x128xi32>
    %swap3A = arith.constant 0 : index
    %swap3A_67 = arith.constant 0 : index
    %swap3A_68 = vector.load %arg8[%swap3A, %swap3A_67] : memref<8000x128xi32, #tpu.memory_space<vmem>>, vector<8000x128xi32>
    tpu.vector_store %arg8[%swap3A, %swap3A_67], %concatenate3A {strides = array<i32>} : memref<8000x128xi32, #tpu.memory_space<vmem>>, vector<8000x128xi32>,
    return
  }
  func.func @transform_0(%arg0: i32, %arg1: i32) -> (i32, i32) {
    %c0_i32 = arith.constant 0 : i32
    %c0_i32_0 = arith.constant 0 : i32
    return %arg1, %c0_i32 : i32, i32
  }
  func.func @transform_1(%arg0: i32, %arg1: i32) -> (i32, i32) {
    %add3A = arith.constant 10 : i32
    %add3A_0 = arith.addi %add3A, %arg1 : i32
    %c0_i32 = arith.constant 0 : i32
    %c0_i32_1 = arith.constant 0 : i32
    return %add3A_0, %c0_i32 : i32, i32
  }
  func.func @transform_2(%arg0: i32, %arg1: i32) -> (i32, i32) {
    %c0_i32 = arith.constant 0 : i32
    %c0_i32_0 = arith.constant 0 : i32
    return %arg0, %c0_i32 : i32, i32
  }
  func.func @transform_3(%arg0: i32, %arg1: i32) -> (i32, i32) {
    %c0_i32 = arith.constant 0 : i32
    %c0_i32_0 = arith.constant 0 : i32
    return %arg0, %c0_i32 : i32, i32
  }
  func.func @transform_4(%arg0: i32, %arg1: i32) -> (i32, i32) {
    %c0_i32 = arith.constant 0 : i32
    %c0_i32_0 = arith.constant 0 : i32
    %c0_i32_1 = arith.constant 0 : i32
    return %c0_i32, %c0_i32_0 : i32, i32
  }
  func.func @transform_5(%arg0: i32, %arg1: i32) -> (i32, i32) {
    %c0_i32 = arith.constant 0 : i32
    %c0_i32_0 = arith.constant 0 : i32
    %c0_i32_1 = arith.constant 0 : i32
    return %c0_i32, %c0_i32_0 : i32, i32
  }
  func.func @transform_6(%arg0: i32, %arg1: i32) -> (i32, i32) {
    %mul3A = arith.constant 10 : i32
    %mul3A_0 = arith.muli %arg0, %mul3A : i32
    %add3A = arith.addi %mul3A_0, %arg1 : i32
    %c0_i32 = arith.constant 0 : i32
    %c0_i32_1 = arith.constant 0 : i32
    return %add3A, %c0_i32 : i32, i32
  }
}

module attributes {stable_mosaic.version = 14 : i64} {
  func.func @_fin_body(%arg0: i32, %arg1: i32, %arg2: memref<5000x128xf32, #tpu.memory_space<vmem>>, %arg3: memref<1x5000x128xf32, #tpu.memory_space<vmem>>, %arg4: memref<5000x128xf32, #tpu.memory_space<vmem>>) attributes {dimension_semantics = [#tpu.dimension_semantics<arbitrary>, #tpu.dimension_semantics<arbitrary>], iteration_bounds = array<i64: 2, 2>, scalar_prefetch = 0 : i64, scratch_operands = 0 : i64, tpu.core_type = #tpu.core_type<tc>, window_params = [{transform_indices = @transform_0, window_bounds = array<i64: 5000, 128>}, {transform_indices = @transform_1, window_bounds = array<i64: 1, 5000, 128>}, {transform_indices = @transform_2, window_bounds = array<i64: 5000, 128>}]} {
    %get3A = arith.constant 0 : index
    %get3A_0 = arith.constant 0 : index
    %get3A_1 = vector.load %arg2[%get3A, %get3A_0] : memref<5000x128xf32, #tpu.memory_space<vmem>>, vector<5000x128xf32>
    %get3A_2 = arith.constant 0 : index
    %get3A_3 = arith.constant 0 : index
    %get3A_4 = arith.constant 0 : index
    %get3A_5 = vector.load %arg3[%get3A_2, %get3A_3, %get3A_4] : memref<1x5000x128xf32, #tpu.memory_space<vmem>>, vector<1x5000x128xf32>
    %get3A_6 = vector.shape_cast %get3A_5 : vector<1x5000x128xf32> to vector<5000x128xf32>
    %max3A = arith.constant 0.000000e+00 : f32
    %max3A_7 = vector.broadcast %max3A : f32 to vector<5000x128xf32>
    %max3A_8 = arith.maximumf %get3A_6, %max3A_7 : vector<5000x128xf32>
    %mul3A = arith.constant 1.000000e-01 : f32
    %mul3A_9 = vector.broadcast %mul3A : f32 to vector<5000x128xf32>
    %mul3A_10 = arith.mulf %mul3A_9, %max3A_8 : vector<5000x128xf32>
    %add3A = arith.addf %get3A_1, %mul3A_10 : vector<5000x128xf32>
    %swap3A = arith.constant 0 : index
    %swap3A_11 = arith.constant 0 : index
    %swap3A_12 = vector.load %arg4[%swap3A, %swap3A_11] : memref<5000x128xf32, #tpu.memory_space<vmem>>, vector<5000x128xf32>
    tpu.vector_store %arg4[%swap3A, %swap3A_11], %add3A {strides = array<i32>} : memref<5000x128xf32, #tpu.memory_space<vmem>>, vector<5000x128xf32>,
    return
  }
  func.func @transform_0(%arg0: i32, %arg1: i32) -> (i32, i32) {
    %c0_i32 = arith.constant 0 : i32
    return %arg1, %arg0 : i32, i32
  }
  func.func @transform_1(%arg0: i32, %arg1: i32) -> (i32, i32, i32) {
    %c0_i32 = arith.constant 0 : i32
    %c0_i32_0 = arith.constant 0 : i32
    return %arg0, %arg1, %c0_i32 : i32, i32, i32
  }
  func.func @transform_2(%arg0: i32, %arg1: i32) -> (i32, i32) {
    %c0_i32 = arith.constant 0 : i32
    return %arg1, %arg0 : i32, i32
  }
}

</mosaic_0001>

<sc_bundles>
// kernel: kernel.6.cloned.1.call-start
scs
__scs_entry_jumppad:
0x0: {  	(pc) =	sbr.rel $0x88, $3  }
0x1: {  	(tag) =	ssettag $0x0;
	lr =	simm.s32 $0x1  }
0x2: {  	[smem:$0x3F9A] =	sst lr;
	_ =	strace $0xD0000000  }
0x3: {  	_ = 	snop  }
0x4: {  	_ = 	snop  }
0x5: {  	_ = 	snop  }
0x6: {  	_ = 	snop  }
0x7: {  	_ = 	snop  }
__scs_overlays_trampoline_lowered:
0x8: {  	[smem:$0x3FA9] =	sst s0  }
0x9: {  	[smem:$0x3FAA] =	sst s1  }
0xa: {  	[smem:$0x3FAB] =	sst s2  }
0xb: {  	[smem:$0x3FAC] =	sst s3  }
0xc: {  	[smem:$0x3FAD] =	sst s4  }
0xd: {  	[smem:$0x3FAE] =	sst s5  }
0xe: {  	[smem:$0x3FAF] =	sst s6  }
0xf: {  	[smem:$0x3FB0] =	sst s7  }
0x10: {  	[smem:$0x3FB1] =	sst s8  }
0x11: {  	[smem:$0x3FB2] =	sst s9;
	s0 =	simm.s32 @!p0 $0x0  }
0x12: {  	s1 =	sld [smem:$0x3F98];
	s0 =	simm.s32 @p0 $0x1  }
0x13: {  	[smem:$0x3FB3] =	sst s0;
	s0 =	simm.s32 @!p1 $0x0  }
0x14: {  	s2 =	sld [smem:$0x3F97];
	s0 =	simm.s32 @p1 $0x1  }
0x15: {  	[smem:$0x3FB4] =	sst s0;
	s0 =	simm.s32 @!p2 $0x0  }
0x16: {  	s3 =	sld [smem:$0x3FDB];
	s0 =	simm.s32 @p2 $0x1  }
0x17: {  	s4 =	simm.s32 $0x1BF5;
	[smem:$0x3FB6] =	sst s0  }
0x18: {  	s0 =	sld [smem:$0x3F99];
	_ =	swait.ge [sflag:s4], $0x0  }
0x19: {  	s7 =	sld [smem:$0x3F9A]  }
0x1a: {  	s8 =	sadd.s32 $0xFFFFE003, lr  }
0x1b: {  	s9 =	sadd.s32 $0xFFFFFEF7, lr;
	s5 =	simm.s32 $0xFFFFFFFF;
	p2 =	slt.u32 s8, $0xFFFFF086  }
0x1c: {  	p1 =	slt.u32 s9, $0xF7A;
	s5 =	simm.s32 @!p2 $0x0  }
0x1d: {  	s5 =	simm.s32 @p1 $0x1;
	p0 =	seq.s32 s7, s2  }
0x1e: {  	s7 =	smul.u32 @!p0 $0xF7A, s2;
	p2 =	seq.s32 @!p0 s5, $0x0  }
0x1f: {  	s9 =	smul.u32 $0xF7A, s1;
	s8 =	simm.s32 @!p0 $0x1BF5;
	p2 =	por !p2, p0  }
0x20: {  	[sflag:s8] =	ssyncset.s32 @!p0 $0xFFFFF086;
	s6 =	sadd.s32 @!p0 s3, s7;
	s7 =	simm.s32 @!p0 $0x108  }
0x21: {  	s3 =	sadd.s32 s3, s9;
	s6 =	sadd.s32 @!p0 $0x88, s6;
	s7 =	simm.s32 @p2 $0x1082  }
0x22: {  	[simem:s7], [sflag:s8] =	dma.local @!p0 [hbm:s6], $0xF7A  }
0x23: {  	s9 =	sor.u32 $0xD0000000, s2;
	s6 =	simm.s32 $0x108;
	_ =	swait.ge @!p0 [sflag:s8], $0x0  }
0x24: {  	s3 =	sadd.s32 $0x88, s3;
	s6 =	simm.s32 @!p1 $0x1082;
	[sflag:s4] =	ssyncset.s32 $0xFFFFF086  }
0x25: {  	[simem:s6], [sflag:s4] =	dma.local [hbm:s3], $0xF7A  }
0x26: {  	[smem:$0x3F9A] =	sst s1;
	(tag) =	ssettag s2;
	_ =	strace s9  }
0x27: {  	s1 =	sld [smem:$0x3FAA]  }
0x28: {  	s2 =	sld [smem:$0x3FAB]  }
0x29: {  	s4 =	sld [smem:$0x3FAD]  }
0x2a: {  	p0 =	seq.s32 s5, $0x0;
	s5 =	sld [smem:$0x3FAE]  }
0x2b: {  	s6 =	sld [smem:$0x3FAF]  }
0x2c: {  	s7 =	sld [smem:$0x3FB0]  }
0x2d: {  	s3 =	simm.s32 $0x108;
	s8 =	sld [smem:$0x3FB1]  }
0x2e: {  	s3 =	simm.s32 @!p0 $0x1082;
	s9 =	sld [smem:$0x3FB2]  }
0x2f: {  	lr =	sadd.s32 s0, s3;
	s0 =	sld [smem:$0x3FA9]  }
0x30: {  	s3 =	sld [smem:$0x3FAC]  }
0x31: {  	[smem:$0x3FB5] =	sst s10  }
0x32: {  	s10 =	sld [smem:$0x3FB3];
	_ =	sdelay $0x3  }
0x33: {  	p0 =	seq.s32 s10, $0x1;
	s10 =	sld [smem:$0x3FB5];
	_ =	sdelay $0x3  }
0x34: {  	[smem:$0x3FB5] =	sst s10  }
0x35: {  	s10 =	sld [smem:$0x3FB4];
	_ =	sdelay $0x3  }
0x36: {  	p1 =	seq.s32 s10, $0x1;
	s10 =	sld [smem:$0x3FB5];
	_ =	sdelay $0x3  }
0x37: {  	[smem:$0x3FB5] =	sst s10  }
0x38: {  	s10 =	sld [smem:$0x3FB6]  }
0x39: {  	_ = 	snop;
	(pc) =	sbr.ind lr, $3  }
0x3a: {  	_ = 	snop  }
0x3b: {  	_ = 	snop  }
0x3c: {  	p2 =	seq.s32 s10, $0x1;
	s10 =	sld [smem:$0x3FB5]  }
0x3d: {  	_ =	shalt  }
0x3e: {  	_ =	shalt  }
0x3f: {  	_ =	shalt  }
0x40: {  	_ =	shalt  }
0x41: {  	_ =	shalt  }
0x42: {  	_ =	shalt  }
0x43: {  	_ =	shalt  }
0x44: {  	_ =	shalt  }
0x45: {  	_ =	shalt  }
0x46: {  	_ =	shalt  }
0x47: {  	_ =	shalt  }
0x48: {  	_ =	shalt  }
0x49: {  	_ =	shalt  }
0x4a: {  	_ =	shalt  }
0x4b: {  	_ =	shalt  }
0x4c: {  	_ =	shalt  }
0x4d: {  	_ =	shalt  }
0x4e: {  	_ =	shalt  }
0x4f: {  	_ =	shalt  }
0x50: {  	_ =	shalt  }
0x51: {  	_ =	shalt  }
0x52: {  	_ =	shalt  }
0x53: {  	_ =	shalt  }
0x54: {  	_ =	shalt  }
0x55: {  	_ =	shalt  }
0x56: {  	_ =	shalt  }
0x57: {  	_ =	shalt  }
0x58: {  	_ =	shalt  }
0x59: {  	_ =	shalt  }
0x5a: {  	_ =	shalt  }
0x5b: {  	_ =	shalt  }
0x5c: {  	_ =	shalt  }
0x5d: {  	_ =	shalt  }
0x5e: {  	_ =	shalt  }
0x5f: {  	_ =	shalt  }
0x60: {  	_ =	shalt  }
0x61: {  	_ =	shalt  }
0x62: {  	_ =	shalt  }
0x63: {  	_ =	shalt  }
0x64: {  	_ =	shalt  }
0x65: {  	_ =	shalt  }
0x66: {  	_ =	shalt  }
0x67: {  	_ =	shalt  }
0x68: {  	_ =	shalt  }
0x69: {  	_ =	shalt  }
0x6a: {  	_ =	shalt  }
0x6b: {  	_ =	shalt  }
0x6c: {  	_ =	shalt  }
0x6d: {  	_ =	shalt  }
0x6e: {  	_ =	shalt  }
0x6f: {  	_ =	shalt  }
0x70: {  	_ =	shalt  }
0x71: {  	_ =	shalt  }
0x72: {  	_ =	shalt  }
0x73: {  	_ =	shalt  }
0x74: {  	_ =	shalt  }
0x75: {  	_ =	shalt  }
0x76: {  	_ =	shalt  }
0x77: {  	_ =	shalt  }
0x78: {  	_ =	shalt  }
0x79: {  	_ =	shalt  }
0x7a: {  	_ =	shalt  }
0x7b: {  	_ =	shalt  }
0x7c: {  	_ =	shalt  }
0x7d: {  	_ =	shalt  }
0x7e: {  	_ =	shalt  }
0x7f: {  	_ =	shalt  }
0x80: {  	_ =	shalt  }
0x81: {  	_ =	shalt  }
0x82: {  	_ =	shalt  }
0x83: {  	_ =	shalt  }
0x84: {  	_ =	shalt  }
0x85: {  	_ =	shalt  }
0x86: {  	_ =	shalt  }
0x87: {  	_ =	shalt  }
.Lfunc_end0:
.L_simem_size_0:
called_computation_lowered:
.L_overlay_start_0:
0x88: {  	s2 =	sld [smem:$0x3FD9]  }
0x89: {  	s3 =	sld [smem:$0x3FFE];
	_ =	sdelay $0x1  }
0x8a: {  	s1 =	srdreg.scid  }
0x8b: {  	s0 =	sand.u32 $0x1, s1  }
0x8c: {  	s17 =	sshll.u32 s0, $0xA;
	s2 =	sadd.s32 s3, s2  }
0x8d: {  	s2 =	sadd.s32 s2, s17  }
0x8e: {  	[smem:$0x3FC1] =	sst s2  }
0x8f: {  	_ = 	snop  }
0x90: {  	s2 =	sld [smem:$0x3FD0];
	(tm) =	ssettm $0x1  }
0x91: {  	s18 =	sld [smem:$0x3FFB];
	_ =	sdelay $0x3  }
0x92: {  	_ =	strace s18  }
0x93: {  	s3 =	sld [smem:$0x3FFC];
	_ =	sdelay $0x3  }
0x94: {  	_ =	strace s3  }
0x95: {  	s3 =	sld [smem:$0x3FFD];
	_ =	sdelay $0x3  }
0x96: {  	_ =	strace s3  }
0x97: {  	_ =	strace $0x8FFFFFFF  }
0x98: {  	s19 =	sld [smem:$0x3FDB];
	_ =	sdelay $0x1  }
0x99: {  	s4 =	simm.s32 $_scs_section_size  }
0x9a: {  	s5 =	simm.s32 $_size__tile_overlayer_lowered;
	s6 =	simm.s32 $_tile_overlayer_lowered  }
0x9b: {  	s22 =	simm.s32 $0x1BFF;
	s21 =	sshll.u32 s6, $0x1;
	s3 =	sadd.s32 s4, s19  }
0x9c: {  	s7 =	simm.s32 $0x0;
	s20 =	sshll.u32 s5, $0x1;
	s5 =	sadd.s32 s21, s3  }
0x9d: {  	[timem:s7], [sflag:s22] =	dma.local [hbm:s5], s20  }
0x9e: {  	_ =	swait.ge [sflag:s22], s20  }
0x9f: {  	s4 =	ssub.s32 $0x0, s20;
	[sflag:s22] =	ssyncset.done $0x0  }
0xa0: {  	[sflag:s22] =	ssyncadd.s32 s4;
	_ =	sdelay $0x1  }
0xa1: {  	s23 =	simm.s32 $0x1B8B  }
0xa2: {  	_ =	swait.ge [sflag:s23], $0x1  }
0xa3: {  	[sflag:s23] =	ssyncset.done $0x0  }
0xa4: {  	s25 =	simm.s32 $0x1B8E;
	s24 =	sld [smem:$0x3FFE];
	[sflag:s23] =	ssyncadd.s32 $0xFFFFFFFF  }
0xa5: {  	s26 =	simm.s32 $execute0_lowered;
	[smem:$0x3FD2] =	sst s25  }
0xa6: {  	s5 =	sshll.u32 s26, $0x1;
	_ =	strace $0x80000046;
	[dreg:$0x1] =	wrdreg $0xFFFFFFFF  }
0xa7: {  	s28 =	simm.s32 $_size_execute0_lowered;
	s3 =	sadd.s32 s3, s5;
	[dreg:$0x0] =	wrdreg $0x0  }
0xa8: {  	s5 =	sshll.u32 s28, $0x1;
	[dreg:$0x2] =	wrdreg s3  }
0xa9: {  	[dreg:$0x3] =	wrdreg s5  }
0xaa: {  	[dreg:$0x4] =	wrdreg $0xC0  }
0xab: {  	_ =	task [dreg:s7], $0x5FFFF  }
0xac: {  	[dreg:$0x1] =	wrdreg $0xFFFFFFFF  }
0xad: {  	[dreg:$0x0] =	wrdreg $0x60  }
0xae: {  	[dreg:$0x2] =	wrdreg s24  }
0xaf: {  	[dreg:$0x3] =	wrdreg s2  }
0xb0: {  	[dreg:$0x4] =	wrdreg $0xB5000  }
0xb1: {  	[dreg:$0x5] =	wrdreg $0x9  }
0xb2: {  	_ =	task.clear_ibuf [dreg:s7], $0x6FFFF;
	_ =	strace $0x90000046  }
0xb3: {  	s29 =	simm.s32 $0x9;
	_ =	strace $0x80000048  }
0xb4: {  	_ =	swait.ge [sflag:s29], $0x1  }
0xb5: {  	[sflag:s29] =	ssyncadd.s32 $0xFFFFFFFF  }
0xb6: {  	_ =	strace $0x90000048  }
0xb7: {  	_ =	sfence  }
0xb8: {  	s30 =	sld [smem:$0x0];
	_ =	sdelay $0x2  }
0xb9: {  	s31 =	sshll.u32 s1, $0xD;
	s1 =	sshrl.u32 s1, $0x2  }
0xba: {  	s3 =	sand.u32 $0x4000, s31;
	s1 =	sadd.s32 s1, s30  }
0xbb: {  	s0 =	sor.u32 s3, s0;
	s1 =	sshll.u32 s1, $0x11  }
0xbc: {  	s0 =	sor.u32 s1, s0  }
0xbd: {  	s0 =	sadd.s32 $0x8F2B, s0  }
0xbe: {  	[sflag:s0] =	ssyncadd.remote.s32 $0x1  }
0xbf: {  	_ =	sfence.sel $0xFFFF  }
0xc0: {  	[dreg:$0x0] =	wrdreg $0xFFFFFFFF;
	(pc) =	sbr.abs _section_cstart, $3  }
0xc1: {  	[dreg:$0x1] =	wrdreg $0xFFFFFFFF  }
0xc2: {  	_ =	task.clear_ibuf [dreg:s7], $0x2FFFF;
	_ =	strace $0x9FFFFFFF  }
0xc3: {  	(tm) =	ssettm $0x7FFFFFFF  }
tec
execute0_lowered:
.L_overlay_start_1:
0x0: {  	(tag) =	ssettag $0x1  }
0x1: {  	s0 =	rddreg [dreg:$0x0]  }
0x2: {  	s1 =	rddreg [dreg:$0x1]  }
0x3: {  	s2 =	rddreg [dreg:$0x2];
	s3 =	simm.s32 $0x0;
	s17 =	stileid.u32  }
0x4: {  	s5 =	srdreg.scid;
	s29 =	simm.s32 $0x3;
	s30 =	simm.s32 $0x0  }
0x5: {  	[smem:$0x7FF] =	sst s3;
	s6 =	smul.u32 $0x1388, s17;
	s4 =	sadd.s32 $0x272E00, s0  }
0x6: {  	s8 =	sand.u32 $0x1, s5;
	s7 =	smul.u32 $0x4E000, s17;
	s5 =	sadd.s32 $0x27CC00, s0  }
0x7: {  	s0 =	sadd.s32 $0x1E00, s0;
	s24 =	smul.u32 $0x13800, s17;
	s28 =	sadd.s32 $0x124800, s2  }
0x8: {  	p0 =	seq.s32 s17, $0xF;
	s17 =	simm.s32 $0x28;
	s31 =	smul.u32 $0x138800, s8  }
0x9: {  	_ =	strace $0x80000047;
	s9 =	ssub.s32 $0x2, s8;
	s8 =	smul.u32 $0x13880, s8  }
0xa: {  	s10 =	sshrl.u32 s9, $0x1;
	s11 =	sshrl.u32 s6, $0x3;
	s7 =	sshrl.u32 s7, $0x2  }
0xb: {  	s15 =	sadd.s32 $0x27100, s6;
	s12 =	sadd.s32 s4, s11;
	s7 =	sadd.s32 s7, s2  }
0xc: {  	s9 =	ssub.s32 s9, s10;
	s21 =	sshrl.u32 s31, $0x3;
	s25 =	sshrl.u32 s15, $0x3  }
0xd: {  	s10 =	sadd.s32 $0x136000, s2;
	[dreg:$0x4] =	wrdreg s12;
	s16 =	sadd.s32 $0x2710, s12  }
0xe: {  	s18 =	sadd.s32 $0x2800, s7;
	s19 =	sadd.s32 $0x5000, s7;
	[dreg:$0x5] =	wrdreg s16  }
0xf: {  	s20 =	sadd.s32 $0x7800, s7;
	s22 =	sadd.s32 $0xA000, s7;
	[dreg:$0x6] =	wrdreg s18  }
0x10: {  	s23 =	sadd.s32 $0xC800, s7;
	s14 =	sadd.s32 s1, s21;
	[dreg:$0x7] =	wrdreg s19  }
0x11: {  	s12 =	sadd.s32 s4, s25;
	s1 =	sadd.s32 s24, s31;
	[dreg:$0x8] =	wrdreg s20  }
0x12: {  	s31 =	sadd.s32 $0x3A9A8, s6;
	s24 =	sadd.s32 $0x12E800, s2;
	[dreg:$0x9] =	wrdreg s22  }
0x13: {  	s25 =	sadd.s32 $0x12C000, s2;
	[dreg:$0xa] =	wrdreg s23;
	s16 =	sadd.s32 $0x3A980, s6  }
0x14: {  	[dreg:$0xb] =	wrdreg s12;
	s19 =	sadd.s32 s6, s8;
	s6 =	sadd.s32 $0x27128, s6  }
0x15: {  	s11 =	sshrl.u32 s31, $0x3;
	s1 =	sshrl.u32 s1, $0x3;
	s18 =	sadd.s32 $0xF000, s7  }
0x16: {  	s20 =	sadd.s32 $0x11800, s7;
	s22 =	smax.u32 s9, $0x1;
	[dreg:$0x17] =	wrdreg s24  }
0x17: {  	s23 =	sadd.s32 $0x129800, s2;
	[dreg:$0x18] =	wrdreg s25;
	s31 =	sadd.s32 $0x133800, s2  }
0x18: {  	s9 =	simm.s32 $0x1400;
	s24 =	simm.s32 $0x50;
	[dreg:$0x12] =	wrdreg s18  }
0x19: {  	s25 =	simm.s32 $0x5;
	s13 =	sshrl.u32 s16, $0x3;
	[dreg:$0x13] =	wrdreg s20  }
0x1a: {  	s6 =	sshrl.u32 s6, $0x3;
	s1 =	sadd.s32 s0, s1;
	[dreg:$0x15] =	wrdreg s22  }
0x1b: {  	s0 =	sadd.s32 s0, s21;
	s12 =	sshll.u32 s19, $0x4;
	[dreg:$0x16] =	wrdreg s23  }
0x1c: {  	s21 =	sadd.s32 $0x127000, s2;
	[dreg:$0x1a] =	wrdreg s31;
	s18 =	simm.s32 $0x2800  }
0x1d: {  	s20 =	simm.s32 $0x7900;
	s22 =	simm.s32 $0x6;
	[dreg:$0xd] =	wrdreg s1  }
0x1e: {  	s23 =	simm.s32 $0x2;
	s26 =	sadd.s32 s4, s13;
	[dreg:$0x14] =	wrdreg s21  }
0x1f: {  	s6 =	sadd.s32 s4, s6;
	s13 =	sadd.s32 s4, s11;
	[dreg:$0xc] =	wrdreg s26  }
.Ltmp0:
0x20: {  	s1 =	sadd.s32 s5, s12;
	[dreg:$0xe] =	wrdreg s6;
	(pc) =	sbr.rel .LBB2_1-.Ltmp0, $4  }
0x21: {  	s0 =	sadd.s32 $0x24900, s0;
	s11 =	sadd.s32 $0x50, s19;
	[dreg:$0xf] =	wrdreg s13  }
0x22: {  	s21 =	simm.s32 $0x4;
	s12 =	simm.s32 $0x8D00;
	[dreg:$0x10] =	wrdreg s1  }
0x23: {  	[dreg:$0x11] =	wrdreg s0;
	s26 =	sadd.s32 $0x131000, s2;
	s13 =	simm.s32 $0x1  }
0x24: {  	v0 =	vimm.f32 $0.0e+00;
	s6 =	simm.s32 $0x2880;
	[dreg:$0x19] =	wrdreg s26;
	s26 =	simm.s32 $0x7  }
.LBB2_11:
0x25: {  	_ =	swait.ge [sflag:s26], $0x2800  }
0x26: {  	[sflag:s26] =	ssyncset.done $0x0  }
0x27: {  	[sflag:s26] =	ssyncadd.s32 $0xFFFFD800  }
0x28: {  	[bflag:$0x0] =	sbarrier.arrive $0xFFFF  }
0x29: {  	s0 =	sshrl.u32 @p0 s28, $0x3;
	s1 =	simm.s32 @p0 $0x1FC8;
	s8 =	rddreg [dreg:$0x11]  }
0x2a: {  	[hbm:s8], [sflag:s1] =	dma.local @p0 [spmem:s0], $0x2800  }
0x2b: {  	s0 =	simm.s32 @p0 $0x8  }
0x2c: {  	s1 =	stileid.u32;
	_ =	swait.ge @p0 [sflag:s0], $0x2800  }
0x2d: {  	s1 =	sshll.u32 @!p0 s1, $0x6;
	[sflag:s0] =	ssyncset.done @p0 $0x0;
	s8 =	rddreg [dreg:$0xd]  }
0x2e: {  	[sflag:s0] =	ssyncadd.s32 @p0 $0xFFFFD800;
	s0 =	sor.u32 @!p0 $0x1C08, s1;
	s1 =	sshrl.u32 @!p0 s7, $0x3  }
0x2f: {  	[hbm:s8], [sflag:s0] =	dma.local @!p0 [spmem:s1], $0x2700  }
0x30: {  	s0 =	simm.s32 @!p0 $0x8  }
0x31: {  	_ =	swait.ge @!p0 [sflag:s0], $0x2700  }
0x32: {  	s30 =	sadd.s32 $0x1, s30;
	s31 =	rddreg [dreg:$0x15]  }
0x33: {  	p1 =	sne.s32 s30, s31  }
.Ltmp1:
0x34: {  	_ = 	snop;
	(pc) =	sbr.rel @!p1 .LBB2_12-.Ltmp1, $3  }
0x35: {  	_ =	sdelay $0x1  }
0x36: {  	[sflag:s0] =	ssyncset.done @!p0 $0x0  }
0x37: {  	s9 =	simm.s32 $0x1400;
	[sflag:s0] =	ssyncadd.s32 @!p0 $0xFFFFD900  }
.LBB2_1:
0x38: {  	s0 =	rddreg [dreg:$0x4]  }
0x39: {  	[tilespmem:s3], [sflag:$0x1] =	stream.linear.gather [hbm4b:s0+s3], $0x1388, $0x38;
	[tilespmem:$0x1ED80] =	vst v63  }
0x3a: {  	s31 =	rddreg [dreg:$0x5];
	s1 =	simm.s32 $0x200;
	s0 =	simm.s32 $0x0  }
0x3b: {  	[tilespmem:s9], [sflag:$0x1] =	stream.linear.gather [hbm4b:s31+s3], $0x1388, $0x38;
	[tilespmem:$0x1ED80] =	vst v63  }
.LBB2_2:
0x3c: {  	p1 =	sne.s32 s1, $0x9E00;
	[tilespmem:s0+$0x8D70] =	vst v0  }
0x3d: {  	[tilespmem:s0+$0x8D00] =	vst v0  }
0x3e: {  	[tilespmem:s0+$0x8D10] =	vst v0  }
.Ltmp2:
0x3f: {  	[tilespmem:s0+$0x8D20] =	vst v0;
	(pc) =	sbr.rel @p1 .LBB2_2-.Ltmp2, $4  }
0x40: {  	[tilespmem:s0+$0x8D30] =	vst v0  }
0x41: {  	[tilespmem:s0+$0x8D40] =	vst v0  }
0x42: {  	[tilespmem:s0+$0x8D50] =	vst v0  }
0x43: {  	[tilespmem:s0+$0x8D60] =	vst v0;
	s0 =	sshra.s32 s1, $0x2;
	s1 =	sadd.s32 $0x200, s1  }
0x44: {  	[tilespmem:s0+$0x8D70] =	vst v0  }
0x45: {  	[tilespmem:s0+$0x8D00] =	vst v0  }
0x46: {  	[tilespmem:s0+$0x8D10] =	vst v0  }
0x47: {  	[tilespmem:s0+$0x8D20] =	vst v0  }
0x48: {  	[tilespmem:s0+$0x8D30] =	vst v0  }
0x49: {  	[tilespmem:s0+$0x8D40] =	vst v0  }
0x4a: {  	[tilespmem:s0+$0x8D50] =	vst v0  }
0x4b: {  	[tilespmem:s0+$0x8D60] =	vst v0;
	s0 =	simm.s32 @p0 $0x8D00;
	s1 =	simm.s32 @p0 $0x8  }
0x4c: {  	[spmem:s28] =	stream.linear.scatter @p0 [tilespmem:s0], [sflag:$0x8], $0x2800, $0x38;
	[tilespmem:$0x1ED80] =	vst v63  }
0x4d: {  	_ =	swait.ge @p0 [sflag:s1], $0x2800  }
0x4e: {  	[sflag:s1] =	ssyncset.done @p0 $0x0  }
0x4f: {  	s8 =	rddreg [dreg:$0x14];
	[sflag:s1] =	ssyncadd.s32 @p0 $0xFFFFD800  }
0x50: {  	[spmem:s8] =	stream.linear.scatter @p0 [tilespmem:s0], [sflag:$0x8], $0x2800, $0x38;
	[tilespmem:$0x1ED80] =	vst v63  }
0x51: {  	_ =	swait.ge @p0 [sflag:s1], $0x2800  }
0x52: {  	[sflag:s1] =	ssyncset.done @p0 $0x0  }
0x53: {  	s8 =	rddreg [dreg:$0x16];
	[sflag:s1] =	ssyncadd.s32 @p0 $0xFFFFD800  }
0x54: {  	[spmem:s8] =	stream.linear.scatter @p0 [tilespmem:s0], [sflag:$0x8], $0x2800, $0x38;
	[tilespmem:$0x1ED80] =	vst v63  }
0x55: {  	_ =	swait.ge @p0 [sflag:s1], $0x2800  }
0x56: {  	[sflag:s1] =	ssyncset.done @p0 $0x0  }
0x57: {  	s8 =	rddreg [dreg:$0x18];
	[sflag:s1] =	ssyncadd.s32 @p0 $0xFFFFD800  }
0x58: {  	[spmem:s8] =	stream.linear.scatter @p0 [tilespmem:s0], [sflag:$0x8], $0x2800, $0x38;
	[tilespmem:$0x1ED80] =	vst v63  }
0x59: {  	_ =	swait.ge @p0 [sflag:s1], $0x2800  }
0x5a: {  	[sflag:s1] =	ssyncset.done @p0 $0x0  }
0x5b: {  	s8 =	rddreg [dreg:$0x17];
	[sflag:s1] =	ssyncadd.s32 @p0 $0xFFFFD800  }
0x5c: {  	[spmem:s8] =	stream.linear.scatter @p0 [tilespmem:s0], [sflag:$0x8], $0x2800, $0x38;
	[tilespmem:$0x1ED80] =	vst v63  }
0x5d: {  	_ =	swait.ge @p0 [sflag:s1], $0x2800  }
0x5e: {  	[sflag:s1] =	ssyncset.done @p0 $0x0  }
0x5f: {  	s8 =	rddreg [dreg:$0x19];
	[sflag:s1] =	ssyncadd.s32 @p0 $0xFFFFD800  }
0x60: {  	[spmem:s8] =	stream.linear.scatter @p0 [tilespmem:s0], [sflag:$0x8], $0x2800, $0x38;
	[tilespmem:$0x1ED80] =	vst v63  }
0x61: {  	_ =	swait.ge @p0 [sflag:s1], $0x2800  }
0x62: {  	[sflag:s1] =	ssyncset.done @p0 $0x0  }
0x63: {  	s8 =	rddreg [dreg:$0x1a];
	[sflag:s1] =	ssyncadd.s32 @p0 $0xFFFFD800  }
0x64: {  	[spmem:s8] =	stream.linear.scatter @p0 [tilespmem:s0], [sflag:$0x8], $0x2800, $0x38;
	[tilespmem:$0x1ED80] =	vst v63  }
0x65: {  	_ =	swait.ge @p0 [sflag:s1], $0x2800  }
0x66: {  	[sflag:s1] =	ssyncset.done @p0 $0x0  }
0x67: {  	[sflag:s1] =	ssyncadd.s32 @p0 $0xFFFFD800  }
0x68: {  	[spmem:s10] =	stream.linear.scatter @p0 [tilespmem:s0], [sflag:$0x8], $0x2800, $0x38;
	[tilespmem:$0x1ED80] =	vst v63  }
0x69: {  	_ =	swait.ge @p0 [sflag:s1], $0x2800  }
0x6a: {  	[sflag:s1] =	ssyncset.done @p0 $0x0  }
0x6b: {  	s0 =	simm.s32 @!p0 $0x8D00;
	[sflag:s1] =	ssyncadd.s32 @p0 $0xFFFFD800;
	s1 =	simm.s32 @!p0 $0x8  }
0x6c: {  	[spmem:s7] =	stream.linear.scatter @!p0 [tilespmem:s0], [sflag:$0x8], $0x2800, $0x38;
	[tilespmem:$0x1ED80] =	vst v63  }
0x6d: {  	_ =	swait.ge @!p0 [sflag:s1], $0x2800  }
0x6e: {  	[sflag:s1] =	ssyncset.done @!p0 $0x0  }
0x6f: {  	s8 =	rddreg [dreg:$0x6];
	[sflag:s1] =	ssyncadd.s32 @!p0 $0xFFFFD800  }
0x70: {  	[spmem:s8] =	stream.linear.scatter @!p0 [tilespmem:s0], [sflag:$0x8], $0x2800, $0x38;
	[tilespmem:$0x1ED80] =	vst v63  }
0x71: {  	_ =	swait.ge @!p0 [sflag:s1], $0x2800  }
0x72: {  	[sflag:s1] =	ssyncset.done @!p0 $0x0  }
0x73: {  	s8 =	rddreg [dreg:$0x7];
	[sflag:s1] =	ssyncadd.s32 @!p0 $0xFFFFD800  }
0x74: {  	[spmem:s8] =	stream.linear.scatter @!p0 [tilespmem:s0], [sflag:$0x8], $0x2800, $0x38;
	[tilespmem:$0x1ED80] =	vst v63  }
0x75: {  	_ =	swait.ge @!p0 [sflag:s1], $0x2800  }
0x76: {  	[sflag:s1] =	ssyncset.done @!p0 $0x0  }
0x77: {  	s8 =	rddreg [dreg:$0x8];
	[sflag:s1] =	ssyncadd.s32 @!p0 $0xFFFFD800  }
0x78: {  	[spmem:s8] =	stream.linear.scatter @!p0 [tilespmem:s0], [sflag:$0x8], $0x2800, $0x38;
	[tilespmem:$0x1ED80] =	vst v63  }
0x79: {  	_ =	swait.ge @!p0 [sflag:s1], $0x2800  }
0x7a: {  	[sflag:s1] =	ssyncset.done @!p0 $0x0  }
0x7b: {  	s8 =	rddreg [dreg:$0x9];
	[sflag:s1] =	ssyncadd.s32 @!p0 $0xFFFFD800  }
0x7c: {  	[spmem:s8] =	stream.linear.scatter @!p0 [tilespmem:s0], [sflag:$0x8], $0x2800, $0x38;
	[tilespmem:$0x1ED80] =	vst v63  }
0x7d: {  	_ =	swait.ge @!p0 [sflag:s1], $0x2800  }
0x7e: {  	[sflag:s1] =	ssyncset.done @!p0 $0x0  }
0x7f: {  	s8 =	rddreg [dreg:$0xa];
	[sflag:s1] =	ssyncadd.s32 @!p0 $0xFFFFD800  }
0x80: {  	[spmem:s8] =	stream.linear.scatter @!p0 [tilespmem:s0], [sflag:$0x8], $0x2800, $0x38;
	[tilespmem:$0x1ED80] =	vst v63  }
0x81: {  	_ =	swait.ge @!p0 [sflag:s1], $0x2800  }
0x82: {  	[sflag:s1] =	ssyncset.done @!p0 $0x0  }
0x83: {  	s8 =	rddreg [dreg:$0x12];
	[sflag:s1] =	ssyncadd.s32 @!p0 $0xFFFFD800  }
0x84: {  	[spmem:s8] =	stream.linear.scatter @!p0 [tilespmem:s0], [sflag:$0x8], $0x2800, $0x38;
	[tilespmem:$0x1ED80] =	vst v63  }
0x85: {  	_ =	swait.ge @!p0 [sflag:s1], $0x2800  }
0x86: {  	[sflag:s1] =	ssyncset.done @!p0 $0x0  }
0x87: {  	s8 =	rddreg [dreg:$0x13];
	[sflag:s1] =	ssyncadd.s32 @!p0 $0xFFFFD800  }
0x88: {  	[spmem:s8] =	stream.linear.scatter @!p0 [tilespmem:s0], [sflag:$0x8], $0x2000, $0x38;
	[tilespmem:$0x1ED80] =	vst v63  }
0x89: {  	_ =	swait.ge @!p0 [sflag:s1], $0x2000  }
0x8a: {  	[sflag:s1] =	ssyncset.done @!p0 $0x0  }
0x8b: {  	[sflag:s1] =	ssyncadd.s32 @!p0 $0xFFFFE000  }
0x8c: {  	_ =	swait.ge [sflag:s13], $0x1388  }
0x8d: {  	[sflag:s13] =	ssyncset.done $0x0  }
0x8e: {  	[sflag:s13] =	ssyncadd.s32 $0xFFFFEC78  }
0x8f: {  	_ =	swait.ge [sflag:s13], $0x1388  }
0x90: {  	[sflag:s13] =	ssyncset.done $0x0  }
0x91: {  	[sflag:s13] =	ssyncadd.s32 $0xFFFFEC78  }
0x92: {  	s31 =	simm.s32 $0x0;
	s1 =	simm.s32 $0x2900;
	[bflag:$0x0] =	sbarrier.arrive $0xFFFF  }
0x93: {  	[tilespmem:s1], [sflag:$0x4] =	stream.indirect.gather [hbm4b:s14+s17], $0x80, s31, s17, $0xb8;
	[tilespmem:$0x1ED80] =	vst v63  }
0x94: {  	s8 =	simm.s32 $0x3D00  }
0x95: {  	[tilespmem:s8], [sflag:$0x4] =	stream.indirect.gather [hbm4b:s14+s17], $0x80, s9, s17, $0xb8;
	[tilespmem:$0x1ED80] =	vst v63  }
0x96: {  	s9 =	rddreg [dreg:$0xb]  }
0x97: {  	[tilespmem:s18], [sflag:$0x2] =	stream.linear.gather [hbm4b:s9+s31], $0x28, $0x38;
	[tilespmem:$0x1ED80] =	vst v63  }
0x98: {  	s1 =	rddreg [dreg:$0xc];
	s8 =	simm.s32 $0x2828  }
0x99: {  	[tilespmem:s8], [sflag:$0x2] =	stream.linear.gather [hbm4b:s1+s31], $0x28, $0x38;
	[tilespmem:$0x1ED80] =	vst v63  }
0x9a: {  	s9 =	simm.s32 $0x5100  }
0x9b: {  	[tilespmem:s9], [sflag:$0x5] =	stream.indirect.gather [hbm4b:s14+s17], $0x80, s17, s17, $0xb8;
	[tilespmem:$0x1ED80] =	vst v63  }
0x9c: {  	s1 =	simm.s32 $0x1428;
	s8 =	simm.s32 $0x6500  }
0x9d: {  	[tilespmem:s8], [sflag:$0x5] =	stream.indirect.gather [hbm4b:s14+s17], $0x80, s1, s17, $0xb8;
	[tilespmem:$0x1ED80] =	vst v63  }
0x9e: {  	s9 =	rddreg [dreg:$0xe]  }
0x9f: {  	[tilespmem:s6], [sflag:$0x3] =	stream.linear.gather [hbm4b:s9+s31], $0x28, $0x38;
	[tilespmem:$0x1ED80] =	vst v63  }
.Ltmp3:
0xa0: {  	_ = 	snop;
	(pc) =	sbr.rel .LBB2_4-.Ltmp3, $4  }
0xa1: {  	s1 =	rddreg [dreg:$0xf];
	s8 =	simm.s32 $0x28A8  }
0xa2: {  	[tilespmem:s8], [sflag:$0x3] =	stream.linear.gather [hbm4b:s1+s31], $0x28, $0x38;
	[tilespmem:$0x1ED80] =	vst v63  }
0xa3: {  	s9 =	rddreg [dreg:$0x10]  }
0xa4: {  	[tilespmem:s20], [sflag:$0x6] =	stream.linear.gather [hbm4b:s9+s31], $0x1400, $0x38;
	[tilespmem:$0x1ED80] =	vst v63  }
.LBB2_10:
0xa5: {  	s31 =	sadd.s32 $0x1, s31  }
0xa6: {  	p1 =	sne.s32 s31, $0x3F  }
.Ltmp4:
0xa7: {  	_ = 	snop;
	(pc) =	sbr.rel @!p1 .LBB2_11-.Ltmp4, $1  }
0xa8: {  	_ =	sdelay $0x3  }
.LBB2_4:
0xa9: {  	_ =	swait.ge [sflag:s21], $0x1400  }
0xaa: {  	[sflag:s21] =	ssyncset.done $0x0  }
0xab: {  	[sflag:s21] =	ssyncadd.s32 $0xFFFFEC00  }
0xac: {  	_ =	swait.ge [sflag:s21], $0x1400  }
0xad: {  	[sflag:s21] =	ssyncset.done $0x0  }
0xae: {  	[sflag:s21] =	ssyncadd.s32 $0xFFFFEC00  }
0xaf: {  	_ =	swait.ge [sflag:s22], $0x1400  }
0xb0: {  	p1 =	seq.s32 s31, $0x0;
	[sflag:s22] =	ssyncset.done $0x0  }
0xb1: {  	s0 =	simm.s32 @!p1 $0x7;
	[sflag:s22] =	ssyncadd.s32 $0xFFFFEC00  }
0xb2: {  	_ =	swait.ge @!p1 [sflag:s0], $0x2800  }
0xb3: {  	[sflag:s0] =	ssyncset.done @!p1 $0x0  }
0xb4: {  	s1 =	simm.s32 $0x0;
	[sflag:s0] =	ssyncadd.s32 @!p1 $0xFFFFD800  }
0xb5: {  	v1 =	vld [tilespmem:s1+$0x7970]  }
0xb6: {  	v2 =	vld [tilespmem:s1+$0x3D70];
	_ =	sdelay $0x2  }
0xb7: {  	v3 =	vld [tilespmem:s1+$0x7900]  }
0xb8: {  	v4 =	vld [tilespmem:s1+$0x7910];
	v6 =	vand.u32 $0xFFFF0000, v1  }
0xb9: {  	v5 =	vld [tilespmem:s1+$0x7920];
	v2 =	vmul.f32 v6, v2  }
0xba: {  	v8 =	vld [tilespmem:s1+$0x7930]  }
0xbb: {  	[tilespmem:s1+$0xA170] =	vst v2;
	v2 =	vld [tilespmem:s1+$0x2900]  }
0xbc: {  	v6 =	vld [tilespmem:s1+$0x2910]  }
0xbd: {  	v9 =	vld [tilespmem:s1+$0x7940]  }
0xbe: {  	v7 =	vld [tilespmem:s1+$0x2920]  }
0xbf: {  	v12 =	vld [tilespmem:s1+$0x2930];
	v13 =	vshll.u32 v3, $0x10  }
0xc0: {  	v10 =	vld [tilespmem:s1+$0x7950];
	v3 =	vand.u32 $0xFFFF0000, v3;
	v2 =	vmul.f32 v13, v2  }
0xc1: {  	v14 =	vld [tilespmem:s1+$0x2940];
	v3 =	vmul.f32 v3, v6  }
0xc2: {  	v13 =	vld [tilespmem:s1+$0x2950];
	[tilespmem:s1+$0x8D00] =	vst v2;
	v2 =	vshll.u32 v4, $0x10  }
0xc3: {  	v11 =	vld [tilespmem:s1+$0x7960];
	[tilespmem:s1+$0x8D10] =	vst v3;
	v3 =	vand.u32 $0xFFFF0000, v4;
	v2 =	vmul.f32 v2, v7  }
0xc4: {  	v15 =	vld [tilespmem:s1+$0x2960];
	v3 =	vmul.f32 v3, v12  }
0xc5: {  	v16 =	vld [tilespmem:s1+$0x2970];
	[tilespmem:s1+$0x8D20] =	vst v2;
	v2 =	vshll.u32 v5, $0x10  }
0xc6: {  	v17 =	vld [tilespmem:s1+$0x3D00];
	[tilespmem:s1+$0x8D30] =	vst v3;
	v3 =	vand.u32 $0xFFFF0000, v5;
	v2 =	vmul.f32 v2, v14  }
0xc7: {  	v12 =	vld [tilespmem:s1+$0x3D10];
	v3 =	vmul.f32 v3, v13  }
0xc8: {  	v6 =	vld [tilespmem:s1+$0x3D20];
	[tilespmem:s1+$0x8D40] =	vst v2;
	v2 =	vshll.u32 v8, $0x10  }
0xc9: {  	v1 =	vshll.u32 v1, $0x10;
	v7 =	vld [tilespmem:s1+$0x3D30];
	[tilespmem:s1+$0x8D50] =	vst v3;
	v3 =	vand.u32 $0xFFFF0000, v8;
	v2 =	vmul.f32 v2, v15  }
0xca: {  	v14 =	vshll.u32 v9, $0x10;
	v8 =	vld [tilespmem:s1+$0x3D40];
	v13 =	vmul.f32 v3, v16;
	v3 =	vshll.u32 v11, $0x10  }
0xcb: {  	v15 =	vand.u32 $0xFFFF0000, v9;
	v9 =	vld [tilespmem:s1+$0x3D50];
	[tilespmem:s1+$0x8D60] =	vst v2;
	v2 =	vand.u32 $0xFFFF0000, v11;
	v11 =	vmul.f32 v14, v17  }
0xcc: {  	s8 =	simm.s32 $0x80;
	s9 =	simm.s32 $0x400;
	s0 =	sshll.u32 s31, $0x1;
	v4 =	vand.u32 $0xFFFF0000, v10;
	v5 =	vshll.u32 v10, $0x10;
	v10 =	vld [tilespmem:s1+$0x3D60];
	[tilespmem:s1+$0x8D70] =	vst v13;
	v12 =	vmul.f32 v15, v12  }
.LBB2_5:
0xcd: {  	p1 =	sne.s32 s9, $0x4E00;
	v13 =	vld [tilespmem:s8+$0x7970];
	[tilespmem:s1+$0xA100] =	vst v11;
	v5 =	vmul.f32 v5, v6  }
0xce: {  	v6 =	vld [tilespmem:s8+$0x3D70];
	[tilespmem:s1+$0xA110] =	vst v12;
	v4 =	vmul.f32 v4, v7  }
0xcf: {  	v7 =	vld [tilespmem:s8+$0x7900];
	[tilespmem:s1+$0xA120] =	vst v5;
	v3 =	vmul.f32 v3, v8  }
0xd0: {  	v5 =	vld [tilespmem:s8+$0x7910];
	[tilespmem:s1+$0xA130] =	vst v4;
	v2 =	vmul.f32 v2, v9  }
0xd1: {  	v4 =	vld [tilespmem:s8+$0x7920];
	[tilespmem:s1+$0xA140] =	vst v3;
	v3 =	vmul.f32 v1, v10  }
0xd2: {  	v8 =	vld [tilespmem:s8+$0x7930];
	v1 =	vshll.u32 v13, $0x10;
	v9 =	vand.u32 $0xFFFF0000, v13;
	[tilespmem:s1+$0xA150] =	vst v2  }
0xd3: {  	v2 =	vld [tilespmem:s8+$0x7940];
	v6 =	vmul.f32 v9, v6;
	[tilespmem:s1+$0xA160] =	vst v3;
	s1 =	smov.u32 s8  }
0xd4: {  	v9 =	vshll.u32 v7, $0x10;
	v7 =	vand.u32 $0xFFFF0000, v7;
	v3 =	vld [tilespmem:s1+$0x7950]  }
0xd5: {  	v10 =	vshll.u32 v5, $0x10;
	v11 =	vand.u32 $0xFFFF0000, v5;
	v12 =	vld [tilespmem:s1+$0x7960];
	[tilespmem:s1+$0xA170] =	vst v6  }
0xd6: {  	v6 =	vld [tilespmem:s1+$0x2900];
	v13 =	vshll.u32 v4, $0x10;
	v14 =	vand.u32 $0xFFFF0000, v4  }
0xd7: {  	v15 =	vld [tilespmem:s1+$0x2910];
	v16 =	vshll.u32 v8, $0x10;
	v8 =	vand.u32 $0xFFFF0000, v8  }
0xd8: {  	v17 =	vld [tilespmem:s1+$0x2920];
	v18 =	vshll.u32 v2, $0x10;
	v19 =	vand.u32 $0xFFFF0000, v2  }
0xd9: {  	v20 =	vld [tilespmem:s1+$0x2930];
	v5 =	vshll.u32 v3, $0x10;
	v4 =	vand.u32 $0xFFFF0000, v3  }
0xda: {  	v21 =	vld [tilespmem:s1+$0x2940];
	v3 =	vshll.u32 v12, $0x10;
	v2 =	vand.u32 $0xFFFF0000, v12  }
0xdb: {  	v6 =	vmul.f32 v9, v6;
	v9 =	vld [tilespmem:s1+$0x2950]  }
0xdc: {  	v7 =	vmul.f32 v7, v15;
	v12 =	vld [tilespmem:s1+$0x2960]  }
0xdd: {  	[tilespmem:s1+$0x8D00] =	vst v6;
	v6 =	vmul.f32 v10, v17;
	v10 =	vld [tilespmem:s1+$0x2970]  }
0xde: {  	[tilespmem:s1+$0x8D10] =	vst v7;
	v7 =	vmul.f32 v11, v20;
	v11 =	vld [tilespmem:s1+$0x3D00]  }
0xdf: {  	[tilespmem:s1+$0x8D20] =	vst v6;
	v13 =	vmul.f32 v13, v21;
	v15 =	vld [tilespmem:s1+$0x3D10]  }
.Ltmp5:
0xe0: {  	[tilespmem:s1+$0x8D30] =	vst v7;
	v9 =	vmul.f32 v14, v9;
	v6 =	vld [tilespmem:s1+$0x3D20];
	(pc) =	sbr.rel @p1 .LBB2_5-.Ltmp5, $4  }
0xe1: {  	[tilespmem:s1+$0x8D40] =	vst v13;
	v12 =	vmul.f32 v16, v12;
	v7 =	vld [tilespmem:s1+$0x3D30]  }
0xe2: {  	[tilespmem:s1+$0x8D50] =	vst v9;
	v10 =	vmul.f32 v8, v10;
	v8 =	vld [tilespmem:s1+$0x3D40]  }
0xe3: {  	[tilespmem:s1+$0x8D60] =	vst v12;
	v11 =	vmul.f32 v18, v11;
	v9 =	vld [tilespmem:s1+$0x3D50]  }
0xe4: {  	s8 =	sshra.s32 s9, $0x2;
	s9 =	sadd.s32 $0x200, s9;
	[tilespmem:s1+$0x8D70] =	vst v10;
	v12 =	vmul.f32 v19, v15;
	v10 =	vld [tilespmem:s1+$0x3D60]  }
0xe5: {  	v13 =	vld [tilespmem:s8+$0x7970];
	[tilespmem:s1+$0xA100] =	vst v11;
	v5 =	vmul.f32 v5, v6  }
0xe6: {  	v11 =	vld [tilespmem:s8+$0x3D70];
	[tilespmem:s1+$0xA110] =	vst v12;
	v4 =	vmul.f32 v4, v7  }
0xe7: {  	v46 =	vld [tilespmem:s8+$0x7900];
	[tilespmem:s1+$0xA120] =	vst v5;
	v3 =	vmul.f32 v3, v8  }
0xe8: {  	v5 =	vld [tilespmem:s8+$0x7910];
	[tilespmem:s1+$0xA130] =	vst v4;
	v2 =	vmul.f32 v2, v9  }
0xe9: {  	v4 =	vld [tilespmem:s8+$0x7920];
	[tilespmem:s1+$0xA140] =	vst v3;
	v1 =	vmul.f32 v1, v10  }
0xea: {  	v3 =	vld [tilespmem:s8+$0x7930];
	[tilespmem:s1+$0xA150] =	vst v2;
	v47 =	vand.u32 $0xFFFF0000, v13  }
0xeb: {  	v2 =	vld [tilespmem:s8+$0x7940];
	[tilespmem:s1+$0xA160] =	vst v1;
	v1 =	vmul.f32 v47, v11;
	_ =	sdelay $0x1  }
0xec: {  	[tilespmem:s8+$0xA170] =	vst v1;
	v1 =	vld [tilespmem:s8+$0x2900];
	_ =	sdelay $0x2  }
0xed: {  	v51 =	vld [tilespmem:s8+$0x2920]  }
0xee: {  	v48 =	vld [tilespmem:s8+$0x7950];
	v53 =	vshll.u32 v46, $0x10  }
0xef: {  	v49 =	vld [tilespmem:s8+$0x7960];
	v1 =	vmul.f32 v53, v1  }
0xf0: {  	v14 =	vld [tilespmem:s8+$0x2940]  }
0xf1: {  	v50 =	vld [tilespmem:s8+$0x2910];
	[tilespmem:s8+$0x8D00] =	vst v1;
	v1 =	vshll.u32 v5, $0x10  }
0xf2: {  	v52 =	vld [tilespmem:s8+$0x2930];
	v1 =	vmul.f32 v1, v51  }
0xf3: {  	v15 =	vld [tilespmem:s8+$0x2960]  }
0xf4: {  	v54 =	vld [tilespmem:s8+$0x2950];
	[tilespmem:s8+$0x8D20] =	vst v1;
	v1 =	vshll.u32 v4, $0x10  }
0xf5: {  	v6 =	vand.u32 $0xFFFF0000, v46;
	v55 =	vld [tilespmem:s8+$0x2970];
	v1 =	vmul.f32 v1, v14  }
0xf6: {  	v56 =	vld [tilespmem:s8+$0x3D00];
	v6 =	vmul.f32 v6, v50;
	v5 =	vand.u32 $0xFFFF0000, v5  }
0xf7: {  	v57 =	vld [tilespmem:s8+$0x3D10];
	v5 =	vmul.f32 v5, v52;
	[tilespmem:s8+$0x8D40] =	vst v1;
	v1 =	vshll.u32 v3, $0x10  }
0xf8: {  	v58 =	vld [tilespmem:s8+$0x3D20];
	[tilespmem:s8+$0x8D10] =	vst v6;
	v4 =	vand.u32 $0xFFFF0000, v4;
	v1 =	vmul.f32 v1, v15  }
0xf9: {  	v59 =	vld [tilespmem:s8+$0x3D30];
	[tilespmem:s8+$0x8D30] =	vst v5;
	v4 =	vmul.f32 v4, v54;
	v3 =	vand.u32 $0xFFFF0000, v3  }
0xfa: {  	v60 =	vld [tilespmem:s8+$0x3D40];
	v3 =	vmul.f32 v3, v55;
	[tilespmem:s8+$0x8D60] =	vst v1;
	v1 =	vshll.u32 v2, $0x10  }
0xfb: {  	v61 =	vld [tilespmem:s8+$0x3D50];
	[tilespmem:s8+$0x8D50] =	vst v4;
	v2 =	vand.u32 $0xFFFF0000, v2;
	v1 =	vmul.f32 v1, v56  }
0xfc: {  	v62 =	vld [tilespmem:s8+$0x3D60];
	[tilespmem:s8+$0x8D70] =	vst v3;
	v3 =	vshll.u32 v48, $0x10;
	v2 =	vmul.f32 v2, v57  }
0xfd: {  	v7 =	vand.u32 $0xFFFF0000, v48;
	[tilespmem:s8+$0xA100] =	vst v1;
	v1 =	vmul.f32 v3, v58  }
0xfe: {  	v3 =	vshll.u32 v49, $0x10;
	[tilespmem:s8+$0xA110] =	vst v2;
	v2 =	vmul.f32 v7, v59  }
0xff: {  	v63 =	vand.u32 $0xFFFF0000, v49;
	[tilespmem:s8+$0xA120] =	vst v1;
	v1 =	vmul.f32 v3, v60  }
0x100: {  	v3 =	vshll.u32 v13, $0x10;
	[tilespmem:s8+$0xA130] =	vst v2;
	v2 =	vmul.f32 v63, v61  }
0x101: {  	[tilespmem:s8+$0xA140] =	vst v1;
	v1 =	vmul.f32 v3, v62  }
0x102: {  	[tilespmem:s8+$0xA150] =	vst v2  }
0x103: {  	[tilespmem:s8+$0xA160] =	vst v1  }
0x104: {  	s0 =	sor.u32 $0x1, s0;
	_ =	swait.ge [sflag:s23], $0x28  }
0x105: {  	p1 =	sgt.u32 s0, $0x7C;
	[sflag:s23] =	ssyncset.done $0x0  }
0x106: {  	s0 =	smul.u32 @!p1 $0x28, s0;
	[sflag:s23] =	ssyncadd.s32 $0xFFFFFFD8  }
0x107: {  	_ =	swait.ge [sflag:s23], $0x28  }
0x108: {  	p2 =	seq.s32 s31, $0x3E;
	s0 =	sadd.s32 @!p1 s19, s0;
	[sflag:s23] =	ssyncset.done $0x0  }
0x109: {  	s9 =	smul.u32 @!p2 $0x50, s31;
	s0 =	sshll.u32 @!p1 s0, $0x4;
	[sflag:s23] =	ssyncadd.s32 $0xFFFFFFD8  }
0x10a: {  	[spmem:s2] =	stream.indirect.scatter.add.f32 [tilespmem:s12], [sflag:$0x7], $0x80, s18, s24, $0xb8;
	[tilespmem:$0x1ED80] =	vst v63  }
0x10b: {  	s0 =	sadd.s32 @!p1 s5, s0;
	s1 =	simm.s32 @!p1 $0x0;
	s8 =	simm.s32 @!p1 $0x7900  }
0x10c: {  	[tilespmem:s8], [sflag:$0x6] =	stream.linear.gather @!p1 [hbm4b:s0+s1], $0x1400, $0x38;
	[tilespmem:$0x1ED80] =	vst v63  }
0x10d: {  	s0 =	sadd.s32 @!p2 $0x50, s9;
	s1 =	simm.s32 @!p2 $0x28;
	s8 =	simm.s32 @!p2 $0x2900  }
0x10e: {  	[tilespmem:s8], [sflag:$0x4] =	stream.indirect.gather @!p2 [hbm4b:s14+s1], $0x80, s0, s1, $0xb8;
	[tilespmem:$0x1ED80] =	vst v63  }
0x10f: {  	s8 =	sadd.s32 @!p2 $0x1450, s9;
	s9 =	simm.s32 @!p2 $0x3D00  }
0x110: {  	[tilespmem:s9], [sflag:$0x4] =	stream.indirect.gather @!p2 [hbm4b:s14+s1], $0x80, s8, s1, $0xb8;
	[tilespmem:$0x1ED80] =	vst v63  }
0x111: {  	s1 =	sadd.s32 @!p2 s15, s0;
	s0 =	sadd.s32 @!p2 s16, s0  }
.Ltmp6:
0x112: {  	s8 =	simm.s32 @!p2 $0x0;
	s1 =	sshrl.u32 @!p2 s1, $0x3;
	(pc) =	sbr.rel @p1 .LBB2_10-.Ltmp6, $4  }
0x113: {  	s9 =	simm.s32 @!p2 $0x2800;
	s0 =	sshrl.u32 @!p2 s0, $0x3;
	s1 =	sadd.s32 @!p2 s4, s1  }
0x114: {  	[tilespmem:s9], [sflag:$0x2] =	stream.linear.gather @!p2 [hbm4b:s1+s8], $0x28, $0x38;
	[tilespmem:$0x1ED80] =	vst v63  }
0x115: {  	s0 =	sadd.s32 @!p2 s4, s0;
	s1 =	simm.s32 @!p2 $0x2828  }
0x116: {  	[tilespmem:s1], [sflag:$0x2] =	stream.linear.gather @!p2 [hbm4b:s0+s8], $0x28, $0x38;
	[tilespmem:$0x1ED80] =	vst v63  }
0x117: {  	_ =	swait.ge [sflag:s25], $0x1400  }
0x118: {  	[sflag:s25] =	ssyncset.done $0x0  }
0x119: {  	[sflag:s25] =	ssyncadd.s32 $0xFFFFEC00  }
0x11a: {  	_ =	swait.ge [sflag:s25], $0x1400  }
0x11b: {  	[sflag:s25] =	ssyncset.done $0x0  }
0x11c: {  	[sflag:s25] =	ssyncadd.s32 $0xFFFFEC00  }
0x11d: {  	_ =	swait.ge [sflag:s22], $0x1400  }
0x11e: {  	[sflag:s22] =	ssyncset.done $0x0  }
0x11f: {  	[sflag:s22] =	ssyncadd.s32 $0xFFFFEC00  }
0x120: {  	_ =	swait.ge [sflag:s26], $0x2800  }
0x121: {  	[sflag:s26] =	ssyncset.done $0x0  }
0x122: {  	s0 =	simm.s32 $0x0;
	[sflag:s26] =	ssyncadd.s32 $0xFFFFD800  }
0x123: {  	v1 =	vld [tilespmem:s0+$0x7970]  }
0x124: {  	v2 =	vld [tilespmem:s0+$0x6570];
	_ =	sdelay $0x2  }
0x125: {  	v3 =	vld [tilespmem:s0+$0x7900]  }
0x126: {  	v4 =	vld [tilespmem:s0+$0x7910];
	v6 =	vand.u32 $0xFFFF0000, v1  }
0x127: {  	v5 =	vld [tilespmem:s0+$0x7920];
	v2 =	vmul.f32 v6, v2  }
0x128: {  	v8 =	vld [tilespmem:s0+$0x7930]  }
0x129: {  	[tilespmem:s0+$0xA170] =	vst v2;
	v2 =	vld [tilespmem:s0+$0x5100]  }
0x12a: {  	v6 =	vld [tilespmem:s0+$0x5110]  }
0x12b: {  	v9 =	vld [tilespmem:s0+$0x7940]  }
0x12c: {  	v7 =	vld [tilespmem:s0+$0x5120]  }
0x12d: {  	v12 =	vld [tilespmem:s0+$0x5130];
	v13 =	vshll.u32 v3, $0x10  }
0x12e: {  	v10 =	vld [tilespmem:s0+$0x7950];
	v3 =	vand.u32 $0xFFFF0000, v3;
	v2 =	vmul.f32 v13, v2  }
0x12f: {  	v14 =	vld [tilespmem:s0+$0x5140];
	v3 =	vmul.f32 v3, v6  }
0x130: {  	v13 =	vld [tilespmem:s0+$0x5150];
	[tilespmem:s0+$0x8D00] =	vst v2;
	v2 =	vshll.u32 v4, $0x10  }
0x131: {  	v11 =	vld [tilespmem:s0+$0x7960];
	[tilespmem:s0+$0x8D10] =	vst v3;
	v3 =	vand.u32 $0xFFFF0000, v4;
	v2 =	vmul.f32 v2, v7  }
0x132: {  	v15 =	vld [tilespmem:s0+$0x5160];
	v3 =	vmul.f32 v3, v12  }
0x133: {  	v16 =	vld [tilespmem:s0+$0x5170];
	[tilespmem:s0+$0x8D20] =	vst v2;
	v2 =	vshll.u32 v5, $0x10  }
0x134: {  	v17 =	vld [tilespmem:s0+$0x6500];
	[tilespmem:s0+$0x8D30] =	vst v3;
	v3 =	vand.u32 $0xFFFF0000, v5;
	v2 =	vmul.f32 v2, v14  }
0x135: {  	v12 =	vld [tilespmem:s0+$0x6510];
	v3 =	vmul.f32 v3, v13  }
0x136: {  	v6 =	vld [tilespmem:s0+$0x6520];
	[tilespmem:s0+$0x8D40] =	vst v2;
	v2 =	vshll.u32 v8, $0x10  }
0x137: {  	v1 =	vshll.u32 v1, $0x10;
	v7 =	vld [tilespmem:s0+$0x6530];
	[tilespmem:s0+$0x8D50] =	vst v3;
	v3 =	vand.u32 $0xFFFF0000, v8;
	v2 =	vmul.f32 v2, v15  }
0x138: {  	v14 =	vshll.u32 v9, $0x10;
	v8 =	vld [tilespmem:s0+$0x6540];
	v13 =	vmul.f32 v3, v16;
	v3 =	vshll.u32 v11, $0x10  }
0x139: {  	v15 =	vand.u32 $0xFFFF0000, v9;
	v9 =	vld [tilespmem:s0+$0x6550];
	[tilespmem:s0+$0x8D60] =	vst v2;
	v2 =	vand.u32 $0xFFFF0000, v11;
	v11 =	vmul.f32 v14, v17  }
0x13a: {  	s1 =	simm.s32 $0x80;
	s8 =	simm.s32 $0x400;
	v4 =	vand.u32 $0xFFFF0000, v10;
	v5 =	vshll.u32 v10, $0x10;
	v10 =	vld [tilespmem:s0+$0x6560];
	[tilespmem:s0+$0x8D70] =	vst v13;
	v12 =	vmul.f32 v15, v12  }
.LBB2_8:
0x13b: {  	p1 =	sne.s32 s8, $0x4E00;
	v13 =	vld [tilespmem:s1+$0x7970];
	[tilespmem:s0+$0xA100] =	vst v11;
	v5 =	vmul.f32 v5, v6  }
0x13c: {  	v6 =	vld [tilespmem:s1+$0x6570];
	[tilespmem:s0+$0xA110] =	vst v12;
	v4 =	vmul.f32 v4, v7  }
0x13d: {  	v7 =	vld [tilespmem:s1+$0x7900];
	[tilespmem:s0+$0xA120] =	vst v5;
	v3 =	vmul.f32 v3, v8  }
0x13e: {  	v5 =	vld [tilespmem:s1+$0x7910];
	[tilespmem:s0+$0xA130] =	vst v4;
	v2 =	vmul.f32 v2, v9  }
0x13f: {  	v4 =	vld [tilespmem:s1+$0x7920];
	[tilespmem:s0+$0xA140] =	vst v3;
	v3 =	vmul.f32 v1, v10  }
0x140: {  	v8 =	vld [tilespmem:s1+$0x7930];
	v1 =	vshll.u32 v13, $0x10;
	v9 =	vand.u32 $0xFFFF0000, v13;
	[tilespmem:s0+$0xA150] =	vst v2  }
0x141: {  	v2 =	vld [tilespmem:s1+$0x7940];
	v6 =	vmul.f32 v9, v6;
	[tilespmem:s0+$0xA160] =	vst v3;
	s0 =	smov.u32 s1  }
0x142: {  	v9 =	vshll.u32 v7, $0x10;
	v7 =	vand.u32 $0xFFFF0000, v7;
	v3 =	vld [tilespmem:s0+$0x7950]  }
0x143: {  	v10 =	vshll.u32 v5, $0x10;
	v11 =	vand.u32 $0xFFFF0000, v5;
	v12 =	vld [tilespmem:s0+$0x7960];
	[tilespmem:s0+$0xA170] =	vst v6  }
0x144: {  	v6 =	vld [tilespmem:s0+$0x5100];
	v13 =	vshll.u32 v4, $0x10;
	v14 =	vand.u32 $0xFFFF0000, v4  }
0x145: {  	v15 =	vld [tilespmem:s0+$0x5110];
	v16 =	vshll.u32 v8, $0x10;
	v8 =	vand.u32 $0xFFFF0000, v8  }
0x146: {  	v17 =	vld [tilespmem:s0+$0x5120];
	v18 =	vshll.u32 v2, $0x10;
	v19 =	vand.u32 $0xFFFF0000, v2  }
0x147: {  	v20 =	vld [tilespmem:s0+$0x5130];
	v5 =	vshll.u32 v3, $0x10;
	v4 =	vand.u32 $0xFFFF0000, v3  }
0x148: {  	v21 =	vld [tilespmem:s0+$0x5140];
	v3 =	vshll.u32 v12, $0x10;
	v2 =	vand.u32 $0xFFFF0000, v12  }
0x149: {  	v6 =	vmul.f32 v9, v6;
	v9 =	vld [tilespmem:s0+$0x5150]  }
0x14a: {  	v7 =	vmul.f32 v7, v15;
	v12 =	vld [tilespmem:s0+$0x5160]  }
0x14b: {  	[tilespmem:s0+$0x8D00] =	vst v6;
	v6 =	vmul.f32 v10, v17;
	v10 =	vld [tilespmem:s0+$0x5170]  }
0x14c: {  	[tilespmem:s0+$0x8D10] =	vst v7;
	v7 =	vmul.f32 v11, v20;
	v11 =	vld [tilespmem:s0+$0x6500]  }
0x14d: {  	[tilespmem:s0+$0x8D20] =	vst v6;
	v13 =	vmul.f32 v13, v21;
	v15 =	vld [tilespmem:s0+$0x6510]  }
.Ltmp7:
0x14e: {  	[tilespmem:s0+$0x8D30] =	vst v7;
	v9 =	vmul.f32 v14, v9;
	v6 =	vld [tilespmem:s0+$0x6520];
	(pc) =	sbr.rel @p1 .LBB2_8-.Ltmp7, $4  }
0x14f: {  	[tilespmem:s0+$0x8D40] =	vst v13;
	v12 =	vmul.f32 v16, v12;
	v7 =	vld [tilespmem:s0+$0x6530]  }
0x150: {  	[tilespmem:s0+$0x8D50] =	vst v9;
	v10 =	vmul.f32 v8, v10;
	v8 =	vld [tilespmem:s0+$0x6540]  }
0x151: {  	[tilespmem:s0+$0x8D60] =	vst v12;
	v11 =	vmul.f32 v18, v11;
	v9 =	vld [tilespmem:s0+$0x6550]  }
0x152: {  	s1 =	sshra.s32 s8, $0x2;
	s8 =	sadd.s32 $0x200, s8;
	[tilespmem:s0+$0x8D70] =	vst v10;
	v12 =	vmul.f32 v19, v15;
	v10 =	vld [tilespmem:s0+$0x6560]  }
0x153: {  	v13 =	vld [tilespmem:s1+$0x7970];
	[tilespmem:s0+$0xA100] =	vst v11;
	v5 =	vmul.f32 v5, v6  }
0x154: {  	v11 =	vld [tilespmem:s1+$0x6570];
	[tilespmem:s0+$0xA110] =	vst v12;
	v4 =	vmul.f32 v4, v7  }
0x155: {  	v46 =	vld [tilespmem:s1+$0x7900];
	[tilespmem:s0+$0xA120] =	vst v5;
	v3 =	vmul.f32 v3, v8  }
0x156: {  	v5 =	vld [tilespmem:s1+$0x7910];
	[tilespmem:s0+$0xA130] =	vst v4;
	v2 =	vmul.f32 v2, v9  }
0x157: {  	v4 =	vld [tilespmem:s1+$0x7920];
	[tilespmem:s0+$0xA140] =	vst v3;
	v1 =	vmul.f32 v1, v10  }
0x158: {  	v3 =	vld [tilespmem:s1+$0x7930];
	[tilespmem:s0+$0xA150] =	vst v2;
	v47 =	vand.u32 $0xFFFF0000, v13  }
0x159: {  	v2 =	vld [tilespmem:s1+$0x7940];
	[tilespmem:s0+$0xA160] =	vst v1;
	v1 =	vmul.f32 v47, v11;
	_ =	sdelay $0x1  }
0x15a: {  	[tilespmem:s1+$0xA170] =	vst v1;
	v1 =	vld [tilespmem:s1+$0x5100];
	_ =	sdelay $0x2  }
0x15b: {  	v51 =	vld [tilespmem:s1+$0x5120]  }
0x15c: {  	v48 =	vld [tilespmem:s1+$0x7950];
	v53 =	vshll.u32 v46, $0x10  }
0x15d: {  	v49 =	vld [tilespmem:s1+$0x7960];
	v1 =	vmul.f32 v53, v1  }
0x15e: {  	v14 =	vld [tilespmem:s1+$0x5140]  }
0x15f: {  	v50 =	vld [tilespmem:s1+$0x5110];
	[tilespmem:s1+$0x8D00] =	vst v1;
	v1 =	vshll.u32 v5, $0x10  }
0x160: {  	v52 =	vld [tilespmem:s1+$0x5130];
	v1 =	vmul.f32 v1, v51  }
0x161: {  	v15 =	vld [tilespmem:s1+$0x5160]  }
0x162: {  	v54 =	vld [tilespmem:s1+$0x5150];
	[tilespmem:s1+$0x8D20] =	vst v1;
	v1 =	vshll.u32 v4, $0x10  }
0x163: {  	v6 =	vand.u32 $0xFFFF0000, v46;
	v55 =	vld [tilespmem:s1+$0x5170];
	v1 =	vmul.f32 v1, v14  }
0x164: {  	v56 =	vld [tilespmem:s1+$0x6500];
	v6 =	vmul.f32 v6, v50;
	v5 =	vand.u32 $0xFFFF0000, v5  }
0x165: {  	v57 =	vld [tilespmem:s1+$0x6510];
	v5 =	vmul.f32 v5, v52;
	[tilespmem:s1+$0x8D40] =	vst v1;
	v1 =	vshll.u32 v3, $0x10  }
0x166: {  	v58 =	vld [tilespmem:s1+$0x6520];
	[tilespmem:s1+$0x8D10] =	vst v6;
	v4 =	vand.u32 $0xFFFF0000, v4;
	v1 =	vmul.f32 v1, v15  }
0x167: {  	v59 =	vld [tilespmem:s1+$0x6530];
	[tilespmem:s1+$0x8D30] =	vst v5;
	v4 =	vmul.f32 v4, v54;
	v3 =	vand.u32 $0xFFFF0000, v3  }
0x168: {  	v60 =	vld [tilespmem:s1+$0x6540];
	v3 =	vmul.f32 v3, v55;
	[tilespmem:s1+$0x8D60] =	vst v1;
	v1 =	vshll.u32 v2, $0x10  }
0x169: {  	v61 =	vld [tilespmem:s1+$0x6550];
	[tilespmem:s1+$0x8D50] =	vst v4;
	v2 =	vand.u32 $0xFFFF0000, v2;
	v1 =	vmul.f32 v1, v56  }
0x16a: {  	v62 =	vld [tilespmem:s1+$0x6560];
	[tilespmem:s1+$0x8D70] =	vst v3;
	v3 =	vshll.u32 v48, $0x10;
	v2 =	vmul.f32 v2, v57  }
0x16b: {  	v7 =	vand.u32 $0xFFFF0000, v48;
	[tilespmem:s1+$0xA100] =	vst v1;
	v1 =	vmul.f32 v3, v58  }
0x16c: {  	v3 =	vshll.u32 v49, $0x10;
	[tilespmem:s1+$0xA110] =	vst v2;
	v2 =	vmul.f32 v7, v59  }
0x16d: {  	v63 =	vand.u32 $0xFFFF0000, v49;
	[tilespmem:s1+$0xA120] =	vst v1;
	v1 =	vmul.f32 v3, v60  }
0x16e: {  	v3 =	vshll.u32 v13, $0x10;
	[tilespmem:s1+$0xA130] =	vst v2;
	v2 =	vmul.f32 v63, v61  }
0x16f: {  	[tilespmem:s1+$0xA140] =	vst v1;
	v1 =	vmul.f32 v3, v62  }
0x170: {  	[tilespmem:s1+$0xA150] =	vst v2  }
0x171: {  	[tilespmem:s1+$0xA160] =	vst v1  }
0x172: {  	_ =	swait.ge [sflag:s29], $0x28  }
0x173: {  	[sflag:s29] =	ssyncset.done $0x0  }
0x174: {  	s0 =	smul.u32 $0x50, s31;
	[sflag:s29] =	ssyncadd.s32 $0xFFFFFFD8  }
0x175: {  	_ =	swait.ge [sflag:s29], $0x28  }
0x176: {  	s9 =	sadd.s32 s0, s11;
	[sflag:s29] =	ssyncset.done $0x0  }
0x177: {  	s1 =	sshll.u32 s9, $0x4;
	[sflag:s29] =	ssyncadd.s32 $0xFFFFFFD8  }
0x178: {  	[spmem:s2] =	stream.indirect.scatter.add.f32 [tilespmem:s12], [sflag:$0x7], $0x80, s6, s24, $0xb8;
	[tilespmem:$0x1ED80] =	vst v63  }
0x179: {  	p1 =	sgt.u32 s31, $0x3C;
	s1 =	sadd.s32 s5, s1  }
0x17a: {  	[tilespmem:s20], [sflag:$0x6] =	stream.linear.gather [hbm4b:s1+s3], $0x1400, $0x38;
	[tilespmem:$0x1ED80] =	vst v63  }
0x17b: {  	s8 =	simm.s32 @!p1 $0x28;
	s9 =	simm.s32 @!p1 $0x5100;
	s1 =	sadd.s32 @!p1 $0x78, s0  }
0x17c: {  	[tilespmem:s9], [sflag:$0x5] =	stream.indirect.gather @!p1 [hbm4b:s14+s8], $0x80, s1, s8, $0xb8;
	[tilespmem:$0x1ED80] =	vst v63  }
0x17d: {  	s0 =	sadd.s32 @!p1 $0x1478, s0;
	s9 =	simm.s32 @!p1 $0x6500  }
0x17e: {  	[tilespmem:s9], [sflag:$0x5] =	stream.indirect.gather @!p1 [hbm4b:s14+s8], $0x80, s0, s8, $0xb8;
	[tilespmem:$0x1ED80] =	vst v63  }
0x17f: {  	s0 =	sadd.s32 @!p1 s15, s1  }
0x180: {  	s1 =	sadd.s32 @!p1 s16, s1;
	s8 =	simm.s32 @!p1 $0x0;
	s0 =	sshrl.u32 @!p1 s0, $0x3  }
.Ltmp8:
0x181: {  	s9 =	simm.s32 @!p1 $0x2880;
	s0 =	sadd.s32 @!p1 s4, s0;
	(pc) =	sbr.rel .LBB2_10-.Ltmp8, $4  }
0x182: {  	[tilespmem:s9], [sflag:$0x3] =	stream.linear.gather @!p1 [hbm4b:s0+s8], $0x28, $0x38;
	[tilespmem:$0x1ED80] =	vst v63  }
0x183: {  	s0 =	sshrl.u32 @!p1 s1, $0x3  }
0x184: {  	s1 =	simm.s32 @!p1 $0x28A8;
	s0 =	sadd.s32 @!p1 s4, s0  }
0x185: {  	[tilespmem:s1], [sflag:$0x3] =	stream.linear.gather @!p1 [hbm4b:s0+s8], $0x28, $0x38;
	[tilespmem:$0x1ED80] =	vst v63  }
.LBB2_12:
0x186: {  	_ =	sfence.sel $0x180000  }
0x187: {  	[bflag:$0x0] =	sbarrier.arrive $0xFFFF  }
0x188: {  	_ =	strace $0x90000047  }
0x189: {  	s0 =	stileid.u32;
	[bflag:$0x2] =	sbarrier.arrive $0xFFFF  }
0x18a: {  	p0 =	sne.s32 s0, $0x0;
	s0 =	rddreg [dreg:$0x3]  }
0x18b: {  	s0 =	sadd.s32 @!p0 $0x100000, s0  }
0x18c: {  	[sflag:s0] =	ssyncadd.tile.s32 @!p0 $0x1;
	_ =	shalt  }
.Lfunc_end2:
_tile_overlayer_lowered:
.L_overlay_start_2:
0x18d: {  	(tag) =	ssettag $0x2  }
0x18e: {  	s0 =	rddreg [dreg:$0x0];
	s2 =	stileid.u32  }
0x18f: {  	s1 =	rddreg [dreg:$0x1];
	p0 =	sne.s32 s2, $0x0  }
0x190: {  	s3 =	rddreg [dreg:$0x2];
	[bflag:$0x3] =	sbarrier.arrive $0xFFFF;
	s2 =	simm.s32 @!p0 $0x1C08  }
0x191: {  	[timem:s3], [sflag:s2] =	dma.local @!p0 [hbm:s0], s1  }
0x192: {  	s0 =	simm.s32 @!p0 $0x8  }
0x193: {  	_ =	swait.ge @!p0 [sflag:s0], s1  }
0x194: {  	s1 =	ssub.s32 @!p0 $0x0, s1;
	[sflag:s0] =	ssyncset.done @!p0 $0x0  }
0x195: {  	[sflag:s0] =	ssyncadd.s32 @!p0 s1  }
0x196: {  	[bflag:$0x3] =	sbarrier.arrive $0xFFFF  }
0x197: {  	_ =	shalt  }

</sc_bundles>
